<compile_context>
chip_gen: v7x
topology: tpu7x:2x2x1
jax: 0.10.2.dev20260603
libtpu: 0.0.44.dev20260713+nightly
codegen_flags: <defaults>
</compile_context>

<pallas_src>
import functools

import jax
import jax.numpy as jnp
from jax import lax
from jax.experimental import pallas as pl
from jax.experimental.pallas import tpu as pltpu
from jax.experimental.pallas import tpu_sc as plsc

N = 10000
E = 160000
D = 256
C = 8

NC = 2
NS = 16
NW = NC * NS
CHK = 128
NCHUNK = E // CHK
KMAX = (NCHUNK + NW - 1) // NW
RCH = 40
OCH = 2000

EB = 1600
NEB = E // EB
NB = 1000


def _fill(ref, value, n):
    vec = jnp.full((16,), value, dtype=ref.dtype)

    def body(i, _):
        ref[pl.ds(i * 16, 16)] = vec
        return 0

    lax.fori_loop(0, n // 16, body, 0)
    if n % 16:
        ref[pl.ds(n - 16, 16)] = vec


def _fill2d(ref, value, rows, cols):
    vec = jnp.full((16,), value, dtype=ref.dtype)

    def body(i, _):
        r = i // (cols // 16)
        k = i % (cols // 16)
        ref[r, pl.ds(k * 16, 16)] = vec
        return 0

    lax.fori_loop(0, rows * (cols // 16), body, 0)


def _k1_body(nf, wq, wk, bq, qk_out):
    q = lax.dot_general(nf[...], wq[...], (((1,), (1,)), ((), ())),
                        preferred_element_type=jnp.float32) + bq[...]
    qk = lax.dot_general(q, wk[...], (((1,), (0,)), ((), ())),
                         preferred_element_type=jnp.float32)
    qk_out[...] = qk * (D ** -0.5)


def _k1(node_feat, W_q, W_k, b_q):
    return pl.pallas_call(
        _k1_body,
        grid=(N // NB,),
        in_specs=[
            pl.BlockSpec((NB, D), lambda i: (i, 0)),
            pl.BlockSpec((D, D), lambda i: (0, 0)),
            pl.BlockSpec((D, D), lambda i: (0, 0)),
            pl.BlockSpec((1, D), lambda i: (0, 0)),
        ],
        out_specs=pl.BlockSpec((NB, D), lambda i: (i, 0)),
        out_shape=jax.ShapeDtypeStruct((N, D), jnp.float32),
    )(node_feat, W_q, W_k, b_q)


def _k2_kernel(qk_hbm, src_hbm, g_hbm, idx_v, rows_v, sem):
    c = lax.axis_index("c")
    s = lax.axis_index("s")
    w = s * NC + c

    def body(k, _):
        j = w + k * NW

        @pl.when(j < NCHUNK)
        def _():
            off = j * CHK
            pltpu.sync_copy(src_hbm.at[pl.ds(off, CHK)], idx_v)
            pltpu.async_copy(qk_hbm.at[idx_v], rows_v, sem).wait()
            pltpu.sync_copy(rows_v, g_hbm.at[pl.ds(off, CHK)])
        return 0

    lax.fori_loop(0, KMAX, body, 0)


def _k2(qk, src):
    mesh = plsc.VectorSubcoreMesh(core_axis_name="c", subcore_axis_name="s")
    f = pl.kernel(
        _k2_kernel, mesh=mesh,
        out_type=jax.ShapeDtypeStruct((E, D), jnp.float32),
        scratch_types=[
            pltpu.VMEM((CHK,), jnp.int32),
            pltpu.VMEM((CHK, D), jnp.float32),
            pltpu.SemaphoreType.DMA,
        ],
    )
    return f(qk, src)


def _k3_body(t, g, ce, src3, attn_out, seg_out, m_out, m_ref):
    i = pl.program_id(0)
    tb = t[...]
    attn = jnp.sum(g[...] * tb, axis=-1)
    sim = lax.dot_general(tb, ce[...], (((1,), (1,)), ((), ())),
                          preferred_element_type=jnp.float32)
    mx = jnp.max(sim, axis=-1, keepdims=True)
    iota = lax.broadcasted_iota(jnp.int32, (EB, C), 1)
    assign = jnp.min(jnp.where(sim == mx, iota, C), axis=-1)
    attn_out[...] = attn[None, None, :]
    seg_out[...] = (src3[0, 0, :] * C + assign)[None, None, :]
    bm = jnp.max(attn)

    @pl.when(i == 0)
    def _():
        m_ref[0, 0] = bm

    @pl.when(i > 0)
    def _():
        m_ref[0, 0] = jnp.maximum(m_ref[0, 0], bm)

    m_out[0, 0] = m_ref[0, 0]


def _k3(time_feat, G, cluster_emb, src3):
    return pl.pallas_call(
        _k3_body,
        grid=(NEB,),
        in_specs=[
            pl.BlockSpec((EB, D), lambda i: (i, 0)),
            pl.BlockSpec((EB, D), lambda i: (i, 0)),
            pl.BlockSpec((C, D), lambda i: (0, 0)),
            pl.BlockSpec((1, 1, EB), lambda i: (i, 0, 0)),
        ],
        out_specs=[
            pl.BlockSpec((1, 1, EB), lambda i: (i, 0, 0)),
            pl.BlockSpec((1, 1, EB), lambda i: (i, 0, 0)),
            pl.BlockSpec(memory_space=pltpu.SMEM),
        ],
        out_shape=[
            jax.ShapeDtypeStruct((NEB, 1, EB), jnp.float32),
            jax.ShapeDtypeStruct((NEB, 1, EB), jnp.int32),
            jax.ShapeDtypeStruct((1, 1), jnp.float32),
        ],
        scratch_shapes=[pltpu.SMEM((1, 1), jnp.float32)],
    )(time_feat, G, cluster_emb, src3)


def _k3b_body(attn, m, out):
    out[...] = jnp.exp(attn[...] - m[0, 0])


def _k3b(attn3, M):
    return pl.pallas_call(
        _k3b_body,
        grid=(NEB,),
        in_specs=[
            pl.BlockSpec((1, 1, EB), lambda i: (i, 0, 0)),
            pl.BlockSpec(memory_space=pltpu.SMEM),
        ],
        out_specs=pl.BlockSpec((1, 1, EB), lambda i: (i, 0, 0)),
        out_shape=jax.ShapeDtypeStruct((NEB, 1, EB), jnp.float32),
    )(attn3, M)


def _k4_kernel(seg_hbm, expv_hbm, s_out, c_out,
               seg_v, val_v, ones_v, zb_v, s_tab, c_tab):
    c = lax.axis_index("c")
    s = lax.axis_index("s")
    w = s * NC + c
    _fill(ones_v, 1.0, CHK)
    _fill(zb_v, 0.0, OCH)
    nzch = (N * C) // OCH

    def zbody(k, _):
        j = s + k * NS

        @pl.when(j < nzch)
        def _():
            pltpu.sync_copy(zb_v, s_tab.at[pl.ds(j * OCH, OCH)])
            pltpu.sync_copy(zb_v, c_tab.at[pl.ds(j * OCH, OCH)])
        return 0

    lax.fori_loop(0, (nzch + NS - 1) // NS, zbody, 0)
    plsc.subcore_barrier()

    def body(k, _):
        j = w + k * NW

        @pl.when(j < NCHUNK)
        def _():
            off = j * CHK
            pltpu.sync_copy(seg_hbm.at[pl.ds(off, CHK)], seg_v)
            pltpu.sync_copy(expv_hbm.at[pl.ds(off, CHK)], val_v)
            pltpu.sync_copy(val_v, s_tab.at[seg_v], add=True)
            pltpu.sync_copy(ones_v, c_tab.at[seg_v], add=True)
        return 0

    lax.fori_loop(0, KMAX, body, 0)
    plsc.subcore_barrier()

    def obody(k, _):
        j = s + k * NS

        @pl.when(j < nzch)
        def _():
            pltpu.sync_copy(s_tab.at[pl.ds(j * OCH, OCH)], zb_v)
            pltpu.sync_copy(zb_v, s_out.at[pl.ds(c * (N * C) + j * OCH, OCH)])
            pltpu.sync_copy(c_tab.at[pl.ds(j * OCH, OCH)], zb_v)
            pltpu.sync_copy(zb_v, c_out.at[pl.ds(c * (N * C) + j * OCH, OCH)])
        return 0

    lax.fori_loop(0, (nzch + NS - 1) // NS, obody, 0)


def _k4(seg, expv):
    mesh = plsc.VectorSubcoreMesh(core_axis_name="c", subcore_axis_name="s")
    f = pl.kernel(
        _k4_kernel, mesh=mesh,
        out_type=[
            jax.ShapeDtypeStruct((NC * N * C,), jnp.float32),
            jax.ShapeDtypeStruct((NC * N * C,), jnp.float32),
        ],
        scratch_types=[
            pltpu.VMEM((CHK,), jnp.int32),
            pltpu.VMEM((CHK,), jnp.float32),
            pltpu.VMEM((CHK,), jnp.float32),
            pltpu.VMEM((OCH,), jnp.float32),
            pltpu.VMEM_SHARED((N * C,), jnp.float32),
            pltpu.VMEM_SHARED((N * C,), jnp.float32),
        ],
    )
    return f(seg, expv)


def _k5_body(s2, c2, factor_out, w_out):
    s = s2[0] + s2[1]
    cnt = c2[0] + c2[1]
    nonempty = (jnp.max(cnt, axis=0) > 0).astype(jnp.float32)
    n_ne = jnp.sum(nonempty)
    safe_s = jnp.where(s > 0, s, 1.0)
    safe_c = jnp.maximum(cnt, 1.0)
    factor_out[...] = 1.0 / (safe_s * safe_c * n_ne)
    w = jnp.sum(jnp.where(cnt > 0, 1.0 / safe_c, 0.0), axis=1) / n_ne
    w_out[...] = jnp.broadcast_to(w[:, None], (N, C))


def _k5(s2, c2):
    return pl.pallas_call(
        _k5_body,
        out_shape=[
            jax.ShapeDtypeStruct((N, C), jnp.float32),
            jax.ShapeDtypeStruct((N, C), jnp.float32),
        ],
    )(s2, c2)


def _k5b_body(factor, out):
    fb = factor[...]
    rep = jnp.broadcast_to(fb[:, :, None], (NB, C, 128)).reshape(NB, C * 128)
    lane = lax.broadcasted_iota(jnp.int32, (NB, C * 128), 1)
    out[...] = jnp.where(lane % 128 == 0, rep, 0.0)


def _k5b(factor):
    return pl.pallas_call(
        _k5b_body,
        grid=(N // NB,),
        in_specs=[pl.BlockSpec((NB, C), lambda i: (i, 0))],
        out_specs=pl.BlockSpec((NB, C * 128), lambda i: (i, 0)),
        out_shape=jax.ShapeDtypeStruct((N, C * 128), jnp.float32),
    )(factor)


def _k6a_kernel(ftab_hbm, seg_hbm, f_hbm, seg_v, rows_v, sem):
    c = lax.axis_index("c")
    s = lax.axis_index("s")
    w = s * NC + c

    def body(k, _):
        j = w + k * NW

        @pl.when(j < NCHUNK)
        def _():
            off = j * CHK
            pltpu.sync_copy(seg_hbm.at[pl.ds(off, CHK)], seg_v)
            pltpu.async_copy(ftab_hbm.at[seg_v], rows_v, sem).wait()
            pltpu.sync_copy(rows_v, f_hbm.at[pl.ds(off, CHK)])
        return 0

    lax.fori_loop(0, KMAX, body, 0)


def _k6a(ftab, seg):
    mesh = plsc.VectorSubcoreMesh(core_axis_name="c", subcore_axis_name="s")
    f = pl.kernel(
        _k6a_kernel, mesh=mesh,
        out_type=jax.ShapeDtypeStruct((E, 128), jnp.float32),
        scratch_types=[
            pltpu.VMEM((CHK,), jnp.int32),
            pltpu.VMEM((CHK, 128), jnp.float32),
            pltpu.SemaphoreType.DMA,
        ],
    )
    return f(ftab, seg)


def _k6b_body(t, expv, f, w0, w1):
    cvec = expv[0, 0, :][:, None] * f[:, 0:1]
    wt = t[...] * cvec
    w0[...] = wt[:, 0 * QD:1 * QD]
    w1[...] = wt[:, 1 * QD:2 * QD]


def _k6b(time_feat, expv3, f3):
    return pl.pallas_call(
        _k6b_body,
        grid=(NEB,),
        in_specs=[
            pl.BlockSpec((EB, D), lambda i: (i, 0)),
            pl.BlockSpec((1, 1, EB), lambda i: (i, 0, 0)),
            pl.BlockSpec((EB, 128), lambda i: (i, 0)),
        ],
        out_specs=[pl.BlockSpec((EB, QD), lambda i: (i, 0))] * NQ,
        out_shape=[jax.ShapeDtypeStruct((E, QD), jnp.float32)] * NQ,
    )(time_feat, expv3, f3)


QD = D // 2
NQ = 2


def _k7_kernel(wt0, wt1, src_hbm, t_out, idx_v, wt_v, st_v, t_tab):
    wts = (wt0, wt1)
    c = lax.axis_index("c")
    s = lax.axis_index("s")
    w = s * NC + c
    nrch = N // RCH
    for h in range(NQ):
        wt_hbm = wts[h]
        _fill2d(st_v, 0.0, RCH, QD)

        def zbody(k, _):
            j = s + k * NS

            @pl.when(j < nrch)
            def _():
                pltpu.sync_copy(st_v, t_tab.at[pl.ds(j * RCH, RCH)])
            return 0

        lax.fori_loop(0, (nrch + NS - 1) // NS, zbody, 0)
        plsc.subcore_barrier()

        def body(k, _):
            j = w + k * NW

            @pl.when(j < NCHUNK)
            def _():
                off = j * CHK
                pltpu.sync_copy(src_hbm.at[pl.ds(off, CHK)], idx_v)
                pltpu.sync_copy(wt_hbm.at[pl.ds(off, CHK)], wt_v)
                pltpu.sync_copy(wt_v, t_tab.at[idx_v], add=True)
            return 0

        lax.fori_loop(0, KMAX, body, 0)
        plsc.subcore_barrier()

        def obody(k, _):
            j = s + k * NS

            @pl.when(j < nrch)
            def _():
                pltpu.sync_copy(t_tab.at[pl.ds(j * RCH, RCH)], st_v)
                pltpu.sync_copy(st_v, t_out.at[h, c, pl.ds(j * RCH, RCH)])
            return 0

        lax.fori_loop(0, (nrch + NS - 1) // NS, obody, 0)
        plsc.subcore_barrier()


def _k7(wt4, src):
    mesh = plsc.VectorSubcoreMesh(core_axis_name="c", subcore_axis_name="s")
    f = pl.kernel(
        _k7_kernel, mesh=mesh,
        out_type=jax.ShapeDtypeStruct((NQ, NC, N, QD), jnp.float32),
        scratch_types=[
            pltpu.VMEM((CHK,), jnp.int32),
            pltpu.VMEM((CHK, QD), jnp.float32),
            pltpu.VMEM((RCH, QD), jnp.float32),
            pltpu.VMEM_SHARED((N, QD), jnp.float32),
        ],
    )
    return f(*wt4, src)


def _k8_body(tt, w, wv, bv, wo, bo, out):
    t = jnp.concatenate([tt[q, 0] + tt[q, 1] for q in range(NQ)], axis=-1)
    combined = lax.dot_general(t, wv[...], (((1,), (1,)), ((), ())),
                               preferred_element_type=jnp.float32)
    combined = combined + w[:, 0:1] * bv[...]
    o = lax.dot_general(combined, wo[...], (((1,), (1,)), ((), ())),
                        preferred_element_type=jnp.float32) + bo[...]
    out[...] = jnp.maximum(o, 0.0)


def _k8(T4, w, W_v, b_v, W_o, b_o):
    return pl.pallas_call(
        _k8_body,
        grid=(N // NB,),
        in_specs=[
            pl.BlockSpec((NQ, NC, NB, QD), lambda i: (0, 0, i, 0)),
            pl.BlockSpec((NB, C), lambda i: (i, 0)),
            pl.BlockSpec((D, D), lambda i: (0, 0)),
            pl.BlockSpec((1, D), lambda i: (0, 0)),
            pl.BlockSpec((D, D), lambda i: (0, 0)),
            pl.BlockSpec((1, D), lambda i: (0, 0)),
        ],
        out_specs=pl.BlockSpec((NB, D), lambda i: (i, 0)),
        out_shape=jax.ShapeDtypeStruct((N, D), jnp.float32),
    )(T4, w, W_v, b_v, W_o, b_o)


def kernel(node_feat, time_feat, context_feat, W_q, b_q, W_k, b_k, W_v, b_v,
           cluster_emb, W_o, b_o, edge_index):
    src = jnp.asarray(edge_index[0], jnp.int32)
    src3 = src.reshape(NEB, 1, EB)
    b_q2 = b_q.reshape(1, D)
    b_v2 = b_v.reshape(1, D)
    b_o2 = b_o.reshape(1, D)

    qk = _k1(node_feat, W_q, W_k, b_q2)
    G = _k2(qk, src)
    attn3, seg3, M = _k3(time_feat, G, cluster_emb, src3)
    expv3 = _k3b(attn3, M)
    seg = seg3.reshape(E)
    expv = expv3.reshape(E)
    s2, c2 = _k4(seg, expv)
    factor, w = _k5(s2.reshape(NC, N, C), c2.reshape(NC, N, C))
    f16 = _k6a(_k5b(factor).reshape(N * C, 128), seg)
    wt4 = _k6b(time_feat, expv3, f16)
    T4 = _k7(wt4, src)
    return _k8(T4, w, W_v, b_v2, W_o, b_o2)

# --- scband reference (transcript-rebuilt; emitter-appended) ---
"""Pipeline reference for scband-hierarchical-time-attention-30872224923943 (READ-ONLY COPY).

The authoritative reference and input builder live on the scoring server;
editing this copy changes nothing except your own understanding.
"""

import jax, jax.numpy as jnp
import numpy as np

N = 10000
E = 160000
D = 256
C = 8


def setup_inputs(seed: int = 0) -> dict:
    key = jax.random.key(seed)
    ks = jax.random.split(key, 12)
    s = 1.0 / np.sqrt(D)
    return {
        "node_feat": jax.random.normal(ks[0], (N, D), dtype=jnp.float32),
        "time_feat": jax.random.normal(ks[1], (E, D), dtype=jnp.float32),
        "context_feat": jax.random.normal(ks[2], (N, D), dtype=jnp.float32),
        "W_q": jax.random.normal(ks[3], (D, D), dtype=jnp.float32) * s,
        "b_q": jnp.zeros((D,), dtype=jnp.float32),
        "W_k": jax.random.normal(ks[4], (D, D), dtype=jnp.float32) * s,
        "b_k": jnp.zeros((D,), dtype=jnp.float32),
        "W_v": jax.random.normal(ks[5], (D, D), dtype=jnp.float32) * s,
        "b_v": jnp.zeros((D,), dtype=jnp.float32),
        "cluster_emb": jax.random.normal(ks[6], (C, D), dtype=jnp.float32),
        "W_o": jax.random.normal(ks[7], (D, D), dtype=jnp.float32) * s,
        "b_o": jnp.zeros((D,), dtype=jnp.float32),
        "edge_index": jax.random.randint(ks[8], (2, E), 0, N, dtype=jnp.int64 if jax.config.jax_enable_x64 else jnp.int32),
    }


def reference(node_feat, time_feat, context_feat, W_q, b_q, W_k, b_k, W_v, b_v, cluster_emb, W_o, b_o, edge_index):
    n_nodes = node_feat.shape[0]
    d = node_feat.shape[1]
    n_clusters = cluster_emb.shape[0]
    scaling = d ** (-0.5)
    q = node_feat @ W_q.T + b_q
    k = time_feat @ W_k.T + b_k
    v = time_feat @ W_v.T + b_v
    sim = (time_feat @ cluster_emb.T) * scaling
    cluster_weights = jax.nn.softmax(sim, axis=-1)
    assign = jnp.argmax(cluster_weights, axis=-1)
    src = edge_index[0]
    q_i = q[src]
    attn = jnp.sum(q_i * k, axis=-1) * scaling
    acc = jnp.zeros((n_nodes, d), dtype=q.dtype)
    n_nonempty = jnp.asarray(0.0, dtype=q.dtype)
    for i in range(n_clusters):
        mask = assign == i
        maskf = mask.astype(q.dtype)
        # scatter_softmax over masked entries grouped by src node
        masked_attn = jnp.where(mask, attn, -jnp.inf)
        seg_max = jax.ops.segment_max(masked_attn, src, num_segments=n_nodes)
        seg_max = jnp.where(jnp.isfinite(seg_max), seg_max, 0.0)
        shifted = jnp.where(mask, attn - seg_max[src], 0.0)
        exp_v = jnp.where(mask, jnp.exp(shifted), 0.0)
        denom = jax.ops.segment_sum(exp_v, src, num_segments=n_nodes)
        safe_denom = jnp.where(denom > 0, denom, 1.0)
        weights = exp_v / safe_denom[src]
        weighted = v * (weights * maskf)[:, None]
        # scatter_mean with dim_size=n_nodes (divide by count, clamped to >=1)
        seg_sum = jax.ops.segment_sum(weighted, src, num_segments=n_nodes)
        count = jax.ops.segment_sum(maskf, src, num_segments=n_nodes)
        cluster_out = seg_sum / jnp.maximum(count, 1.0)[:, None]
        acc = acc + cluster_out
        n_nonempty = n_nonempty + (jnp.sum(maskf) > 0).astype(q.dtype)
    combined = acc / n_nonempty
    return jax.nn.relu(combined @ W_o.T + b_o)

if __name__ == "__main__":
    import jax
    _d = setup_inputs()
    print(jax.jit(kernel)(*tuple(_d.values())))

</pallas_src>

<mosaic_0001>
#map = affine_map<(d0, d1) -> (0, 0)>
#map1 = affine_map<(d0, d1) -> (0)>
module attributes {stable_mosaic.version = 14 : i64} {
  func.func @_k2_kernel(%arg0: i32, %arg1: i32, %arg2: memref<10000x256xf32, #tpu.memory_space<hbm>>, %arg3: memref<160000xi32, #tpu.memory_space<hbm>>, %arg4: memref<160000x256xf32, #tpu.memory_space<hbm>>, %arg5: memref<128xi32, #tpu.memory_space<vmem>>, %arg6: memref<128x256xf32, #tpu.memory_space<vmem>>, %arg7: memref<!tpu.dma_semaphore, #tpu.memory_space<semaphore_mem>>) attributes {dimension_semantics = [#tpu.dimension_semantics<core_parallel>, #tpu.dimension_semantics<subcore_parallel>], iteration_bounds = array<i64: 2, 16>, scalar_prefetch = 0 : i64, scratch_operands = 3 : i64, tpu.core_type = #tpu.core_type<sc_vector_subcore>, window_params = [{transform_indices = #map}, {transform_indices = #map1}, {transform_indices = #map}]} {
    %mul3A = arith.constant 2 : i32
    %mul3A_0 = arith.muli %arg1, %mul3A : i32
    %add3A = arith.addi %mul3A_0, %arg0 : i32
    %scan3A = arith.constant 0 : i32
    %scan3A_1 = arith.constant 0 : i32
    %scan3A_2 = arith.constant 40 : i32
    %scan3A_3 = arith.addi %scan3A_1, %scan3A_2 : i32
    %scan3A_4 = arith.constant 1 : i32
    %scan3A_5 = scf.for %scan3A_7 = %scan3A_1 to %scan3A_3 step %scan3A_4 iter_args(%scan3A_8 = %scan3A) -> (i32)  : i32 {
      %mul3A_9 = arith.constant 32 : i32
      %mul3A_10 = arith.muli %scan3A_7, %mul3A_9 : i32
      %add3A_11 = arith.addi %add3A, %mul3A_10 : i32
      %lt3A = arith.constant 1250 : i32
      %lt3A_12 = arith.cmpi slt, %add3A_11, %lt3A : i32
      %convert_element_type3A = arith.extui %lt3A_12 : i1 to i32
      %cond3A = arith.constant 0 : i32
      %cond3A_13 = arith.cmpi ne, %convert_element_type3A, %cond3A : i32
      scf.if %cond3A_13 {
        %mul3A_15 = arith.constant 128 : i32
        %mul3A_16 = arith.muli %add3A_11, %mul3A_15 : i32
        "tpu.region"() ({
          %run_scoped3A = tpu.sem_alloc : memref<!tpu.dma_semaphore, #tpu.memory_space<semaphore_mem>>
          %dma_start3A_21 = tpu.memref_slice %arg3[%mul3A_16] : memref<160000xi32, #tpu.memory_space<hbm>> -> memref<128xi32, #tpu.memory_space<hbm>>
          %dma_start3A_22 = tpu.memref_slice %arg3[%mul3A_16] : memref<160000xi32, #tpu.memory_space<hbm>> -> memref<128xi32, #tpu.memory_space<hbm>>
          tpu.enqueue_dma source(%dma_start3A_22 : memref<128xi32, #tpu.memory_space<hbm>>) target(%arg5 : memref<128xi32, #tpu.memory_space<vmem>>) target_semaphore(%run_scoped3A : memref<!tpu.dma_semaphore, #tpu.memory_space<semaphore_mem>>)
          %dma_wait3A_23 = tpu.memref_slice %arg3[%mul3A_16] : memref<160000xi32, #tpu.memory_space<hbm>> -> memref<128xi32, #tpu.memory_space<hbm>>
          %dma_wait3A_24 = tpu.memref_slice %arg3[%mul3A_16] : memref<160000xi32, #tpu.memory_space<hbm>> -> memref<128xi32, #tpu.memory_space<hbm>>
          tpu.wait_dma2 semaphore(%run_scoped3A : memref<!tpu.dma_semaphore, #tpu.memory_space<semaphore_mem>>) src(%dma_wait3A_24 : memref<128xi32, #tpu.memory_space<hbm>>) dst(%arg5 : memref<128xi32, #tpu.memory_space<vmem>>)
          tpu.yield
        }) : () -> ()
        %dma_start3A = arith.constant 0 : i32
        %dma_start3A_17 = arith.constant 0 : i32
        %dma_start3A_18 = tpu.memref_slice %arg2[%dma_start3A, %dma_start3A_17] : memref<10000x256xf32, #tpu.memory_space<hbm>> -> memref<10000x256xf32, #tpu.memory_space<hbm>>
        tpu.enqueue_indirect_dma source(%dma_start3A_18 : memref<10000x256xf32, #tpu.memory_space<hbm>>) target(%arg6 : memref<128x256xf32, #tpu.memory_space<vmem>>) offsets(%arg5 : memref<128xi32, #tpu.memory_space<vmem>>) semaphore(%arg7 : memref<!tpu.dma_semaphore, #tpu.memory_space<semaphore_mem>>)
        %dma_wait3A = arith.constant 0 : i32
        %dma_wait3A_19 = arith.constant 0 : i32
        %dma_wait3A_20 = tpu.memref_slice %arg2[%dma_wait3A, %dma_wait3A_19] : memref<10000x256xf32, #tpu.memory_space<hbm>> -> memref<10000x256xf32, #tpu.memory_space<hbm>>
        tpu.wait_indirect_dma semaphore(%arg7 : memref<!tpu.dma_semaphore, #tpu.memory_space<semaphore_mem>>) src(%dma_wait3A_20 : memref<10000x256xf32, #tpu.memory_space<hbm>>) dst(%arg6 : memref<128x256xf32, #tpu.memory_space<vmem>>)
        "tpu.region"() ({
          %run_scoped3A = tpu.sem_alloc : memref<!tpu.dma_semaphore, #tpu.memory_space<semaphore_mem>>
          %dma_start3A_21 = arith.constant 0 : i32
          %dma_start3A_22 = tpu.memref_slice %arg4[%mul3A_16, %dma_start3A_21] : memref<160000x256xf32, #tpu.memory_space<hbm>> -> memref<128x256xf32, #tpu.memory_space<hbm>>
          %dma_start3A_23 = arith.constant 0 : i32
          %dma_start3A_24 = tpu.memref_slice %arg4[%mul3A_16, %dma_start3A_23] : memref<160000x256xf32, #tpu.memory_space<hbm>> -> memref<128x256xf32, #tpu.memory_space<hbm>>
          tpu.enqueue_dma source(%arg6 : memref<128x256xf32, #tpu.memory_space<vmem>>) target(%dma_start3A_24 : memref<128x256xf32, #tpu.memory_space<hbm>>) target_semaphore(%run_scoped3A : memref<!tpu.dma_semaphore, #tpu.memory_space<semaphore_mem>>)
          %dma_wait3A_25 = arith.constant 0 : i32
          %dma_wait3A_26 = tpu.memref_slice %arg4[%mul3A_16, %dma_wait3A_25] : memref<160000x256xf32, #tpu.memory_space<hbm>> -> memref<128x256xf32, #tpu.memory_space<hbm>>
          %dma_wait3A_27 = arith.constant 0 : i32
          %dma_wait3A_28 = tpu.memref_slice %arg4[%mul3A_16, %dma_wait3A_27] : memref<160000x256xf32, #tpu.memory_space<hbm>> -> memref<128x256xf32, #tpu.memory_space<hbm>>
          tpu.wait_dma2 semaphore(%run_scoped3A : memref<!tpu.dma_semaphore, #tpu.memory_space<semaphore_mem>>) src(%arg6 : memref<128x256xf32, #tpu.memory_space<vmem>>) dst(%dma_wait3A_28 : memref<128x256xf32, #tpu.memory_space<hbm>>)
          tpu.yield
        }) : () -> ()
      } else {
      }
      %scan3A_14 = arith.constant 0 : i32
      scf.yield %scan3A_14 : i32
    }
    %scan3A_6 = arith.constant 40 : i32
    return
  }
}

#map = affine_map<(d0, d1) -> (0)>
module attributes {stable_mosaic.version = 14 : i64} {
  func.func @_k4_kernel(%arg0: i32, %arg1: i32, %arg2: memref<160000xi32, #tpu.memory_space<hbm>>, %arg3: memref<160000xf32, #tpu.memory_space<hbm>>, %arg4: memref<160000xf32, #tpu.memory_space<hbm>>, %arg5: memref<160000xf32, #tpu.memory_space<hbm>>, %arg6: memref<128xi32, #tpu.memory_space<vmem>>, %arg7: memref<128xf32, #tpu.memory_space<vmem>>, %arg8: memref<128xf32, #tpu.memory_space<vmem>>, %arg9: memref<2000xf32, #tpu.memory_space<vmem>>, %arg10: memref<80000xf32, #tpu.memory_space<vmem_shared>>, %arg11: memref<80000xf32, #tpu.memory_space<vmem_shared>>) attributes {dimension_semantics = [#tpu.dimension_semantics<core_parallel>, #tpu.dimension_semantics<subcore_parallel>], iteration_bounds = array<i64: 2, 16>, scalar_prefetch = 0 : i64, scratch_operands = 6 : i64, tpu.core_type = #tpu.core_type<sc_vector_subcore>, window_params = [{transform_indices = #map}, {transform_indices = #map}, {transform_indices = #map}, {transform_indices = #map}]} {
    %mul3A = arith.constant 2 : i32
    %mul3A_0 = arith.muli %arg1, %mul3A : i32
    %add3A = arith.addi %mul3A_0, %arg0 : i32
    %broadcast_in_dim3A = arith.constant 1.000000e+00 : f32
    %broadcast_in_dim3A_1 = vector.broadcast %broadcast_in_dim3A : f32 to vector<16xf32>
    %scan3A = arith.constant 0 : i32
    %scan3A_2 = arith.constant 0 : i32
    %scan3A_3 = arith.constant 8 : i32
    %scan3A_4 = arith.addi %scan3A_2, %scan3A_3 : i32
    %scan3A_5 = arith.constant 1 : i32
    %scan3A_6 = scf.for %scan3A_39 = %scan3A_2 to %scan3A_4 step %scan3A_5 iter_args(%scan3A_40 = %scan3A) -> (i32)  : i32 {
      %mul3A_41 = arith.constant 16 : i32
      %mul3A_42 = arith.muli %scan3A_39, %mul3A_41 : i32
      %swap3A = arith.index_cast %mul3A_42 : i32 to index
      %swap3A_43 = tpu.vector_load %arg8[%swap3A] {strides = array<i32>} : memref<128xf32, #tpu.memory_space<vmem>>, vector<16xf32>,
      %swap3A_44 = vector.shape_cast %swap3A_43 : vector<16xf32> to vector<16xf32>
      %swap3A_45 = vector.shape_cast %broadcast_in_dim3A_1 : vector<16xf32> to vector<16xf32>
      tpu.vector_store %arg8[%swap3A], %swap3A_45 {strides = array<i32>} : memref<128xf32, #tpu.memory_space<vmem>>, vector<16xf32>,
      %scan3A_46 = arith.constant 0 : i32
      scf.yield %scan3A_46 : i32
    }
    %scan3A_7 = arith.constant 8 : i32
    %broadcast_in_dim3A_8 = arith.constant 0.000000e+00 : f32
    %broadcast_in_dim3A_9 = vector.broadcast %broadcast_in_dim3A_8 : f32 to vector<16xf32>
    %scan3A_10 = arith.constant 0 : i32
    %scan3A_11 = arith.constant 0 : i32
    %scan3A_12 = arith.constant 125 : i32
    %scan3A_13 = arith.addi %scan3A_11, %scan3A_12 : i32
    %scan3A_14 = arith.constant 1 : i32
    %scan3A_15 = scf.for %scan3A_39 = %scan3A_11 to %scan3A_13 step %scan3A_14 iter_args(%scan3A_40 = %scan3A_10) -> (i32)  : i32 {
      %mul3A_41 = arith.constant 16 : i32
      %mul3A_42 = arith.muli %scan3A_39, %mul3A_41 : i32
      %swap3A = arith.index_cast %mul3A_42 : i32 to index
      %swap3A_43 = tpu.vector_load %arg9[%swap3A] {strides = array<i32>} : memref<2000xf32, #tpu.memory_space<vmem>>, vector<16xf32>,
      %swap3A_44 = vector.shape_cast %swap3A_43 : vector<16xf32> to vector<16xf32>
      %swap3A_45 = vector.shape_cast %broadcast_in_dim3A_9 : vector<16xf32> to vector<16xf32>
      tpu.vector_store %arg9[%swap3A], %swap3A_45 {strides = array<i32>} : memref<2000xf32, #tpu.memory_space<vmem>>, vector<16xf32>,
      %scan3A_46 = arith.constant 0 : i32
      scf.yield %scan3A_46 : i32
    }
    %scan3A_16 = arith.constant 125 : i32
    %scan3A_17 = arith.constant 0 : i32
    %scan3A_18 = arith.constant 0 : i32
    %scan3A_19 = arith.constant 3 : i32
    %scan3A_20 = arith.addi %scan3A_18, %scan3A_19 : i32
    %scan3A_21 = arith.constant 1 : i32
    %scan3A_22 = scf.for %scan3A_39 = %scan3A_18 to %scan3A_20 step %scan3A_21 iter_args(%scan3A_40 = %scan3A_17) -> (i32)  : i32 {
      %mul3A_41 = arith.constant 16 : i32
      %mul3A_42 = arith.muli %scan3A_39, %mul3A_41 : i32
      %add3A_43 = arith.addi %arg1, %mul3A_42 : i32
      %lt3A = arith.constant 40 : i32
      %lt3A_44 = arith.cmpi slt, %add3A_43, %lt3A : i32
      %convert_element_type3A = arith.extui %lt3A_44 : i1 to i32
      %cond3A = arith.constant 0 : i32
      %cond3A_45 = arith.cmpi ne, %convert_element_type3A, %cond3A : i32
      scf.if %cond3A_45 {
        %mul3A_47 = arith.constant 2000 : i32
        %mul3A_48 = arith.muli %add3A_43, %mul3A_47 : i32
        "tpu.region"() ({
          %run_scoped3A = tpu.sem_alloc : memref<!tpu.dma_semaphore, #tpu.memory_space<semaphore_mem>>
          %dma_start3A = tpu.memref_slice %arg10[%mul3A_48] : memref<80000xf32, #tpu.memory_space<vmem_shared>> -> memref<2000xf32, #tpu.memory_space<vmem_shared>>
          %dma_start3A_51 = tpu.memref_slice %arg10[%mul3A_48] : memref<80000xf32, #tpu.memory_space<vmem_shared>> -> memref<2000xf32, #tpu.memory_space<vmem_shared>>
          tpu.enqueue_dma source(%arg9 : memref<2000xf32, #tpu.memory_space<vmem>>) target(%dma_start3A_51 : memref<2000xf32, #tpu.memory_space<vmem_shared>>) target_semaphore(%run_scoped3A : memref<!tpu.dma_semaphore, #tpu.memory_space<semaphore_mem>>)
          %dma_wait3A = tpu.memref_slice %arg10[%mul3A_48] : memref<80000xf32, #tpu.memory_space<vmem_shared>> -> memref<2000xf32, #tpu.memory_space<vmem_shared>>
          %dma_wait3A_52 = tpu.memref_slice %arg10[%mul3A_48] : memref<80000xf32, #tpu.memory_space<vmem_shared>> -> memref<2000xf32, #tpu.memory_space<vmem_shared>>
          tpu.wait_dma2 semaphore(%run_scoped3A : memref<!tpu.dma_semaphore, #tpu.memory_space<semaphore_mem>>) src(%arg9 : memref<2000xf32, #tpu.memory_space<vmem>>) dst(%dma_wait3A_52 : memref<2000xf32, #tpu.memory_space<vmem_shared>>)
          tpu.yield
        }) : () -> ()
        %mul3A_49 = arith.constant 2000 : i32
        %mul3A_50 = arith.muli %add3A_43, %mul3A_49 : i32
        "tpu.region"() ({
          %run_scoped3A = tpu.sem_alloc : memref<!tpu.dma_semaphore, #tpu.memory_space<semaphore_mem>>
          %dma_start3A = tpu.memref_slice %arg11[%mul3A_50] : memref<80000xf32, #tpu.memory_space<vmem_shared>> -> memref<2000xf32, #tpu.memory_space<vmem_shared>>
          %dma_start3A_51 = tpu.memref_slice %arg11[%mul3A_50] : memref<80000xf32, #tpu.memory_space<vmem_shared>> -> memref<2000xf32, #tpu.memory_space<vmem_shared>>
          tpu.enqueue_dma source(%arg9 : memref<2000xf32, #tpu.memory_space<vmem>>) target(%dma_start3A_51 : memref<2000xf32, #tpu.memory_space<vmem_shared>>) target_semaphore(%run_scoped3A : memref<!tpu.dma_semaphore, #tpu.memory_space<semaphore_mem>>)
          %dma_wait3A = tpu.memref_slice %arg11[%mul3A_50] : memref<80000xf32, #tpu.memory_space<vmem_shared>> -> memref<2000xf32, #tpu.memory_space<vmem_shared>>
          %dma_wait3A_52 = tpu.memref_slice %arg11[%mul3A_50] : memref<80000xf32, #tpu.memory_space<vmem_shared>> -> memref<2000xf32, #tpu.memory_space<vmem_shared>>
          tpu.wait_dma2 semaphore(%run_scoped3A : memref<!tpu.dma_semaphore, #tpu.memory_space<semaphore_mem>>) src(%arg9 : memref<2000xf32, #tpu.memory_space<vmem>>) dst(%dma_wait3A_52 : memref<2000xf32, #tpu.memory_space<vmem_shared>>)
          tpu.yield
        }) : () -> ()
      } else {
      }
      %scan3A_46 = arith.constant 0 : i32
      scf.yield %scan3A_46 : i32
    }
    %scan3A_23 = arith.constant 3 : i32
    %barrier3A = arith.constant 0 : index
    tpu.barrier barrier_id(%barrier3A)
    %scan3A_24 = arith.constant 0 : i32
    %scan3A_25 = arith.constant 0 : i32
    %scan3A_26 = arith.constant 40 : i32
    %scan3A_27 = arith.addi %scan3A_25, %scan3A_26 : i32
    %scan3A_28 = arith.constant 1 : i32
    %scan3A_29 = scf.for %scan3A_39 = %scan3A_25 to %scan3A_27 step %scan3A_28 iter_args(%scan3A_40 = %scan3A_24) -> (i32)  : i32 {
      %mul3A_41 = arith.constant 32 : i32
      %mul3A_42 = arith.muli %scan3A_39, %mul3A_41 : i32
      %add3A_43 = arith.addi %add3A, %mul3A_42 : i32
      %lt3A = arith.constant 1250 : i32
      %lt3A_44 = arith.cmpi slt, %add3A_43, %lt3A : i32
      %convert_element_type3A = arith.extui %lt3A_44 : i1 to i32
      %cond3A = arith.constant 0 : i32
      %cond3A_45 = arith.cmpi ne, %convert_element_type3A, %cond3A : i32
      scf.if %cond3A_45 {
        %mul3A_47 = arith.constant 128 : i32
        %mul3A_48 = arith.muli %add3A_43, %mul3A_47 : i32
        "tpu.region"() ({
          %run_scoped3A = tpu.sem_alloc : memref<!tpu.dma_semaphore, #tpu.memory_space<semaphore_mem>>
          %dma_start3A = tpu.memref_slice %arg2[%mul3A_48] : memref<160000xi32, #tpu.memory_space<hbm>> -> memref<128xi32, #tpu.memory_space<hbm>>
          %dma_start3A_49 = tpu.memref_slice %arg2[%mul3A_48] : memref<160000xi32, #tpu.memory_space<hbm>> -> memref<128xi32, #tpu.memory_space<hbm>>
          tpu.enqueue_dma source(%dma_start3A_49 : memref<128xi32, #tpu.memory_space<hbm>>) target(%arg6 : memref<128xi32, #tpu.memory_space<vmem>>) target_semaphore(%run_scoped3A : memref<!tpu.dma_semaphore, #tpu.memory_space<semaphore_mem>>)
          %dma_wait3A = tpu.memref_slice %arg2[%mul3A_48] : memref<160000xi32, #tpu.memory_space<hbm>> -> memref<128xi32, #tpu.memory_space<hbm>>
          %dma_wait3A_50 = tpu.memref_slice %arg2[%mul3A_48] : memref<160000xi32, #tpu.memory_space<hbm>> -> memref<128xi32, #tpu.memory_space<hbm>>
          tpu.wait_dma2 semaphore(%run_scoped3A : memref<!tpu.dma_semaphore, #tpu.memory_space<semaphore_mem>>) src(%dma_wait3A_50 : memref<128xi32, #tpu.memory_space<hbm>>) dst(%arg6 : memref<128xi32, #tpu.memory_space<vmem>>)
          tpu.yield
        }) : () -> ()
        "tpu.region"() ({
          %run_scoped3A = tpu.sem_alloc : memref<!tpu.dma_semaphore, #tpu.memory_space<semaphore_mem>>
          %dma_start3A = tpu.memref_slice %arg3[%mul3A_48] : memref<160000xf32, #tpu.memory_space<hbm>> -> memref<128xf32, #tpu.memory_space<hbm>>
          %dma_start3A_49 = tpu.memref_slice %arg3[%mul3A_48] : memref<160000xf32, #tpu.memory_space<hbm>> -> memref<128xf32, #tpu.memory_space<hbm>>
          tpu.enqueue_dma source(%dma_start3A_49 : memref<128xf32, #tpu.memory_space<hbm>>) target(%arg7 : memref<128xf32, #tpu.memory_space<vmem>>) target_semaphore(%run_scoped3A : memref<!tpu.dma_semaphore, #tpu.memory_space<semaphore_mem>>)
          %dma_wait3A = tpu.memref_slice %arg3[%mul3A_48] : memref<160000xf32, #tpu.memory_space<hbm>> -> memref<128xf32, #tpu.memory_space<hbm>>
          %dma_wait3A_50 = tpu.memref_slice %arg3[%mul3A_48] : memref<160000xf32, #tpu.memory_space<hbm>> -> memref<128xf32, #tpu.memory_space<hbm>>
          tpu.wait_dma2 semaphore(%run_scoped3A : memref<!tpu.dma_semaphore, #tpu.memory_space<semaphore_mem>>) src(%dma_wait3A_50 : memref<128xf32, #tpu.memory_space<hbm>>) dst(%arg7 : memref<128xf32, #tpu.memory_space<vmem>>)
          tpu.yield
        }) : () -> ()
        "tpu.region"() ({
          %run_scoped3A = tpu.sem_alloc : memref<!tpu.dma_semaphore, #tpu.memory_space<semaphore_mem>>
          %dma_start3A = arith.constant 0 : i32
          %dma_start3A_49 = tpu.memref_slice %arg10[%dma_start3A] : memref<80000xf32, #tpu.memory_space<vmem_shared>> -> memref<80000xf32, #tpu.memory_space<vmem_shared>>
          tpu.enqueue_indirect_dma source(%arg7 : memref<128xf32, #tpu.memory_space<vmem>>) target(%dma_start3A_49 : memref<80000xf32, #tpu.memory_space<vmem_shared>>) offsets(%arg6 : memref<128xi32, #tpu.memory_space<vmem>>) semaphore(%run_scoped3A : memref<!tpu.dma_semaphore, #tpu.memory_space<semaphore_mem>>) {add = true}
          %dma_wait3A = arith.constant 0 : i32
          %dma_wait3A_50 = tpu.memref_slice %arg10[%dma_wait3A] : memref<80000xf32, #tpu.memory_space<vmem_shared>> -> memref<80000xf32, #tpu.memory_space<vmem_shared>>
          tpu.wait_indirect_dma semaphore(%run_scoped3A : memref<!tpu.dma_semaphore, #tpu.memory_space<semaphore_mem>>) src(%arg7 : memref<128xf32, #tpu.memory_space<vmem>>) dst(%dma_wait3A_50 : memref<80000xf32, #tpu.memory_space<vmem_shared>>)
          tpu.yield
        }) : () -> ()
        "tpu.region"() ({
          %run_scoped3A = tpu.sem_alloc : memref<!tpu.dma_semaphore, #tpu.memory_space<semaphore_mem>>
          %dma_start3A = arith.constant 0 : i32
          %dma_start3A_49 = tpu.memref_slice %arg11[%dma_start3A] : memref<80000xf32, #tpu.memory_space<vmem_shared>> -> memref<80000xf32, #tpu.memory_space<vmem_shared>>
          tpu.enqueue_indirect_dma source(%arg8 : memref<128xf32, #tpu.memory_space<vmem>>) target(%dma_start3A_49 : memref<80000xf32, #tpu.memory_space<vmem_shared>>) offsets(%arg6 : memref<128xi32, #tpu.memory_space<vmem>>) semaphore(%run_scoped3A : memref<!tpu.dma_semaphore, #tpu.memory_space<semaphore_mem>>) {add = true}
          %dma_wait3A = arith.constant 0 : i32
          %dma_wait3A_50 = tpu.memref_slice %arg11[%dma_wait3A] : memref<80000xf32, #tpu.memory_space<vmem_shared>> -> memref<80000xf32, #tpu.memory_space<vmem_shared>>
          tpu.wait_indirect_dma semaphore(%run_scoped3A : memref<!tpu.dma_semaphore, #tpu.memory_space<semaphore_mem>>) src(%arg8 : memref<128xf32, #tpu.memory_space<vmem>>) dst(%dma_wait3A_50 : memref<80000xf32, #tpu.memory_space<vmem_shared>>)
          tpu.yield
        }) : () -> ()
      } else {
      }
      %scan3A_46 = arith.constant 0 : i32
      scf.yield %scan3A_46 : i32
    }
    %scan3A_30 = arith.constant 40 : i32
    %barrier3A_31 = arith.constant 0 : index
    tpu.barrier barrier_id(%barrier3A_31)
    %scan3A_32 = arith.constant 0 : i32
    %scan3A_33 = arith.constant 0 : i32
    %scan3A_34 = arith.constant 3 : i32
    %scan3A_35 = arith.addi %scan3A_33, %scan3A_34 : i32
    %scan3A_36 = arith.constant 1 : i32
    %scan3A_37 = scf.for %scan3A_39 = %scan3A_33 to %scan3A_35 step %scan3A_36 iter_args(%scan3A_40 = %scan3A_32) -> (i32)  : i32 {
      %mul3A_41 = arith.constant 16 : i32
      %mul3A_42 = arith.muli %scan3A_39, %mul3A_41 : i32
      %add3A_43 = arith.addi %arg1, %mul3A_42 : i32
      %lt3A = arith.constant 40 : i32
      %lt3A_44 = arith.cmpi slt, %add3A_43, %lt3A : i32
      %convert_element_type3A = arith.extui %lt3A_44 : i1 to i32
      %cond3A = arith.constant 0 : i32
      %cond3A_45 = arith.cmpi ne, %convert_element_type3A, %cond3A : i32
      scf.if %cond3A_45 {
        %mul3A_47 = arith.constant 2000 : i32
        %mul3A_48 = arith.muli %add3A_43, %mul3A_47 : i32
        "tpu.region"() ({
          %run_scoped3A = tpu.sem_alloc : memref<!tpu.dma_semaphore, #tpu.memory_space<semaphore_mem>>
          %dma_start3A = tpu.memref_slice %arg10[%mul3A_48] : memref<80000xf32, #tpu.memory_space<vmem_shared>> -> memref<2000xf32, #tpu.memory_space<vmem_shared>>
          %dma_start3A_61 = tpu.memref_slice %arg10[%mul3A_48] : memref<80000xf32, #tpu.memory_space<vmem_shared>> -> memref<2000xf32, #tpu.memory_space<vmem_shared>>
          tpu.enqueue_dma source(%dma_start3A_61 : memref<2000xf32, #tpu.memory_space<vmem_shared>>) target(%arg9 : memref<2000xf32, #tpu.memory_space<vmem>>) target_semaphore(%run_scoped3A : memref<!tpu.dma_semaphore, #tpu.memory_space<semaphore_mem>>)
          %dma_wait3A = tpu.memref_slice %arg10[%mul3A_48] : memref<80000xf32, #tpu.memory_space<vmem_shared>> -> memref<2000xf32, #tpu.memory_space<vmem_shared>>
          %dma_wait3A_62 = tpu.memref_slice %arg10[%mul3A_48] : memref<80000xf32, #tpu.memory_space<vmem_shared>> -> memref<2000xf32, #tpu.memory_space<vmem_shared>>
          tpu.wait_dma2 semaphore(%run_scoped3A : memref<!tpu.dma_semaphore, #tpu.memory_space<semaphore_mem>>) src(%dma_wait3A_62 : memref<2000xf32, #tpu.memory_space<vmem_shared>>) dst(%arg9 : memref<2000xf32, #tpu.memory_space<vmem>>)
          tpu.yield
        }) : () -> ()
        %mul3A_49 = arith.constant 80000 : i32
        %mul3A_50 = arith.muli %arg0, %mul3A_49 : i32
        %mul3A_51 = arith.constant 2000 : i32
        %mul3A_52 = arith.muli %add3A_43, %mul3A_51 : i32
        %add3A_53 = arith.addi %mul3A_50, %mul3A_52 : i32
        "tpu.region"() ({
          %run_scoped3A = tpu.sem_alloc : memref<!tpu.dma_semaphore, #tpu.memory_space<semaphore_mem>>
          %dma_start3A = tpu.memref_slice %arg4[%add3A_53] : memref<160000xf32, #tpu.memory_space<hbm>> -> memref<2000xf32, #tpu.memory_space<hbm>>
          %dma_start3A_61 = tpu.memref_slice %arg4[%add3A_53] : memref<160000xf32, #tpu.memory_space<hbm>> -> memref<2000xf32, #tpu.memory_space<hbm>>
          tpu.enqueue_dma source(%arg9 : memref<2000xf32, #tpu.memory_space<vmem>>) target(%dma_start3A_61 : memref<2000xf32, #tpu.memory_space<hbm>>) target_semaphore(%run_scoped3A : memref<!tpu.dma_semaphore, #tpu.memory_space<semaphore_mem>>)
          %dma_wait3A = tpu.memref_slice %arg4[%add3A_53] : memref<160000xf32, #tpu.memory_space<hbm>> -> memref<2000xf32, #tpu.memory_space<hbm>>
          %dma_wait3A_62 = tpu.memref_slice %arg4[%add3A_53] : memref<160000xf32, #tpu.memory_space<hbm>> -> memref<2000xf32, #tpu.memory_space<hbm>>
          tpu.wait_dma2 semaphore(%run_scoped3A : memref<!tpu.dma_semaphore, #tpu.memory_space<semaphore_mem>>) src(%arg9 : memref<2000xf32, #tpu.memory_space<vmem>>) dst(%dma_wait3A_62 : memref<2000xf32, #tpu.memory_space<hbm>>)
          tpu.yield
        }) : () -> ()
        %mul3A_54 = arith.constant 2000 : i32
        %mul3A_55 = arith.muli %add3A_43, %mul3A_54 : i32
        "tpu.region"() ({
          %run_scoped3A = tpu.sem_alloc : memref<!tpu.dma_semaphore, #tpu.memory_space<semaphore_mem>>
          %dma_start3A = tpu.memref_slice %arg11[%mul3A_55] : memref<80000xf32, #tpu.memory_space<vmem_shared>> -> memref<2000xf32, #tpu.memory_space<vmem_shared>>
          %dma_start3A_61 = tpu.memref_slice %arg11[%mul3A_55] : memref<80000xf32, #tpu.memory_space<vmem_shared>> -> memref<2000xf32, #tpu.memory_space<vmem_shared>>
          tpu.enqueue_dma source(%dma_start3A_61 : memref<2000xf32, #tpu.memory_space<vmem_shared>>) target(%arg9 : memref<2000xf32, #tpu.memory_space<vmem>>) target_semaphore(%run_scoped3A : memref<!tpu.dma_semaphore, #tpu.memory_space<semaphore_mem>>)
          %dma_wait3A = tpu.memref_slice %arg11[%mul3A_55] : memref<80000xf32, #tpu.memory_space<vmem_shared>> -> memref<2000xf32, #tpu.memory_space<vmem_shared>>
          %dma_wait3A_62 = tpu.memref_slice %arg11[%mul3A_55] : memref<80000xf32, #tpu.memory_space<vmem_shared>> -> memref<2000xf32, #tpu.memory_space<vmem_shared>>
          tpu.wait_dma2 semaphore(%run_scoped3A : memref<!tpu.dma_semaphore, #tpu.memory_space<semaphore_mem>>) src(%dma_wait3A_62 : memref<2000xf32, #tpu.memory_space<vmem_shared>>) dst(%arg9 : memref<2000xf32, #tpu.memory_space<vmem>>)
          tpu.yield
        }) : () -> ()
        %mul3A_56 = arith.constant 80000 : i32
        %mul3A_57 = arith.muli %arg0, %mul3A_56 : i32
        %mul3A_58 = arith.constant 2000 : i32
        %mul3A_59 = arith.muli %add3A_43, %mul3A_58 : i32
        %add3A_60 = arith.addi %mul3A_57, %mul3A_59 : i32
        "tpu.region"() ({
          %run_scoped3A = tpu.sem_alloc : memref<!tpu.dma_semaphore, #tpu.memory_space<semaphore_mem>>
          %dma_start3A = tpu.memref_slice %arg5[%add3A_60] : memref<160000xf32, #tpu.memory_space<hbm>> -> memref<2000xf32, #tpu.memory_space<hbm>>
          %dma_start3A_61 = tpu.memref_slice %arg5[%add3A_60] : memref<160000xf32, #tpu.memory_space<hbm>> -> memref<2000xf32, #tpu.memory_space<hbm>>
          tpu.enqueue_dma source(%arg9 : memref<2000xf32, #tpu.memory_space<vmem>>) target(%dma_start3A_61 : memref<2000xf32, #tpu.memory_space<hbm>>) target_semaphore(%run_scoped3A : memref<!tpu.dma_semaphore, #tpu.memory_space<semaphore_mem>>)
          %dma_wait3A = tpu.memref_slice %arg5[%add3A_60] : memref<160000xf32, #tpu.memory_space<hbm>> -> memref<2000xf32, #tpu.memory_space<hbm>>
          %dma_wait3A_62 = tpu.memref_slice %arg5[%add3A_60] : memref<160000xf32, #tpu.memory_space<hbm>> -> memref<2000xf32, #tpu.memory_space<hbm>>
          tpu.wait_dma2 semaphore(%run_scoped3A : memref<!tpu.dma_semaphore, #tpu.memory_space<semaphore_mem>>) src(%arg9 : memref<2000xf32, #tpu.memory_space<vmem>>) dst(%dma_wait3A_62 : memref<2000xf32, #tpu.memory_space<hbm>>)
          tpu.yield
        }) : () -> ()
      } else {
      }
      %scan3A_46 = arith.constant 0 : i32
      scf.yield %scan3A_46 : i32
    }
    %scan3A_38 = arith.constant 3 : i32
    return
  }
}

#map = affine_map<(d0, d1) -> (0, 0)>
#map1 = affine_map<(d0, d1) -> (0)>
module attributes {stable_mosaic.version = 14 : i64} {
  func.func @_k6a_kernel(%arg0: i32, %arg1: i32, %arg2: memref<80000x128xf32, #tpu.memory_space<hbm>>, %arg3: memref<160000xi32, #tpu.memory_space<hbm>>, %arg4: memref<160000x128xf32, #tpu.memory_space<hbm>>, %arg5: memref<128xi32, #tpu.memory_space<vmem>>, %arg6: memref<128x128xf32, #tpu.memory_space<vmem>>, %arg7: memref<!tpu.dma_semaphore, #tpu.memory_space<semaphore_mem>>) attributes {dimension_semantics = [#tpu.dimension_semantics<core_parallel>, #tpu.dimension_semantics<subcore_parallel>], iteration_bounds = array<i64: 2, 16>, scalar_prefetch = 0 : i64, scratch_operands = 3 : i64, tpu.core_type = #tpu.core_type<sc_vector_subcore>, window_params = [{transform_indices = #map}, {transform_indices = #map1}, {transform_indices = #map}]} {
    %mul3A = arith.constant 2 : i32
    %mul3A_0 = arith.muli %arg1, %mul3A : i32
    %add3A = arith.addi %mul3A_0, %arg0 : i32
    %scan3A = arith.constant 0 : i32
    %scan3A_1 = arith.constant 0 : i32
    %scan3A_2 = arith.constant 40 : i32
    %scan3A_3 = arith.addi %scan3A_1, %scan3A_2 : i32
    %scan3A_4 = arith.constant 1 : i32
    %scan3A_5 = scf.for %scan3A_7 = %scan3A_1 to %scan3A_3 step %scan3A_4 iter_args(%scan3A_8 = %scan3A) -> (i32)  : i32 {
      %mul3A_9 = arith.constant 32 : i32
      %mul3A_10 = arith.muli %scan3A_7, %mul3A_9 : i32
      %add3A_11 = arith.addi %add3A, %mul3A_10 : i32
      %lt3A = arith.constant 1250 : i32
      %lt3A_12 = arith.cmpi slt, %add3A_11, %lt3A : i32
      %convert_element_type3A = arith.extui %lt3A_12 : i1 to i32
      %cond3A = arith.constant 0 : i32
      %cond3A_13 = arith.cmpi ne, %convert_element_type3A, %cond3A : i32
      scf.if %cond3A_13 {
        %mul3A_15 = arith.constant 128 : i32
        %mul3A_16 = arith.muli %add3A_11, %mul3A_15 : i32
        "tpu.region"() ({
          %run_scoped3A = tpu.sem_alloc : memref<!tpu.dma_semaphore, #tpu.memory_space<semaphore_mem>>
          %dma_start3A_21 = tpu.memref_slice %arg3[%mul3A_16] : memref<160000xi32, #tpu.memory_space<hbm>> -> memref<128xi32, #tpu.memory_space<hbm>>
          %dma_start3A_22 = tpu.memref_slice %arg3[%mul3A_16] : memref<160000xi32, #tpu.memory_space<hbm>> -> memref<128xi32, #tpu.memory_space<hbm>>
          tpu.enqueue_dma source(%dma_start3A_22 : memref<128xi32, #tpu.memory_space<hbm>>) target(%arg5 : memref<128xi32, #tpu.memory_space<vmem>>) target_semaphore(%run_scoped3A : memref<!tpu.dma_semaphore, #tpu.memory_space<semaphore_mem>>)
          %dma_wait3A_23 = tpu.memref_slice %arg3[%mul3A_16] : memref<160000xi32, #tpu.memory_space<hbm>> -> memref<128xi32, #tpu.memory_space<hbm>>
          %dma_wait3A_24 = tpu.memref_slice %arg3[%mul3A_16] : memref<160000xi32, #tpu.memory_space<hbm>> -> memref<128xi32, #tpu.memory_space<hbm>>
          tpu.wait_dma2 semaphore(%run_scoped3A : memref<!tpu.dma_semaphore, #tpu.memory_space<semaphore_mem>>) src(%dma_wait3A_24 : memref<128xi32, #tpu.memory_space<hbm>>) dst(%arg5 : memref<128xi32, #tpu.memory_space<vmem>>)
          tpu.yield
        }) : () -> ()
        %dma_start3A = arith.constant 0 : i32
        %dma_start3A_17 = arith.constant 0 : i32
        %dma_start3A_18 = tpu.memref_slice %arg2[%dma_start3A, %dma_start3A_17] : memref<80000x128xf32, #tpu.memory_space<hbm>> -> memref<80000x128xf32, #tpu.memory_space<hbm>>
        tpu.enqueue_indirect_dma source(%dma_start3A_18 : memref<80000x128xf32, #tpu.memory_space<hbm>>) target(%arg6 : memref<128x128xf32, #tpu.memory_space<vmem>>) offsets(%arg5 : memref<128xi32, #tpu.memory_space<vmem>>) semaphore(%arg7 : memref<!tpu.dma_semaphore, #tpu.memory_space<semaphore_mem>>)
        %dma_wait3A = arith.constant 0 : i32
        %dma_wait3A_19 = arith.constant 0 : i32
        %dma_wait3A_20 = tpu.memref_slice %arg2[%dma_wait3A, %dma_wait3A_19] : memref<80000x128xf32, #tpu.memory_space<hbm>> -> memref<80000x128xf32, #tpu.memory_space<hbm>>
        tpu.wait_indirect_dma semaphore(%arg7 : memref<!tpu.dma_semaphore, #tpu.memory_space<semaphore_mem>>) src(%dma_wait3A_20 : memref<80000x128xf32, #tpu.memory_space<hbm>>) dst(%arg6 : memref<128x128xf32, #tpu.memory_space<vmem>>)
        "tpu.region"() ({
          %run_scoped3A = tpu.sem_alloc : memref<!tpu.dma_semaphore, #tpu.memory_space<semaphore_mem>>
          %dma_start3A_21 = arith.constant 0 : i32
          %dma_start3A_22 = tpu.memref_slice %arg4[%mul3A_16, %dma_start3A_21] : memref<160000x128xf32, #tpu.memory_space<hbm>> -> memref<128x128xf32, #tpu.memory_space<hbm>>
          %dma_start3A_23 = arith.constant 0 : i32
          %dma_start3A_24 = tpu.memref_slice %arg4[%mul3A_16, %dma_start3A_23] : memref<160000x128xf32, #tpu.memory_space<hbm>> -> memref<128x128xf32, #tpu.memory_space<hbm>>
          tpu.enqueue_dma source(%arg6 : memref<128x128xf32, #tpu.memory_space<vmem>>) target(%dma_start3A_24 : memref<128x128xf32, #tpu.memory_space<hbm>>) target_semaphore(%run_scoped3A : memref<!tpu.dma_semaphore, #tpu.memory_space<semaphore_mem>>)
          %dma_wait3A_25 = arith.constant 0 : i32
          %dma_wait3A_26 = tpu.memref_slice %arg4[%mul3A_16, %dma_wait3A_25] : memref<160000x128xf32, #tpu.memory_space<hbm>> -> memref<128x128xf32, #tpu.memory_space<hbm>>
          %dma_wait3A_27 = arith.constant 0 : i32
          %dma_wait3A_28 = tpu.memref_slice %arg4[%mul3A_16, %dma_wait3A_27] : memref<160000x128xf32, #tpu.memory_space<hbm>> -> memref<128x128xf32, #tpu.memory_space<hbm>>
          tpu.wait_dma2 semaphore(%run_scoped3A : memref<!tpu.dma_semaphore, #tpu.memory_space<semaphore_mem>>) src(%arg6 : memref<128x128xf32, #tpu.memory_space<vmem>>) dst(%dma_wait3A_28 : memref<128x128xf32, #tpu.memory_space<hbm>>)
          tpu.yield
        }) : () -> ()
      } else {
      }
      %scan3A_14 = arith.constant 0 : i32
      scf.yield %scan3A_14 : i32
    }
    %scan3A_6 = arith.constant 40 : i32
    return
  }
}

#map = affine_map<(d0, d1) -> (0, 0)>
#map1 = affine_map<(d0, d1) -> (0)>
#map2 = affine_map<(d0, d1) -> (0, 0, 0, 0)>
module attributes {stable_mosaic.version = 14 : i64} {
  func.func @_k7_kernel(%arg0: i32, %arg1: i32, %arg2: memref<160000x128xf32, #tpu.memory_space<hbm>>, %arg3: memref<160000x128xf32, #tpu.memory_space<hbm>>, %arg4: memref<160000xi32, #tpu.memory_space<hbm>>, %arg5: memref<2x2x10000x128xf32, #tpu.memory_space<hbm>>, %arg6: memref<128xi32, #tpu.memory_space<vmem>>, %arg7: memref<128x128xf32, #tpu.memory_space<vmem>>, %arg8: memref<40x128xf32, #tpu.memory_space<vmem>>, %arg9: memref<10000x128xf32, #tpu.memory_space<vmem_shared>>) attributes {dimension_semantics = [#tpu.dimension_semantics<core_parallel>, #tpu.dimension_semantics<subcore_parallel>], iteration_bounds = array<i64: 2, 16>, scalar_prefetch = 0 : i64, scratch_operands = 4 : i64, tpu.core_type = #tpu.core_type<sc_vector_subcore>, window_params = [{transform_indices = #map}, {transform_indices = #map}, {transform_indices = #map1}, {transform_indices = #map2}]} {
    %mul3A = arith.constant 2 : i32
    %mul3A_0 = arith.muli %arg1, %mul3A : i32
    %add3A = arith.addi %mul3A_0, %arg0 : i32
    %broadcast_in_dim3A = arith.constant 0.000000e+00 : f32
    %broadcast_in_dim3A_1 = vector.broadcast %broadcast_in_dim3A : f32 to vector<16xf32>
    %scan3A = arith.constant 0 : i32
    %scan3A_2 = arith.constant 0 : i32
    %scan3A_3 = arith.constant 320 : i32
    %scan3A_4 = arith.addi %scan3A_2, %scan3A_3 : i32
    %scan3A_5 = arith.constant 1 : i32
    %scan3A_6 = scf.for %scan3A_64 = %scan3A_2 to %scan3A_4 step %scan3A_5 iter_args(%scan3A_65 = %scan3A) -> (i32)  : i32 {
      %jit3A = arith.constant 8 : i32
      %div3A = arith.divsi %scan3A_64, %jit3A : i32
      %sign3A = arith.constant 0 : i32
      %sign3A_66 = arith.cmpi sgt, %scan3A_64, %sign3A : i32
      %sign3A_67 = arith.extui %sign3A_66 : i1 to i32
      %sign3A_68 = arith.constant 0 : i32
      %sign3A_69 = arith.cmpi slt, %scan3A_64, %sign3A_68 : i32
      %sign3A_70 = arith.extui %sign3A_69 : i1 to i32
      %sign3A_71 = arith.subi %sign3A_67, %sign3A_70 : i32
      %sign3A_72 = arith.constant 0 : i32
      %sign3A_73 = arith.cmpi sgt, %jit3A, %sign3A_72 : i32
      %sign3A_74 = arith.extui %sign3A_73 : i1 to i32
      %sign3A_75 = arith.constant 0 : i32
      %sign3A_76 = arith.cmpi slt, %jit3A, %sign3A_75 : i32
      %sign3A_77 = arith.extui %sign3A_76 : i1 to i32
      %sign3A_78 = arith.subi %sign3A_74, %sign3A_77 : i32
      %ne3A = arith.cmpi ne, %sign3A_71, %sign3A_78 : i32
      %rem3A = arith.remsi %scan3A_64, %jit3A : i32
      %ne3A_79 = arith.constant 0 : i32
      %ne3A_80 = arith.cmpi ne, %rem3A, %ne3A_79 : i32
      %and3A = arith.andi %ne3A, %ne3A_80 : i1
      %sub3A = arith.constant 1 : i32
      %sub3A_81 = arith.subi %div3A, %sub3A : i32
      %select_n3A = arith.select %and3A, %sub3A_81, %div3A : i32
      %jit3A_82 = arith.constant 8 : i32
      %eq3A = arith.constant 0 : i32
      %eq3A_83 = arith.cmpi eq, %jit3A_82, %eq3A : i32
      %jit3A_84 = arith.constant 1 : i32
      %select_n3A_85 = arith.select %eq3A_83, %jit3A_84, %jit3A_82 : i32
      %rem3A_86 = arith.remsi %scan3A_64, %select_n3A_85 : i32
      %ne3A_87 = arith.constant 0 : i32
      %ne3A_88 = arith.cmpi ne, %rem3A_86, %ne3A_87 : i32
      %lt3A = arith.constant 0 : i32
      %lt3A_89 = arith.cmpi slt, %rem3A_86, %lt3A : i32
      %lt3A_90 = arith.constant 0 : i32
      %lt3A_91 = arith.cmpi slt, %select_n3A_85, %lt3A_90 : i32
      %ne3A_92 = arith.xori %lt3A_89, %lt3A_91 : i1
      %and3A_93 = arith.andi %ne3A_92, %ne3A_88 : i1
      %add3A_94 = arith.addi %rem3A_86, %select_n3A_85 : i32
      %select_n3A_95 = arith.select %and3A_93, %add3A_94, %rem3A_86 : i32
      %mul3A_96 = arith.constant 16 : i32
      %mul3A_97 = arith.muli %select_n3A_95, %mul3A_96 : i32
      %swap3A = arith.index_cast %select_n3A : i32 to index
      %swap3A_98 = arith.index_cast %mul3A_97 : i32 to index
      %swap3A_99 = tpu.vector_load %arg8[%swap3A, %swap3A_98] {strides = array<i32>} : memref<40x128xf32, #tpu.memory_space<vmem>>, vector<1x16xf32>,
      %swap3A_100 = vector.shape_cast %swap3A_99 : vector<1x16xf32> to vector<16xf32>
      %swap3A_101 = vector.shape_cast %broadcast_in_dim3A_1 : vector<16xf32> to vector<1x16xf32>
      tpu.vector_store %arg8[%swap3A, %swap3A_98], %swap3A_101 {strides = array<i32>} : memref<40x128xf32, #tpu.memory_space<vmem>>, vector<1x16xf32>,
      %scan3A_102 = arith.constant 0 : i32
      scf.yield %scan3A_102 : i32
    }
    %scan3A_7 = arith.constant 320 : i32
    %scan3A_8 = arith.constant 0 : i32
    %scan3A_9 = arith.constant 0 : i32
    %scan3A_10 = arith.constant 16 : i32
    %scan3A_11 = arith.addi %scan3A_9, %scan3A_10 : i32
    %scan3A_12 = arith.constant 1 : i32
    %scan3A_13 = scf.for %scan3A_64 = %scan3A_9 to %scan3A_11 step %scan3A_12 iter_args(%scan3A_65 = %scan3A_8) -> (i32)  : i32 {
      %mul3A_66 = arith.constant 16 : i32
      %mul3A_67 = arith.muli %scan3A_64, %mul3A_66 : i32
      %add3A_68 = arith.addi %arg1, %mul3A_67 : i32
      %lt3A = arith.constant 250 : i32
      %lt3A_69 = arith.cmpi slt, %add3A_68, %lt3A : i32
      %convert_element_type3A = arith.extui %lt3A_69 : i1 to i32
      %cond3A = arith.constant 0 : i32
      %cond3A_70 = arith.cmpi ne, %convert_element_type3A, %cond3A : i32
      scf.if %cond3A_70 {
        %mul3A_72 = arith.constant 40 : i32
        %mul3A_73 = arith.muli %add3A_68, %mul3A_72 : i32
        "tpu.region"() ({
          %run_scoped3A = tpu.sem_alloc : memref<!tpu.dma_semaphore, #tpu.memory_space<semaphore_mem>>
          %dma_start3A = arith.constant 0 : i32
          %dma_start3A_74 = tpu.memref_slice %arg9[%mul3A_73, %dma_start3A] : memref<10000x128xf32, #tpu.memory_space<vmem_shared>> -> memref<40x128xf32, #tpu.memory_space<vmem_shared>>
          %dma_start3A_75 = arith.constant 0 : i32
          %dma_start3A_76 = tpu.memref_slice %arg9[%mul3A_73, %dma_start3A_75] : memref<10000x128xf32, #tpu.memory_space<vmem_shared>> -> memref<40x128xf32, #tpu.memory_space<vmem_shared>>
          tpu.enqueue_dma source(%arg8 : memref<40x128xf32, #tpu.memory_space<vmem>>) target(%dma_start3A_76 : memref<40x128xf32, #tpu.memory_space<vmem_shared>>) target_semaphore(%run_scoped3A : memref<!tpu.dma_semaphore, #tpu.memory_space<semaphore_mem>>)
          %dma_wait3A = arith.constant 0 : i32
          %dma_wait3A_77 = tpu.memref_slice %arg9[%mul3A_73, %dma_wait3A] : memref<10000x128xf32, #tpu.memory_space<vmem_shared>> -> memref<40x128xf32, #tpu.memory_space<vmem_shared>>
          %dma_wait3A_78 = arith.constant 0 : i32
          %dma_wait3A_79 = tpu.memref_slice %arg9[%mul3A_73, %dma_wait3A_78] : memref<10000x128xf32, #tpu.memory_space<vmem_shared>> -> memref<40x128xf32, #tpu.memory_space<vmem_shared>>
          tpu.wait_dma2 semaphore(%run_scoped3A : memref<!tpu.dma_semaphore, #tpu.memory_space<semaphore_mem>>) src(%arg8 : memref<40x128xf32, #tpu.memory_space<vmem>>) dst(%dma_wait3A_79 : memref<40x128xf32, #tpu.memory_space<vmem_shared>>)
          tpu.yield
        }) : () -> ()
      } else {
      }
      %scan3A_71 = arith.constant 0 : i32
      scf.yield %scan3A_71 : i32
    }
    %scan3A_14 = arith.constant 16 : i32
    %barrier3A = arith.constant 0 : index
    tpu.barrier barrier_id(%barrier3A)
    %scan3A_15 = arith.constant 0 : i32
    %scan3A_16 = arith.constant 0 : i32
    %scan3A_17 = arith.constant 40 : i32
    %scan3A_18 = arith.addi %scan3A_16, %scan3A_17 : i32
    %scan3A_19 = arith.constant 1 : i32
    %scan3A_20 = scf.for %scan3A_64 = %scan3A_16 to %scan3A_18 step %scan3A_19 iter_args(%scan3A_65 = %scan3A_15) -> (i32)  : i32 {
      %mul3A_66 = arith.constant 32 : i32
      %mul3A_67 = arith.muli %scan3A_64, %mul3A_66 : i32
      %add3A_68 = arith.addi %add3A, %mul3A_67 : i32
      %lt3A = arith.constant 1250 : i32
      %lt3A_69 = arith.cmpi slt, %add3A_68, %lt3A : i32
      %convert_element_type3A = arith.extui %lt3A_69 : i1 to i32
      %cond3A = arith.constant 0 : i32
      %cond3A_70 = arith.cmpi ne, %convert_element_type3A, %cond3A : i32
      scf.if %cond3A_70 {
        %mul3A_72 = arith.constant 128 : i32
        %mul3A_73 = arith.muli %add3A_68, %mul3A_72 : i32
        "tpu.region"() ({
          %run_scoped3A = tpu.sem_alloc : memref<!tpu.dma_semaphore, #tpu.memory_space<semaphore_mem>>
          %dma_start3A = tpu.memref_slice %arg4[%mul3A_73] : memref<160000xi32, #tpu.memory_space<hbm>> -> memref<128xi32, #tpu.memory_space<hbm>>
          %dma_start3A_74 = tpu.memref_slice %arg4[%mul3A_73] : memref<160000xi32, #tpu.memory_space<hbm>> -> memref<128xi32, #tpu.memory_space<hbm>>
          tpu.enqueue_dma source(%dma_start3A_74 : memref<128xi32, #tpu.memory_space<hbm>>) target(%arg6 : memref<128xi32, #tpu.memory_space<vmem>>) target_semaphore(%run_scoped3A : memref<!tpu.dma_semaphore, #tpu.memory_space<semaphore_mem>>)
          %dma_wait3A = tpu.memref_slice %arg4[%mul3A_73] : memref<160000xi32, #tpu.memory_space<hbm>> -> memref<128xi32, #tpu.memory_space<hbm>>
          %dma_wait3A_75 = tpu.memref_slice %arg4[%mul3A_73] : memref<160000xi32, #tpu.memory_space<hbm>> -> memref<128xi32, #tpu.memory_space<hbm>>
          tpu.wait_dma2 semaphore(%run_scoped3A : memref<!tpu.dma_semaphore, #tpu.memory_space<semaphore_mem>>) src(%dma_wait3A_75 : memref<128xi32, #tpu.memory_space<hbm>>) dst(%arg6 : memref<128xi32, #tpu.memory_space<vmem>>)
          tpu.yield
        }) : () -> ()
        "tpu.region"() ({
          %run_scoped3A = tpu.sem_alloc : memref<!tpu.dma_semaphore, #tpu.memory_space<semaphore_mem>>
          %dma_start3A = arith.constant 0 : i32
          %dma_start3A_74 = tpu.memref_slice %arg2[%mul3A_73, %dma_start3A] : memref<160000x128xf32, #tpu.memory_space<hbm>> -> memref<128x128xf32, #tpu.memory_space<hbm>>
          %dma_start3A_75 = arith.constant 0 : i32
          %dma_start3A_76 = tpu.memref_slice %arg2[%mul3A_73, %dma_start3A_75] : memref<160000x128xf32, #tpu.memory_space<hbm>> -> memref<128x128xf32, #tpu.memory_space<hbm>>
          tpu.enqueue_dma source(%dma_start3A_76 : memref<128x128xf32, #tpu.memory_space<hbm>>) target(%arg7 : memref<128x128xf32, #tpu.memory_space<vmem>>) target_semaphore(%run_scoped3A : memref<!tpu.dma_semaphore, #tpu.memory_space<semaphore_mem>>)
          %dma_wait3A = arith.constant 0 : i32
          %dma_wait3A_77 = tpu.memref_slice %arg2[%mul3A_73, %dma_wait3A] : memref<160000x128xf32, #tpu.memory_space<hbm>> -> memref<128x128xf32, #tpu.memory_space<hbm>>
          %dma_wait3A_78 = arith.constant 0 : i32
          %dma_wait3A_79 = tpu.memref_slice %arg2[%mul3A_73, %dma_wait3A_78] : memref<160000x128xf32, #tpu.memory_space<hbm>> -> memref<128x128xf32, #tpu.memory_space<hbm>>
          tpu.wait_dma2 semaphore(%run_scoped3A : memref<!tpu.dma_semaphore, #tpu.memory_space<semaphore_mem>>) src(%dma_wait3A_79 : memref<128x128xf32, #tpu.memory_space<hbm>>) dst(%arg7 : memref<128x128xf32, #tpu.memory_space<vmem>>)
          tpu.yield
        }) : () -> ()
        "tpu.region"() ({
          %run_scoped3A = tpu.sem_alloc : memref<!tpu.dma_semaphore, #tpu.memory_space<semaphore_mem>>
          %dma_start3A = arith.constant 0 : i32
          %dma_start3A_74 = arith.constant 0 : i32
          %dma_start3A_75 = tpu.memref_slice %arg9[%dma_start3A, %dma_start3A_74] : memref<10000x128xf32, #tpu.memory_space<vmem_shared>> -> memref<10000x128xf32, #tpu.memory_space<vmem_shared>>
          tpu.enqueue_indirect_dma source(%arg7 : memref<128x128xf32, #tpu.memory_space<vmem>>) target(%dma_start3A_75 : memref<10000x128xf32, #tpu.memory_space<vmem_shared>>) offsets(%arg6 : memref<128xi32, #tpu.memory_space<vmem>>) semaphore(%run_scoped3A : memref<!tpu.dma_semaphore, #tpu.memory_space<semaphore_mem>>) {add = true}
          %dma_wait3A = arith.constant 0 : i32
          %dma_wait3A_76 = arith.constant 0 : i32
          %dma_wait3A_77 = tpu.memref_slice %arg9[%dma_wait3A, %dma_wait3A_76] : memref<10000x128xf32, #tpu.memory_space<vmem_shared>> -> memref<10000x128xf32, #tpu.memory_space<vmem_shared>>
          tpu.wait_indirect_dma semaphore(%run_scoped3A : memref<!tpu.dma_semaphore, #tpu.memory_space<semaphore_mem>>) src(%arg7 : memref<128x128xf32, #tpu.memory_space<vmem>>) dst(%dma_wait3A_77 : memref<10000x128xf32, #tpu.memory_space<vmem_shared>>)
          tpu.yield
        }) : () -> ()
      } else {
      }
      %scan3A_71 = arith.constant 0 : i32
      scf.yield %scan3A_71 : i32
    }
    %scan3A_21 = arith.constant 40 : i32
    %barrier3A_22 = arith.constant 0 : index
    tpu.barrier barrier_id(%barrier3A_22)
    %scan3A_23 = arith.constant 0 : i32
    %scan3A_24 = arith.constant 0 : i32
    %scan3A_25 = arith.constant 16 : i32
    %scan3A_26 = arith.addi %scan3A_24, %scan3A_25 : i32
    %scan3A_27 = arith.constant 1 : i32
    %scan3A_28 = scf.for %scan3A_64 = %scan3A_24 to %scan3A_26 step %scan3A_27 iter_args(%scan3A_65 = %scan3A_23) -> (i32)  : i32 {
      %mul3A_66 = arith.constant 16 : i32
      %mul3A_67 = arith.muli %scan3A_64, %mul3A_66 : i32
      %add3A_68 = arith.addi %arg1, %mul3A_67 : i32
      %lt3A = arith.constant 250 : i32
      %lt3A_69 = arith.cmpi slt, %add3A_68, %lt3A : i32
      %convert_element_type3A = arith.extui %lt3A_69 : i1 to i32
      %cond3A = arith.constant 0 : i32
      %cond3A_70 = arith.cmpi ne, %convert_element_type3A, %cond3A : i32
      scf.if %cond3A_70 {
        %mul3A_72 = arith.constant 40 : i32
        %mul3A_73 = arith.muli %add3A_68, %mul3A_72 : i32
        "tpu.region"() ({
          %run_scoped3A_76 = tpu.sem_alloc : memref<!tpu.dma_semaphore, #tpu.memory_space<semaphore_mem>>
          %dma_start3A = arith.constant 0 : i32
          %dma_start3A_77 = tpu.memref_slice %arg9[%mul3A_73, %dma_start3A] : memref<10000x128xf32, #tpu.memory_space<vmem_shared>> -> memref<40x128xf32, #tpu.memory_space<vmem_shared>>
          %dma_start3A_78 = arith.constant 0 : i32
          %dma_start3A_79 = tpu.memref_slice %arg9[%mul3A_73, %dma_start3A_78] : memref<10000x128xf32, #tpu.memory_space<vmem_shared>> -> memref<40x128xf32, #tpu.memory_space<vmem_shared>>
          tpu.enqueue_dma source(%dma_start3A_79 : memref<40x128xf32, #tpu.memory_space<vmem_shared>>) target(%arg8 : memref<40x128xf32, #tpu.memory_space<vmem>>) target_semaphore(%run_scoped3A_76 : memref<!tpu.dma_semaphore, #tpu.memory_space<semaphore_mem>>)
          %dma_wait3A = arith.constant 0 : i32
          %dma_wait3A_80 = tpu.memref_slice %arg9[%mul3A_73, %dma_wait3A] : memref<10000x128xf32, #tpu.memory_space<vmem_shared>> -> memref<40x128xf32, #tpu.memory_space<vmem_shared>>
          %dma_wait3A_81 = arith.constant 0 : i32
          %dma_wait3A_82 = tpu.memref_slice %arg9[%mul3A_73, %dma_wait3A_81] : memref<10000x128xf32, #tpu.memory_space<vmem_shared>> -> memref<40x128xf32, #tpu.memory_space<vmem_shared>>
          tpu.wait_dma2 semaphore(%run_scoped3A_76 : memref<!tpu.dma_semaphore, #tpu.memory_space<semaphore_mem>>) src(%dma_wait3A_82 : memref<40x128xf32, #tpu.memory_space<vmem_shared>>) dst(%arg8 : memref<40x128xf32, #tpu.memory_space<vmem>>)
          tpu.yield
        }) : () -> ()
        %mul3A_74 = arith.constant 40 : i32
        %mul3A_75 = arith.muli %add3A_68, %mul3A_74 : i32
        %run_scoped3A = arith.constant 0 : i32
        "tpu.region"() ({
          %run_scoped3A_76 = tpu.sem_alloc : memref<!tpu.dma_semaphore, #tpu.memory_space<semaphore_mem>>
          %dma_start3A = arith.constant 0 : i32
          %dma_start3A_77 = tpu.memref_slice %arg5[%run_scoped3A, %arg0, %mul3A_75, %dma_start3A] : memref<2x2x10000x128xf32, #tpu.memory_space<hbm>> -> memref<1x1x40x128xf32, #tpu.memory_space<hbm>>
          %dma_start3A_78 = tpu.memref_squeeze %dma_start3A_77 : memref<1x1x40x128xf32, #tpu.memory_space<hbm>> -> memref<40x128xf32, #tpu.memory_space<hbm>>
          %dma_start3A_79 = arith.constant 0 : i32
          %dma_start3A_80 = tpu.memref_slice %arg5[%run_scoped3A, %arg0, %mul3A_75, %dma_start3A_79] : memref<2x2x10000x128xf32, #tpu.memory_space<hbm>> -> memref<1x1x40x128xf32, #tpu.memory_space<hbm>>
          %dma_start3A_81 = tpu.memref_squeeze %dma_start3A_80 : memref<1x1x40x128xf32, #tpu.memory_space<hbm>> -> memref<40x128xf32, #tpu.memory_space<hbm>>
          tpu.enqueue_dma source(%arg8 : memref<40x128xf32, #tpu.memory_space<vmem>>) target(%dma_start3A_81 : memref<40x128xf32, #tpu.memory_space<hbm>>) target_semaphore(%run_scoped3A_76 : memref<!tpu.dma_semaphore, #tpu.memory_space<semaphore_mem>>)
          %dma_wait3A = arith.constant 0 : i32
          %dma_wait3A_82 = tpu.memref_slice %arg5[%run_scoped3A, %arg0, %mul3A_75, %dma_wait3A] : memref<2x2x10000x128xf32, #tpu.memory_space<hbm>> -> memref<1x1x40x128xf32, #tpu.memory_space<hbm>>
          %dma_wait3A_83 = tpu.memref_squeeze %dma_wait3A_82 : memref<1x1x40x128xf32, #tpu.memory_space<hbm>> -> memref<40x128xf32, #tpu.memory_space<hbm>>
          %dma_wait3A_84 = arith.constant 0 : i32
          %dma_wait3A_85 = tpu.memref_slice %arg5[%run_scoped3A, %arg0, %mul3A_75, %dma_wait3A_84] : memref<2x2x10000x128xf32, #tpu.memory_space<hbm>> -> memref<1x1x40x128xf32, #tpu.memory_space<hbm>>
          %dma_wait3A_86 = tpu.memref_squeeze %dma_wait3A_85 : memref<1x1x40x128xf32, #tpu.memory_space<hbm>> -> memref<40x128xf32, #tpu.memory_space<hbm>>
          tpu.wait_dma2 semaphore(%run_scoped3A_76 : memref<!tpu.dma_semaphore, #tpu.memory_space<semaphore_mem>>) src(%arg8 : memref<40x128xf32, #tpu.memory_space<vmem>>) dst(%dma_wait3A_86 : memref<40x128xf32, #tpu.memory_space<hbm>>)
          tpu.yield
        }) : () -> ()
      } else {
      }
      %scan3A_71 = arith.constant 0 : i32
      scf.yield %scan3A_71 : i32
    }
    %scan3A_29 = arith.constant 16 : i32
    %barrier3A_30 = arith.constant 0 : index
    tpu.barrier barrier_id(%barrier3A_30)
    %broadcast_in_dim3A_31 = arith.constant 0.000000e+00 : f32
    %broadcast_in_dim3A_32 = vector.broadcast %broadcast_in_dim3A_31 : f32 to vector<16xf32>
    %scan3A_33 = arith.constant 0 : i32
    %scan3A_34 = arith.constant 0 : i32
    %scan3A_35 = arith.constant 320 : i32
    %scan3A_36 = arith.addi %scan3A_34, %scan3A_35 : i32
    %scan3A_37 = arith.constant 1 : i32
    %scan3A_38 = scf.for %scan3A_64 = %scan3A_34 to %scan3A_36 step %scan3A_37 iter_args(%scan3A_65 = %scan3A_33) -> (i32)  : i32 {
      %jit3A = arith.constant 8 : i32
      %div3A = arith.divsi %scan3A_64, %jit3A : i32
      %sign3A = arith.constant 0 : i32
      %sign3A_66 = arith.cmpi sgt, %scan3A_64, %sign3A : i32
      %sign3A_67 = arith.extui %sign3A_66 : i1 to i32
      %sign3A_68 = arith.constant 0 : i32
      %sign3A_69 = arith.cmpi slt, %scan3A_64, %sign3A_68 : i32
      %sign3A_70 = arith.extui %sign3A_69 : i1 to i32
      %sign3A_71 = arith.subi %sign3A_67, %sign3A_70 : i32
      %sign3A_72 = arith.constant 0 : i32
      %sign3A_73 = arith.cmpi sgt, %jit3A, %sign3A_72 : i32
      %sign3A_74 = arith.extui %sign3A_73 : i1 to i32
      %sign3A_75 = arith.constant 0 : i32
      %sign3A_76 = arith.cmpi slt, %jit3A, %sign3A_75 : i32
      %sign3A_77 = arith.extui %sign3A_76 : i1 to i32
      %sign3A_78 = arith.subi %sign3A_74, %sign3A_77 : i32
      %ne3A = arith.cmpi ne, %sign3A_71, %sign3A_78 : i32
      %rem3A = arith.remsi %scan3A_64, %jit3A : i32
      %ne3A_79 = arith.constant 0 : i32
      %ne3A_80 = arith.cmpi ne, %rem3A, %ne3A_79 : i32
      %and3A = arith.andi %ne3A, %ne3A_80 : i1
      %sub3A = arith.constant 1 : i32
      %sub3A_81 = arith.subi %div3A, %sub3A : i32
      %select_n3A = arith.select %and3A, %sub3A_81, %div3A : i32
      %jit3A_82 = arith.constant 8 : i32
      %eq3A = arith.constant 0 : i32
      %eq3A_83 = arith.cmpi eq, %jit3A_82, %eq3A : i32
      %jit3A_84 = arith.constant 1 : i32
      %select_n3A_85 = arith.select %eq3A_83, %jit3A_84, %jit3A_82 : i32
      %rem3A_86 = arith.remsi %scan3A_64, %select_n3A_85 : i32
      %ne3A_87 = arith.constant 0 : i32
      %ne3A_88 = arith.cmpi ne, %rem3A_86, %ne3A_87 : i32
      %lt3A = arith.constant 0 : i32
      %lt3A_89 = arith.cmpi slt, %rem3A_86, %lt3A : i32
      %lt3A_90 = arith.constant 0 : i32
      %lt3A_91 = arith.cmpi slt, %select_n3A_85, %lt3A_90 : i32
      %ne3A_92 = arith.xori %lt3A_89, %lt3A_91 : i1
      %and3A_93 = arith.andi %ne3A_92, %ne3A_88 : i1
      %add3A_94 = arith.addi %rem3A_86, %select_n3A_85 : i32
      %select_n3A_95 = arith.select %and3A_93, %add3A_94, %rem3A_86 : i32
      %mul3A_96 = arith.constant 16 : i32
      %mul3A_97 = arith.muli %select_n3A_95, %mul3A_96 : i32
      %swap3A = arith.index_cast %select_n3A : i32 to index
      %swap3A_98 = arith.index_cast %mul3A_97 : i32 to index
      %swap3A_99 = tpu.vector_load %arg8[%swap3A, %swap3A_98] {strides = array<i32>} : memref<40x128xf32, #tpu.memory_space<vmem>>, vector<1x16xf32>,
      %swap3A_100 = vector.shape_cast %swap3A_99 : vector<1x16xf32> to vector<16xf32>
      %swap3A_101 = vector.shape_cast %broadcast_in_dim3A_32 : vector<16xf32> to vector<1x16xf32>
      tpu.vector_store %arg8[%swap3A, %swap3A_98], %swap3A_101 {strides = array<i32>} : memref<40x128xf32, #tpu.memory_space<vmem>>, vector<1x16xf32>,
      %scan3A_102 = arith.constant 0 : i32
      scf.yield %scan3A_102 : i32
    }
    %scan3A_39 = arith.constant 320 : i32
    %scan3A_40 = arith.constant 0 : i32
    %scan3A_41 = arith.constant 0 : i32
    %scan3A_42 = arith.constant 16 : i32
    %scan3A_43 = arith.addi %scan3A_41, %scan3A_42 : i32
    %scan3A_44 = arith.constant 1 : i32
    %scan3A_45 = scf.for %scan3A_64 = %scan3A_41 to %scan3A_43 step %scan3A_44 iter_args(%scan3A_65 = %scan3A_40) -> (i32)  : i32 {
      %mul3A_66 = arith.constant 16 : i32
      %mul3A_67 = arith.muli %scan3A_64, %mul3A_66 : i32
      %add3A_68 = arith.addi %arg1, %mul3A_67 : i32
      %lt3A = arith.constant 250 : i32
      %lt3A_69 = arith.cmpi slt, %add3A_68, %lt3A : i32
      %convert_element_type3A = arith.extui %lt3A_69 : i1 to i32
      %cond3A = arith.constant 0 : i32
      %cond3A_70 = arith.cmpi ne, %convert_element_type3A, %cond3A : i32
      scf.if %cond3A_70 {
        %mul3A_72 = arith.constant 40 : i32
        %mul3A_73 = arith.muli %add3A_68, %mul3A_72 : i32
        "tpu.region"() ({
          %run_scoped3A = tpu.sem_alloc : memref<!tpu.dma_semaphore, #tpu.memory_space<semaphore_mem>>
          %dma_start3A = arith.constant 0 : i32
          %dma_start3A_74 = tpu.memref_slice %arg9[%mul3A_73, %dma_start3A] : memref<10000x128xf32, #tpu.memory_space<vmem_shared>> -> memref<40x128xf32, #tpu.memory_space<vmem_shared>>
          %dma_start3A_75 = arith.constant 0 : i32
          %dma_start3A_76 = tpu.memref_slice %arg9[%mul3A_73, %dma_start3A_75] : memref<10000x128xf32, #tpu.memory_space<vmem_shared>> -> memref<40x128xf32, #tpu.memory_space<vmem_shared>>
          tpu.enqueue_dma source(%arg8 : memref<40x128xf32, #tpu.memory_space<vmem>>) target(%dma_start3A_76 : memref<40x128xf32, #tpu.memory_space<vmem_shared>>) target_semaphore(%run_scoped3A : memref<!tpu.dma_semaphore, #tpu.memory_space<semaphore_mem>>)
          %dma_wait3A = arith.constant 0 : i32
          %dma_wait3A_77 = tpu.memref_slice %arg9[%mul3A_73, %dma_wait3A] : memref<10000x128xf32, #tpu.memory_space<vmem_shared>> -> memref<40x128xf32, #tpu.memory_space<vmem_shared>>
          %dma_wait3A_78 = arith.constant 0 : i32
          %dma_wait3A_79 = tpu.memref_slice %arg9[%mul3A_73, %dma_wait3A_78] : memref<10000x128xf32, #tpu.memory_space<vmem_shared>> -> memref<40x128xf32, #tpu.memory_space<vmem_shared>>
          tpu.wait_dma2 semaphore(%run_scoped3A : memref<!tpu.dma_semaphore, #tpu.memory_space<semaphore_mem>>) src(%arg8 : memref<40x128xf32, #tpu.memory_space<vmem>>) dst(%dma_wait3A_79 : memref<40x128xf32, #tpu.memory_space<vmem_shared>>)
          tpu.yield
        }) : () -> ()
      } else {
      }
      %scan3A_71 = arith.constant 0 : i32
      scf.yield %scan3A_71 : i32
    }
    %scan3A_46 = arith.constant 16 : i32
    %barrier3A_47 = arith.constant 0 : index
    tpu.barrier barrier_id(%barrier3A_47)
    %scan3A_48 = arith.constant 0 : i32
    %scan3A_49 = arith.constant 0 : i32
    %scan3A_50 = arith.constant 40 : i32
    %scan3A_51 = arith.addi %scan3A_49, %scan3A_50 : i32
    %scan3A_52 = arith.constant 1 : i32
    %scan3A_53 = scf.for %scan3A_64 = %scan3A_49 to %scan3A_51 step %scan3A_52 iter_args(%scan3A_65 = %scan3A_48) -> (i32)  : i32 {
      %mul3A_66 = arith.constant 32 : i32
      %mul3A_67 = arith.muli %scan3A_64, %mul3A_66 : i32
      %add3A_68 = arith.addi %add3A, %mul3A_67 : i32
      %lt3A = arith.constant 1250 : i32
      %lt3A_69 = arith.cmpi slt, %add3A_68, %lt3A : i32
      %convert_element_type3A = arith.extui %lt3A_69 : i1 to i32
      %cond3A = arith.constant 0 : i32
      %cond3A_70 = arith.cmpi ne, %convert_element_type3A, %cond3A : i32
      scf.if %cond3A_70 {
        %mul3A_72 = arith.constant 128 : i32
        %mul3A_73 = arith.muli %add3A_68, %mul3A_72 : i32
        "tpu.region"() ({
          %run_scoped3A = tpu.sem_alloc : memref<!tpu.dma_semaphore, #tpu.memory_space<semaphore_mem>>
          %dma_start3A = tpu.memref_slice %arg4[%mul3A_73] : memref<160000xi32, #tpu.memory_space<hbm>> -> memref<128xi32, #tpu.memory_space<hbm>>
          %dma_start3A_74 = tpu.memref_slice %arg4[%mul3A_73] : memref<160000xi32, #tpu.memory_space<hbm>> -> memref<128xi32, #tpu.memory_space<hbm>>
          tpu.enqueue_dma source(%dma_start3A_74 : memref<128xi32, #tpu.memory_space<hbm>>) target(%arg6 : memref<128xi32, #tpu.memory_space<vmem>>) target_semaphore(%run_scoped3A : memref<!tpu.dma_semaphore, #tpu.memory_space<semaphore_mem>>)
          %dma_wait3A = tpu.memref_slice %arg4[%mul3A_73] : memref<160000xi32, #tpu.memory_space<hbm>> -> memref<128xi32, #tpu.memory_space<hbm>>
          %dma_wait3A_75 = tpu.memref_slice %arg4[%mul3A_73] : memref<160000xi32, #tpu.memory_space<hbm>> -> memref<128xi32, #tpu.memory_space<hbm>>
          tpu.wait_dma2 semaphore(%run_scoped3A : memref<!tpu.dma_semaphore, #tpu.memory_space<semaphore_mem>>) src(%dma_wait3A_75 : memref<128xi32, #tpu.memory_space<hbm>>) dst(%arg6 : memref<128xi32, #tpu.memory_space<vmem>>)
          tpu.yield
        }) : () -> ()
        "tpu.region"() ({
          %run_scoped3A = tpu.sem_alloc : memref<!tpu.dma_semaphore, #tpu.memory_space<semaphore_mem>>
          %dma_start3A = arith.constant 0 : i32
          %dma_start3A_74 = tpu.memref_slice %arg3[%mul3A_73, %dma_start3A] : memref<160000x128xf32, #tpu.memory_space<hbm>> -> memref<128x128xf32, #tpu.memory_space<hbm>>
          %dma_start3A_75 = arith.constant 0 : i32
          %dma_start3A_76 = tpu.memref_slice %arg3[%mul3A_73, %dma_start3A_75] : memref<160000x128xf32, #tpu.memory_space<hbm>> -> memref<128x128xf32, #tpu.memory_space<hbm>>
          tpu.enqueue_dma source(%dma_start3A_76 : memref<128x128xf32, #tpu.memory_space<hbm>>) target(%arg7 : memref<128x128xf32, #tpu.memory_space<vmem>>) target_semaphore(%run_scoped3A : memref<!tpu.dma_semaphore, #tpu.memory_space<semaphore_mem>>)
          %dma_wait3A = arith.constant 0 : i32
          %dma_wait3A_77 = tpu.memref_slice %arg3[%mul3A_73, %dma_wait3A] : memref<160000x128xf32, #tpu.memory_space<hbm>> -> memref<128x128xf32, #tpu.memory_space<hbm>>
          %dma_wait3A_78 = arith.constant 0 : i32
          %dma_wait3A_79 = tpu.memref_slice %arg3[%mul3A_73, %dma_wait3A_78] : memref<160000x128xf32, #tpu.memory_space<hbm>> -> memref<128x128xf32, #tpu.memory_space<hbm>>
          tpu.wait_dma2 semaphore(%run_scoped3A : memref<!tpu.dma_semaphore, #tpu.memory_space<semaphore_mem>>) src(%dma_wait3A_79 : memref<128x128xf32, #tpu.memory_space<hbm>>) dst(%arg7 : memref<128x128xf32, #tpu.memory_space<vmem>>)
          tpu.yield
        }) : () -> ()
        "tpu.region"() ({
          %run_scoped3A = tpu.sem_alloc : memref<!tpu.dma_semaphore, #tpu.memory_space<semaphore_mem>>
          %dma_start3A = arith.constant 0 : i32
          %dma_start3A_74 = arith.constant 0 : i32
          %dma_start3A_75 = tpu.memref_slice %arg9[%dma_start3A, %dma_start3A_74] : memref<10000x128xf32, #tpu.memory_space<vmem_shared>> -> memref<10000x128xf32, #tpu.memory_space<vmem_shared>>
          tpu.enqueue_indirect_dma source(%arg7 : memref<128x128xf32, #tpu.memory_space<vmem>>) target(%dma_start3A_75 : memref<10000x128xf32, #tpu.memory_space<vmem_shared>>) offsets(%arg6 : memref<128xi32, #tpu.memory_space<vmem>>) semaphore(%run_scoped3A : memref<!tpu.dma_semaphore, #tpu.memory_space<semaphore_mem>>) {add = true}
          %dma_wait3A = arith.constant 0 : i32
          %dma_wait3A_76 = arith.constant 0 : i32
          %dma_wait3A_77 = tpu.memref_slice %arg9[%dma_wait3A, %dma_wait3A_76] : memref<10000x128xf32, #tpu.memory_space<vmem_shared>> -> memref<10000x128xf32, #tpu.memory_space<vmem_shared>>
          tpu.wait_indirect_dma semaphore(%run_scoped3A : memref<!tpu.dma_semaphore, #tpu.memory_space<semaphore_mem>>) src(%arg7 : memref<128x128xf32, #tpu.memory_space<vmem>>) dst(%dma_wait3A_77 : memref<10000x128xf32, #tpu.memory_space<vmem_shared>>)
          tpu.yield
        }) : () -> ()
      } else {
      }
      %scan3A_71 = arith.constant 0 : i32
      scf.yield %scan3A_71 : i32
    }
    %scan3A_54 = arith.constant 40 : i32
    %barrier3A_55 = arith.constant 0 : index
    tpu.barrier barrier_id(%barrier3A_55)
    %scan3A_56 = arith.constant 0 : i32
    %scan3A_57 = arith.constant 0 : i32
    %scan3A_58 = arith.constant 16 : i32
    %scan3A_59 = arith.addi %scan3A_57, %scan3A_58 : i32
    %scan3A_60 = arith.constant 1 : i32
    %scan3A_61 = scf.for %scan3A_64 = %scan3A_57 to %scan3A_59 step %scan3A_60 iter_args(%scan3A_65 = %scan3A_56) -> (i32)  : i32 {
      %mul3A_66 = arith.constant 16 : i32
      %mul3A_67 = arith.muli %scan3A_64, %mul3A_66 : i32
      %add3A_68 = arith.addi %arg1, %mul3A_67 : i32
      %lt3A = arith.constant 250 : i32
      %lt3A_69 = arith.cmpi slt, %add3A_68, %lt3A : i32
      %convert_element_type3A = arith.extui %lt3A_69 : i1 to i32
      %cond3A = arith.constant 0 : i32
      %cond3A_70 = arith.cmpi ne, %convert_element_type3A, %cond3A : i32
      scf.if %cond3A_70 {
        %mul3A_72 = arith.constant 40 : i32
        %mul3A_73 = arith.muli %add3A_68, %mul3A_72 : i32
        "tpu.region"() ({
          %run_scoped3A_76 = tpu.sem_alloc : memref<!tpu.dma_semaphore, #tpu.memory_space<semaphore_mem>>
          %dma_start3A = arith.constant 0 : i32
          %dma_start3A_77 = tpu.memref_slice %arg9[%mul3A_73, %dma_start3A] : memref<10000x128xf32, #tpu.memory_space<vmem_shared>> -> memref<40x128xf32, #tpu.memory_space<vmem_shared>>
          %dma_start3A_78 = arith.constant 0 : i32
          %dma_start3A_79 = tpu.memref_slice %arg9[%mul3A_73, %dma_start3A_78] : memref<10000x128xf32, #tpu.memory_space<vmem_shared>> -> memref<40x128xf32, #tpu.memory_space<vmem_shared>>
          tpu.enqueue_dma source(%dma_start3A_79 : memref<40x128xf32, #tpu.memory_space<vmem_shared>>) target(%arg8 : memref<40x128xf32, #tpu.memory_space<vmem>>) target_semaphore(%run_scoped3A_76 : memref<!tpu.dma_semaphore, #tpu.memory_space<semaphore_mem>>)
          %dma_wait3A = arith.constant 0 : i32
          %dma_wait3A_80 = tpu.memref_slice %arg9[%mul3A_73, %dma_wait3A] : memref<10000x128xf32, #tpu.memory_space<vmem_shared>> -> memref<40x128xf32, #tpu.memory_space<vmem_shared>>
          %dma_wait3A_81 = arith.constant 0 : i32
          %dma_wait3A_82 = tpu.memref_slice %arg9[%mul3A_73, %dma_wait3A_81] : memref<10000x128xf32, #tpu.memory_space<vmem_shared>> -> memref<40x128xf32, #tpu.memory_space<vmem_shared>>
          tpu.wait_dma2 semaphore(%run_scoped3A_76 : memref<!tpu.dma_semaphore, #tpu.memory_space<semaphore_mem>>) src(%dma_wait3A_82 : memref<40x128xf32, #tpu.memory_space<vmem_shared>>) dst(%arg8 : memref<40x128xf32, #tpu.memory_space<vmem>>)
          tpu.yield
        }) : () -> ()
        %mul3A_74 = arith.constant 40 : i32
        %mul3A_75 = arith.muli %add3A_68, %mul3A_74 : i32
        %run_scoped3A = arith.constant 1 : i32
        "tpu.region"() ({
          %run_scoped3A_76 = tpu.sem_alloc : memref<!tpu.dma_semaphore, #tpu.memory_space<semaphore_mem>>
          %dma_start3A = arith.constant 0 : i32
          %dma_start3A_77 = tpu.memref_slice %arg5[%run_scoped3A, %arg0, %mul3A_75, %dma_start3A] : memref<2x2x10000x128xf32, #tpu.memory_space<hbm>> -> memref<1x1x40x128xf32, #tpu.memory_space<hbm>>
          %dma_start3A_78 = tpu.memref_squeeze %dma_start3A_77 : memref<1x1x40x128xf32, #tpu.memory_space<hbm>> -> memref<40x128xf32, #tpu.memory_space<hbm>>
          %dma_start3A_79 = arith.constant 0 : i32
          %dma_start3A_80 = tpu.memref_slice %arg5[%run_scoped3A, %arg0, %mul3A_75, %dma_start3A_79] : memref<2x2x10000x128xf32, #tpu.memory_space<hbm>> -> memref<1x1x40x128xf32, #tpu.memory_space<hbm>>
          %dma_start3A_81 = tpu.memref_squeeze %dma_start3A_80 : memref<1x1x40x128xf32, #tpu.memory_space<hbm>> -> memref<40x128xf32, #tpu.memory_space<hbm>>
          tpu.enqueue_dma source(%arg8 : memref<40x128xf32, #tpu.memory_space<vmem>>) target(%dma_start3A_81 : memref<40x128xf32, #tpu.memory_space<hbm>>) target_semaphore(%run_scoped3A_76 : memref<!tpu.dma_semaphore, #tpu.memory_space<semaphore_mem>>)
          %dma_wait3A = arith.constant 0 : i32
          %dma_wait3A_82 = tpu.memref_slice %arg5[%run_scoped3A, %arg0, %mul3A_75, %dma_wait3A] : memref<2x2x10000x128xf32, #tpu.memory_space<hbm>> -> memref<1x1x40x128xf32, #tpu.memory_space<hbm>>
          %dma_wait3A_83 = tpu.memref_squeeze %dma_wait3A_82 : memref<1x1x40x128xf32, #tpu.memory_space<hbm>> -> memref<40x128xf32, #tpu.memory_space<hbm>>
          %dma_wait3A_84 = arith.constant 0 : i32
          %dma_wait3A_85 = tpu.memref_slice %arg5[%run_scoped3A, %arg0, %mul3A_75, %dma_wait3A_84] : memref<2x2x10000x128xf32, #tpu.memory_space<hbm>> -> memref<1x1x40x128xf32, #tpu.memory_space<hbm>>
          %dma_wait3A_86 = tpu.memref_squeeze %dma_wait3A_85 : memref<1x1x40x128xf32, #tpu.memory_space<hbm>> -> memref<40x128xf32, #tpu.memory_space<hbm>>
          tpu.wait_dma2 semaphore(%run_scoped3A_76 : memref<!tpu.dma_semaphore, #tpu.memory_space<semaphore_mem>>) src(%arg8 : memref<40x128xf32, #tpu.memory_space<vmem>>) dst(%dma_wait3A_86 : memref<40x128xf32, #tpu.memory_space<hbm>>)
          tpu.yield
        }) : () -> ()
      } else {
      }
      %scan3A_71 = arith.constant 0 : i32
      scf.yield %scan3A_71 : i32
    }
    %scan3A_62 = arith.constant 16 : i32
    %barrier3A_63 = arith.constant 0 : index
    tpu.barrier barrier_id(%barrier3A_63)
    return
  }
}

module attributes {stable_mosaic.version = 14 : i64} {
  func.func @_k1_body(%arg0: i32, %arg1: memref<1000x256xf32, #tpu.memory_space<vmem>>, %arg2: memref<256x256xf32, #tpu.memory_space<vmem>>, %arg3: memref<256x256xf32, #tpu.memory_space<vmem>>, %arg4: memref<1x256xf32, #tpu.memory_space<vmem>>, %arg5: memref<1000x256xf32, #tpu.memory_space<vmem>>) attributes {dimension_semantics = [#tpu.dimension_semantics<arbitrary>], iteration_bounds = array<i64: 10>, scalar_prefetch = 0 : i64, scratch_operands = 0 : i64, tpu.core_type = #tpu.core_type<tc>, window_params = [{transform_indices = @transform_0, window_bounds = array<i64: 1000, 256>}, {pipeline_mode = #tpu.pipeline_mode<synchronous>, transform_indices = @transform_1, window_bounds = array<i64: 256, 256>}, {pipeline_mode = #tpu.pipeline_mode<synchronous>, transform_indices = @transform_2, window_bounds = array<i64: 256, 256>}, {pipeline_mode = #tpu.pipeline_mode<synchronous>, transform_indices = @transform_3, window_bounds = array<i64: 1, 256>}, {transform_indices = @transform_4, window_bounds = array<i64: 1000, 256>}]} {
    %get3A = arith.constant 0 : index
    %get3A_0 = arith.constant 0 : index
    %get3A_1 = vector.load %arg1[%get3A, %get3A_0] : memref<1000x256xf32, #tpu.memory_space<vmem>>, vector<1000x256xf32>
    %get3A_2 = arith.constant 0 : index
    %get3A_3 = arith.constant 0 : index
    %get3A_4 = vector.load %arg2[%get3A_2, %get3A_3] : memref<256x256xf32, #tpu.memory_space<vmem>>, vector<256x256xf32>
    %dot_general3A = arith.constant dense<0.000000e+00> : vector<1000x256xf32>
    %dot_general3A_5 = tpu.matmul %get3A_1, %get3A_4, %dot_general3A {dimension_numbers = #tpu.dot_dimension_numbers<[1], [1], [0], [0], [0, 0, 1, 0], [], []>, transpose_lhs_hint = false} : vector<1000x256xf32>, vector<256x256xf32>, vector<1000x256xf32> -> vector<1000x256xf32>
    %get3A_6 = arith.constant 0 : index
    %get3A_7 = arith.constant 0 : index
    %get3A_8 = vector.load %arg4[%get3A_6, %get3A_7] : memref<1x256xf32, #tpu.memory_space<vmem>>, vector<1x256xf32>
    %add3A = vector.broadcast %get3A_8 : vector<1x256xf32> to vector<1000x256xf32>
    %add3A_9 = arith.addf %dot_general3A_5, %add3A : vector<1000x256xf32>
    %get3A_10 = arith.constant 0 : index
    %get3A_11 = arith.constant 0 : index
    %get3A_12 = vector.load %arg3[%get3A_10, %get3A_11] : memref<256x256xf32, #tpu.memory_space<vmem>>, vector<256x256xf32>
    %dot_general3A_13 = arith.constant dense<0.000000e+00> : vector<1000x256xf32>
    %dot_general3A_14 = tpu.matmul %add3A_9, %get3A_12, %dot_general3A_13 {dimension_numbers = #tpu.dot_dimension_numbers<[1], [0], [0], [1], [0, 0, 1, 1], [], []>, transpose_lhs_hint = false} : vector<1000x256xf32>, vector<256x256xf32>, vector<1000x256xf32> -> vector<1000x256xf32>
    %mul3A = arith.constant 6.250000e-02 : f32
    %mul3A_15 = vector.broadcast %mul3A : f32 to vector<1000x256xf32>
    %mul3A_16 = arith.mulf %dot_general3A_14, %mul3A_15 : vector<1000x256xf32>
    %swap3A = arith.constant 0 : index
    %swap3A_17 = arith.constant 0 : index
    %swap3A_18 = vector.load %arg5[%swap3A, %swap3A_17] : memref<1000x256xf32, #tpu.memory_space<vmem>>, vector<1000x256xf32>
    tpu.vector_store %arg5[%swap3A, %swap3A_17], %mul3A_16 {strides = array<i32>} : memref<1000x256xf32, #tpu.memory_space<vmem>>, vector<1000x256xf32>,
    return
  }
  func.func @transform_0(%arg0: i32) -> (i32, i32) {
    %c0_i32 = arith.constant 0 : i32
    %c0_i32_0 = arith.constant 0 : i32
    return %arg0, %c0_i32 : i32, i32
  }
  func.func @transform_1(%arg0: i32) -> (i32, i32) {
    %c0_i32 = arith.constant 0 : i32
    %c0_i32_0 = arith.constant 0 : i32
    %c0_i32_1 = arith.constant 0 : i32
    return %c0_i32, %c0_i32_0 : i32, i32
  }
  func.func @transform_2(%arg0: i32) -> (i32, i32) {
    %c0_i32 = arith.constant 0 : i32
    %c0_i32_0 = arith.constant 0 : i32
    %c0_i32_1 = arith.constant 0 : i32
    return %c0_i32, %c0_i32_0 : i32, i32
  }
  func.func @transform_3(%arg0: i32) -> (i32, i32) {
    %c0_i32 = arith.constant 0 : i32
    %c0_i32_0 = arith.constant 0 : i32
    %c0_i32_1 = arith.constant 0 : i32
    return %c0_i32, %c0_i32_0 : i32, i32
  }
  func.func @transform_4(%arg0: i32) -> (i32, i32) {
    %c0_i32 = arith.constant 0 : i32
    %c0_i32_0 = arith.constant 0 : i32
    return %arg0, %c0_i32 : i32, i32
  }
}

module attributes {stable_mosaic.version = 14 : i64} {
  func.func @_k3_body(%arg0: i32, %arg1: memref<1600x256xf32, #tpu.memory_space<vmem>>, %arg2: memref<1600x256xf32, #tpu.memory_space<vmem>>, %arg3: memref<8x256xf32, #tpu.memory_space<vmem>>, %arg4: memref<1x1x1600xi32, #tpu.memory_space<vmem>>, %arg5: memref<1x1x1600xf32, #tpu.memory_space<vmem>>, %arg6: memref<1x1x1600xi32, #tpu.memory_space<vmem>>, %arg7: memref<1x1xf32, #tpu.memory_space<smem>>, %arg8: memref<1x1xf32, #tpu.memory_space<smem>>) attributes {dimension_semantics = [#tpu.dimension_semantics<arbitrary>], iteration_bounds = array<i64: 100>, scalar_prefetch = 0 : i64, scratch_operands = 1 : i64, tpu.core_type = #tpu.core_type<tc>, window_params = [{transform_indices = @transform_0, window_bounds = array<i64: 1600, 256>}, {transform_indices = @transform_1, window_bounds = array<i64: 1600, 256>}, {pipeline_mode = #tpu.pipeline_mode<synchronous>, transform_indices = @transform_2, window_bounds = array<i64: 8, 256>}, {transform_indices = @transform_3, window_bounds = array<i64: 1, 1, 1600>}, {transform_indices = @transform_4, window_bounds = array<i64: 1, 1, 1600>}, {transform_indices = @transform_5, window_bounds = array<i64: 1, 1, 1600>}, {transform_indices = @transform_6, window_bounds = array<i64: 1, 1>}]} {
    %get3A = arith.constant 0 : index
    %get3A_0 = arith.constant 0 : index
    %get3A_1 = vector.load %arg1[%get3A, %get3A_0] : memref<1600x256xf32, #tpu.memory_space<vmem>>, vector<1600x256xf32>
    %get3A_2 = arith.constant 0 : index
    %get3A_3 = arith.constant 0 : index
    %get3A_4 = vector.load %arg2[%get3A_2, %get3A_3] : memref<1600x256xf32, #tpu.memory_space<vmem>>, vector<1600x256xf32>
    %mul3A = arith.mulf %get3A_4, %get3A_1 : vector<1600x256xf32>
    %reduce_sum3A = arith.constant dense<0.000000e+00> : vector<1600xf32>
    %reduce_sum3A_5 = vector.multi_reduction <add>, %mul3A, %reduce_sum3A [1] : vector<1600x256xf32> to vector<1600xf32>
    %get3A_6 = arith.constant 0 : index
    %get3A_7 = arith.constant 0 : index
    %get3A_8 = vector.load %arg3[%get3A_6, %get3A_7] : memref<8x256xf32, #tpu.memory_space<vmem>>, vector<8x256xf32>
    %dot_general3A = arith.constant dense<0.000000e+00> : vector<1600x8xf32>
    %dot_general3A_9 = tpu.matmul %get3A_1, %get3A_8, %dot_general3A {dimension_numbers = #tpu.dot_dimension_numbers<[1], [1], [0], [0], [0, 0, 1, 0], [], []>, transpose_lhs_hint = false} : vector<1600x256xf32>, vector<8x256xf32>, vector<1600x8xf32> -> vector<1600x8xf32>
    %reduce_max3A = arith.constant dense<0xFF800000> : vector<1600xf32>
    %reduce_max3A_10 = vector.multi_reduction <maximumf>, %dot_general3A_9, %reduce_max3A [1] : vector<1600x8xf32> to vector<1600xf32>
    %broadcast_in_dim3A = vector.shape_cast %reduce_max3A_10 : vector<1600xf32> to vector<1600x1xf32>
    %iota3A = tpu.iota {dimensions = array<i32: 1>} : vector<1600x8xi32>
    %eq3A = vector.broadcast %broadcast_in_dim3A : vector<1600x1xf32> to vector<1600x8xf32>
    %eq3A_11 = arith.cmpf oeq, %dot_general3A_9, %eq3A : vector<1600x8xf32>
    %jit3A = arith.constant 8 : i32
    %broadcast_in_dim3A_12 = vector.broadcast %jit3A : i32 to vector<1600x8xi32>
    %select_n3A = arith.select %eq3A_11, %iota3A, %broadcast_in_dim3A_12 : vector<1600x8xi1>, vector<1600x8xi32>
    %reduce_min3A = arith.constant dense<2147483647> : vector<1600xi32>
    %reduce_min3A_13 = vector.multi_reduction <minsi>, %select_n3A, %reduce_min3A [1] : vector<1600x8xi32> to vector<1600xi32>
    %broadcast_in_dim3A_14 = vector.shape_cast %reduce_sum3A_5 : vector<1600xf32> to vector<1x1x1600xf32>
    %swap3A = arith.constant 0 : index
    %swap3A_15 = arith.constant 0 : index
    %swap3A_16 = arith.constant 0 : index
    %swap3A_17 = vector.load %arg5[%swap3A, %swap3A_15, %swap3A_16] : memref<1x1x1600xf32, #tpu.memory_space<vmem>>, vector<1x1x1600xf32>
    tpu.vector_store %arg5[%swap3A, %swap3A_15, %swap3A_16], %broadcast_in_dim3A_14 {strides = array<i32>} : memref<1x1x1600xf32, #tpu.memory_space<vmem>>, vector<1x1x1600xf32>,
    %get3A_18 = arith.constant 0 : index
    %get3A_19 = arith.constant 0 : index
    %get3A_20 = arith.constant 0 : index
    %get3A_21 = vector.load %arg4[%get3A_18, %get3A_19, %get3A_20] : memref<1x1x1600xi32, #tpu.memory_space<vmem>>, vector<1x1x1600xi32>
    %get3A_22 = vector.shape_cast %get3A_21 : vector<1x1x1600xi32> to vector<1600xi32>
    %mul3A_23 = arith.constant 8 : i32
    %mul3A_24 = vector.broadcast %mul3A_23 : i32 to vector<1600xi32>
    %mul3A_25 = arith.muli %get3A_22, %mul3A_24 : vector<1600xi32>
    %add3A = arith.addi %mul3A_25, %reduce_min3A_13 : vector<1600xi32>
    %broadcast_in_dim3A_26 = vector.shape_cast %add3A : vector<1600xi32> to vector<1x1x1600xi32>
    %swap3A_27 = arith.constant 0 : index
    %swap3A_28 = arith.constant 0 : index
    %swap3A_29 = arith.constant 0 : index
    %swap3A_30 = vector.load %arg6[%swap3A_27, %swap3A_28, %swap3A_29] : memref<1x1x1600xi32, #tpu.memory_space<vmem>>, vector<1x1x1600xi32>
    tpu.vector_store %arg6[%swap3A_27, %swap3A_28, %swap3A_29], %broadcast_in_dim3A_26 {strides = array<i32>} : memref<1x1x1600xi32, #tpu.memory_space<vmem>>, vector<1x1x1600xi32>,
    %reduce_max3A_31 = vector.shape_cast %reduce_sum3A_5 : vector<1600xf32> to vector<1x1600xf32>
    %reduce_max3A_32 = arith.constant dense<0xFF800000> : vector<1xf32>
    %reduce_max3A_33 = vector.multi_reduction <maximumf>, %reduce_max3A_31, %reduce_max3A_32 [1] : vector<1x1600xf32> to vector<1xf32>
    %reduce_max3A_34 = vector.shape_cast %reduce_max3A_33 : vector<1xf32> to vector<1x1xf32>
    %reduce_max3A_35 = vector.extract %reduce_max3A_34[0, 0] : f32 from vector<1x1xf32>
    %eq3A_36 = arith.constant 0 : i32
    %eq3A_37 = arith.cmpi eq, %arg0, %eq3A_36 : i32
    %convert_element_type3A = arith.extui %eq3A_37 : i1 to i32
    %cond3A = arith.constant 0 : i32
    %cond3A_38 = arith.cmpi ne, %convert_element_type3A, %cond3A : i32
    scf.if %cond3A_38 {
      %swap3A_49 = arith.constant 0 : index
      %swap3A_50 = arith.constant 0 : index
      %swap3A_51 = memref.load %arg8[%swap3A_49, %swap3A_50] : memref<1x1xf32, #tpu.memory_space<smem>>
      memref.store %reduce_max3A_35, %arg8[%swap3A_49, %swap3A_50] : memref<1x1xf32, #tpu.memory_space<smem>>
    } else {
    }
    %gt3A = arith.constant 0 : i32
    %gt3A_39 = arith.cmpi sgt, %arg0, %gt3A : i32
    %convert_element_type3A_40 = arith.extui %gt3A_39 : i1 to i32
    %cond3A_41 = arith.constant 0 : i32
    %cond3A_42 = arith.cmpi ne, %convert_element_type3A_40, %cond3A_41 : i32
    scf.if %cond3A_42 {
      %get3A_49 = arith.constant 0 : index
      %get3A_50 = arith.constant 0 : index
      %get3A_51 = memref.load %arg8[%get3A_49, %get3A_50] : memref<1x1xf32, #tpu.memory_space<smem>>
      %max3A = arith.maximumf %get3A_51, %reduce_max3A_35 : f32
      %swap3A_52 = arith.constant 0 : index
      %swap3A_53 = arith.constant 0 : index
      %swap3A_54 = memref.load %arg8[%swap3A_52, %swap3A_53] : memref<1x1xf32, #tpu.memory_space<smem>>
      memref.store %max3A, %arg8[%swap3A_52, %swap3A_53] : memref<1x1xf32, #tpu.memory_space<smem>>
    } else {
    }
    %get3A_43 = arith.constant 0 : index
    %get3A_44 = arith.constant 0 : index
    %get3A_45 = memref.load %arg8[%get3A_43, %get3A_44] : memref<1x1xf32, #tpu.memory_space<smem>>
    %swap3A_46 = arith.constant 0 : index
    %swap3A_47 = arith.constant 0 : index
    %swap3A_48 = memref.load %arg7[%swap3A_46, %swap3A_47] : memref<1x1xf32, #tpu.memory_space<smem>>
    memref.store %get3A_45, %arg7[%swap3A_46, %swap3A_47] : memref<1x1xf32, #tpu.memory_space<smem>>
    return
  }
  func.func @transform_0(%arg0: i32) -> (i32, i32) {
    %c0_i32 = arith.constant 0 : i32
    %c0_i32_0 = arith.constant 0 : i32
    return %arg0, %c0_i32 : i32, i32
  }
  func.func @transform_1(%arg0: i32) -> (i32, i32) {
    %c0_i32 = arith.constant 0 : i32
    %c0_i32_0 = arith.constant 0 : i32
    return %arg0, %c0_i32 : i32, i32
  }
  func.func @transform_2(%arg0: i32) -> (i32, i32) {
    %c0_i32 = arith.constant 0 : i32
    %c0_i32_0 = arith.constant 0 : i32
    %c0_i32_1 = arith.constant 0 : i32
    return %c0_i32, %c0_i32_0 : i32, i32
  }
  func.func @transform_3(%arg0: i32) -> (i32, i32, i32) {
    %c0_i32 = arith.constant 0 : i32
    %c0_i32_0 = arith.constant 0 : i32
    %c0_i32_1 = arith.constant 0 : i32
    return %arg0, %c0_i32, %c0_i32_0 : i32, i32, i32
  }
  func.func @transform_4(%arg0: i32) -> (i32, i32, i32) {
    %c0_i32 = arith.constant 0 : i32
    %c0_i32_0 = arith.constant 0 : i32
    %c0_i32_1 = arith.constant 0 : i32
    return %arg0, %c0_i32, %c0_i32_0 : i32, i32, i32
  }
  func.func @transform_5(%arg0: i32) -> (i32, i32, i32) {
    %c0_i32 = arith.constant 0 : i32
    %c0_i32_0 = arith.constant 0 : i32
    %c0_i32_1 = arith.constant 0 : i32
    return %arg0, %c0_i32, %c0_i32_0 : i32, i32, i32
  }
  func.func @transform_6(%arg0: i32) -> (i32, i32) {
    %c0_i32 = arith.constant 0 : i32
    %c0_i32_0 = arith.constant 0 : i32
    %c0_i32_1 = arith.constant 0 : i32
    return %c0_i32, %c0_i32_0 : i32, i32
  }
}

module attributes {stable_mosaic.version = 14 : i64} {
  func.func @_k3b_body(%arg0: i32, %arg1: memref<1x1x1600xf32, #tpu.memory_space<vmem>>, %arg2: memref<1x1xf32, #tpu.memory_space<smem>>, %arg3: memref<1x1x1600xf32, #tpu.memory_space<vmem>>) attributes {dimension_semantics = [#tpu.dimension_semantics<arbitrary>], iteration_bounds = array<i64: 100>, scalar_prefetch = 0 : i64, scratch_operands = 0 : i64, tpu.core_type = #tpu.core_type<tc>, window_params = [{transform_indices = @transform_0, window_bounds = array<i64: 1, 1, 1600>}, {transform_indices = @transform_1, window_bounds = array<i64: 1, 1>}, {transform_indices = @transform_2, window_bounds = array<i64: 1, 1, 1600>}]} {
    %get3A = arith.constant 0 : index
    %get3A_0 = arith.constant 0 : index
    %get3A_1 = arith.constant 0 : index
    %get3A_2 = vector.load %arg1[%get3A, %get3A_0, %get3A_1] : memref<1x1x1600xf32, #tpu.memory_space<vmem>>, vector<1x1x1600xf32>
    %get3A_3 = arith.constant 0 : index
    %get3A_4 = arith.constant 0 : index
    %get3A_5 = memref.load %arg2[%get3A_3, %get3A_4] : memref<1x1xf32, #tpu.memory_space<smem>>
    %sub3A = vector.broadcast %get3A_5 : f32 to vector<1x1x1600xf32>
    %sub3A_6 = arith.subf %get3A_2, %sub3A : vector<1x1x1600xf32>
    %exp3A = math.exp %sub3A_6 : vector<1x1x1600xf32>
    %swap3A = arith.constant 0 : index
    %swap3A_7 = arith.constant 0 : index
    %swap3A_8 = arith.constant 0 : index
    %swap3A_9 = vector.load %arg3[%swap3A, %swap3A_7, %swap3A_8] : memref<1x1x1600xf32, #tpu.memory_space<vmem>>, vector<1x1x1600xf32>
    tpu.vector_store %arg3[%swap3A, %swap3A_7, %swap3A_8], %exp3A {strides = array<i32>} : memref<1x1x1600xf32, #tpu.memory_space<vmem>>, vector<1x1x1600xf32>,
    return
  }
  func.func @transform_0(%arg0: i32) -> (i32, i32, i32) {
    %c0_i32 = arith.constant 0 : i32
    %c0_i32_0 = arith.constant 0 : i32
    %c0_i32_1 = arith.constant 0 : i32
    return %arg0, %c0_i32, %c0_i32_0 : i32, i32, i32
  }
  func.func @transform_1(%arg0: i32) -> (i32, i32) {
    %c0_i32 = arith.constant 0 : i32
    %c0_i32_0 = arith.constant 0 : i32
    %c0_i32_1 = arith.constant 0 : i32
    return %c0_i32, %c0_i32_0 : i32, i32
  }
  func.func @transform_2(%arg0: i32) -> (i32, i32, i32) {
    %c0_i32 = arith.constant 0 : i32
    %c0_i32_0 = arith.constant 0 : i32
    %c0_i32_1 = arith.constant 0 : i32
    return %arg0, %c0_i32, %c0_i32_0 : i32, i32, i32
  }
}

module attributes {stable_mosaic.version = 14 : i64} {
  func.func @_k5_body(%arg0: memref<2x10000x8xf32, #tpu.memory_space<vmem>>, %arg1: memref<2x10000x8xf32, #tpu.memory_space<vmem>>, %arg2: memref<10000x8xf32, #tpu.memory_space<vmem>>, %arg3: memref<10000x8xf32, #tpu.memory_space<vmem>>) attributes {dimension_semantics = [], scalar_prefetch = 0 : i64, scratch_operands = 0 : i64, tpu.core_type = #tpu.core_type<tc>} {
    %get3A = arith.constant 0 : index
    %get3A_0 = arith.constant 0 : index
    %get3A_1 = arith.constant 0 : index
    %get3A_2 = vector.load %arg0[%get3A, %get3A_0, %get3A_1] : memref<2x10000x8xf32, #tpu.memory_space<vmem>>, vector<1x10000x8xf32>
    %get3A_3 = vector.shape_cast %get3A_2 : vector<1x10000x8xf32> to vector<10000x8xf32>
    %get3A_4 = arith.constant 1 : index
    %get3A_5 = arith.constant 0 : index
    %get3A_6 = arith.constant 0 : index
    %get3A_7 = vector.load %arg0[%get3A_4, %get3A_5, %get3A_6] : memref<2x10000x8xf32, #tpu.memory_space<vmem>>, vector<1x10000x8xf32>
    %get3A_8 = vector.shape_cast %get3A_7 : vector<1x10000x8xf32> to vector<10000x8xf32>
    %add3A = arith.addf %get3A_3, %get3A_8 : vector<10000x8xf32>
    %get3A_9 = arith.constant 0 : index
    %get3A_10 = arith.constant 0 : index
    %get3A_11 = arith.constant 0 : index
    %get3A_12 = vector.load %arg1[%get3A_9, %get3A_10, %get3A_11] : memref<2x10000x8xf32, #tpu.memory_space<vmem>>, vector<1x10000x8xf32>
    %get3A_13 = vector.shape_cast %get3A_12 : vector<1x10000x8xf32> to vector<10000x8xf32>
    %get3A_14 = arith.constant 1 : index
    %get3A_15 = arith.constant 0 : index
    %get3A_16 = arith.constant 0 : index
    %get3A_17 = vector.load %arg1[%get3A_14, %get3A_15, %get3A_16] : memref<2x10000x8xf32, #tpu.memory_space<vmem>>, vector<1x10000x8xf32>
    %get3A_18 = vector.shape_cast %get3A_17 : vector<1x10000x8xf32> to vector<10000x8xf32>
    %add3A_19 = arith.addf %get3A_13, %get3A_18 : vector<10000x8xf32>
    %reduce_max3A = arith.constant dense<0xFF800000> : vector<8xf32>
    %reduce_max3A_20 = vector.multi_reduction <maximumf>, %add3A_19, %reduce_max3A [0] : vector<10000x8xf32> to vector<8xf32>
    %gt3A = arith.constant 0.000000e+00 : f32
    %gt3A_21 = vector.broadcast %gt3A : f32 to vector<8xf32>
    %gt3A_22 = arith.cmpf ogt, %reduce_max3A_20, %gt3A_21 : vector<8xf32>
    %convert_element_type3A = arith.extui %gt3A_22 : vector<8xi1> to vector<8xi32>
    %convert_element_type3A_23 = arith.sitofp %convert_element_type3A : vector<8xi32> to vector<8xf32>
    %reduce_sum3A = vector.shape_cast %convert_element_type3A_23 : vector<8xf32> to vector<1x8xf32>
    %reduce_sum3A_24 = arith.constant dense<0.000000e+00> : vector<1xf32>
    %reduce_sum3A_25 = vector.multi_reduction <add>, %reduce_sum3A, %reduce_sum3A_24 [1] : vector<1x8xf32> to vector<1xf32>
    %reduce_sum3A_26 = vector.shape_cast %reduce_sum3A_25 : vector<1xf32> to vector<1x1xf32>
    %reduce_sum3A_27 = vector.extract %reduce_sum3A_26[0, 0] : f32 from vector<1x1xf32>
    %gt3A_28 = arith.constant 0.000000e+00 : f32
    %gt3A_29 = vector.broadcast %gt3A_28 : f32 to vector<10000x8xf32>
    %gt3A_30 = arith.cmpf ogt, %add3A, %gt3A_29 : vector<10000x8xf32>
    %jit3A = arith.constant 1.000000e+00 : f32
    %broadcast_in_dim3A = vector.broadcast %jit3A : f32 to vector<10000x8xf32>
    %select_n3A = arith.select %gt3A_30, %add3A, %broadcast_in_dim3A : vector<10000x8xi1>, vector<10000x8xf32>
    %max3A = arith.constant 1.000000e+00 : f32
    %max3A_31 = vector.broadcast %max3A : f32 to vector<10000x8xf32>
    %max3A_32 = arith.maximumf %add3A_19, %max3A_31 : vector<10000x8xf32>
    %mul3A = arith.mulf %select_n3A, %max3A_32 : vector<10000x8xf32>
    %mul3A_33 = vector.broadcast %reduce_sum3A_27 : f32 to vector<10000x8xf32>
    %mul3A_34 = arith.mulf %mul3A, %mul3A_33 : vector<10000x8xf32>
    %div3A = arith.constant 1.000000e+00 : f32
    %div3A_35 = vector.broadcast %div3A : f32 to vector<10000x8xf32>
    %div3A_36 = arith.divf %div3A_35, %mul3A_34 : vector<10000x8xf32>
    %swap3A = arith.constant 0 : index
    %swap3A_37 = arith.constant 0 : index
    %swap3A_38 = vector.load %arg2[%swap3A, %swap3A_37] : memref<10000x8xf32, #tpu.memory_space<vmem>>, vector<10000x8xf32>
    tpu.vector_store %arg2[%swap3A, %swap3A_37], %div3A_36 {strides = array<i32>} : memref<10000x8xf32, #tpu.memory_space<vmem>>, vector<10000x8xf32>,
    %gt3A_39 = arith.constant 0.000000e+00 : f32
    %gt3A_40 = vector.broadcast %gt3A_39 : f32 to vector<10000x8xf32>
    %gt3A_41 = arith.cmpf ogt, %add3A_19, %gt3A_40 : vector<10000x8xf32>
    %div3A_42 = arith.constant 1.000000e+00 : f32
    %div3A_43 = vector.broadcast %div3A_42 : f32 to vector<10000x8xf32>
    %div3A_44 = arith.divf %div3A_43, %max3A_32 : vector<10000x8xf32>
    %jit3A_45 = arith.constant 0.000000e+00 : f32
    %broadcast_in_dim3A_46 = vector.broadcast %jit3A_45 : f32 to vector<10000x8xf32>
    %select_n3A_47 = arith.select %gt3A_41, %div3A_44, %broadcast_in_dim3A_46 : vector<10000x8xi1>, vector<10000x8xf32>
    %reduce_sum3A_48 = arith.constant dense<0.000000e+00> : vector<10000xf32>
    %reduce_sum3A_49 = vector.multi_reduction <add>, %select_n3A_47, %reduce_sum3A_48 [1] : vector<10000x8xf32> to vector<10000xf32>
    %div3A_50 = vector.broadcast %reduce_sum3A_27 : f32 to vector<10000xf32>
    %div3A_51 = arith.divf %reduce_sum3A_49, %div3A_50 : vector<10000xf32>
    %broadcast_in_dim3A_52 = vector.shape_cast %div3A_51 : vector<10000xf32> to vector<10000x1xf32>
    %broadcast_in_dim3A_53 = vector.shape_cast %broadcast_in_dim3A_52 : vector<10000x1xf32> to vector<10000x1xf32>
    %broadcast_in_dim3A_54 = vector.broadcast %broadcast_in_dim3A_53 : vector<10000x1xf32> to vector<10000x8xf32>
    %swap3A_55 = arith.constant 0 : index
    %swap3A_56 = arith.constant 0 : index
    %swap3A_57 = vector.load %arg3[%swap3A_55, %swap3A_56] : memref<10000x8xf32, #tpu.memory_space<vmem>>, vector<10000x8xf32>
    tpu.vector_store %arg3[%swap3A_55, %swap3A_56], %broadcast_in_dim3A_54 {strides = array<i32>} : memref<10000x8xf32, #tpu.memory_space<vmem>>, vector<10000x8xf32>,
    return
  }
}

module attributes {stable_mosaic.version = 14 : i64} {
  func.func @_k5b_body(%arg0: i32, %arg1: memref<1000x8xf32, #tpu.memory_space<vmem>>, %arg2: memref<1000x1024xf32, #tpu.memory_space<vmem>>) attributes {dimension_semantics = [#tpu.dimension_semantics<arbitrary>], iteration_bounds = array<i64: 10>, scalar_prefetch = 0 : i64, scratch_operands = 0 : i64, tpu.core_type = #tpu.core_type<tc>, window_params = [{transform_indices = @transform_0, window_bounds = array<i64: 1000, 8>}, {transform_indices = @transform_1, window_bounds = array<i64: 1000, 1024>}]} {
    %get3A = arith.constant 0 : index
    %get3A_0 = arith.constant 0 : index
    %get3A_1 = vector.load %arg1[%get3A, %get3A_0] : memref<1000x8xf32, #tpu.memory_space<vmem>>, vector<1000x8xf32>
    %broadcast_in_dim3A = vector.shape_cast %get3A_1 : vector<1000x8xf32> to vector<1000x8x1xf32>
    %broadcast_in_dim3A_2 = vector.shape_cast %broadcast_in_dim3A : vector<1000x8x1xf32> to vector<1000x8x1xf32>
    %broadcast_in_dim3A_3 = vector.broadcast %broadcast_in_dim3A_2 : vector<1000x8x1xf32> to vector<1000x8x128xf32>
    %reshape3A = vector.shape_cast %broadcast_in_dim3A_3 : vector<1000x8x128xf32> to vector<1000x1024xf32>
    %iota3A = tpu.iota {dimensions = array<i32: 1>} : vector<1000x1024xi32>
    %jit3A = arith.constant 128 : i32
    %eq3A = arith.constant 0 : i32
    %eq3A_4 = arith.cmpi eq, %jit3A, %eq3A : i32
    %jit3A_5 = arith.constant 1 : i32
    %select_n3A = arith.select %eq3A_4, %jit3A_5, %jit3A : i32
    %rem3A = vector.broadcast %select_n3A : i32 to vector<1000x1024xi32>
    %rem3A_6 = arith.remsi %iota3A, %rem3A : vector<1000x1024xi32>
    %ne3A = arith.constant 0 : i32
    %ne3A_7 = vector.broadcast %ne3A : i32 to vector<1000x1024xi32>
    %ne3A_8 = arith.cmpi ne, %rem3A_6, %ne3A_7 : vector<1000x1024xi32>
    %lt3A = arith.constant 0 : i32
    %lt3A_9 = vector.broadcast %lt3A : i32 to vector<1000x1024xi32>
    %lt3A_10 = arith.cmpi slt, %rem3A_6, %lt3A_9 : vector<1000x1024xi32>
    %lt3A_11 = arith.constant 0 : i32
    %lt3A_12 = arith.cmpi slt, %select_n3A, %lt3A_11 : i32
    %ne3A_13 = vector.broadcast %lt3A_12 : i1 to vector<1000x1024xi1>
    %ne3A_14 = vector.broadcast %ne3A_13 : vector<1000x1024xi1> to vector<1000x1024xi1>
    %ne3A_15 = arith.xori %lt3A_10, %ne3A_14 : vector<1000x1024xi1>
    %and3A = arith.andi %ne3A_15, %ne3A_8 : vector<1000x1024xi1>
    %add3A = vector.broadcast %select_n3A : i32 to vector<1000x1024xi32>
    %add3A_16 = arith.addi %rem3A_6, %add3A : vector<1000x1024xi32>
    %select_n3A_17 = arith.select %and3A, %add3A_16, %rem3A_6 : vector<1000x1024xi1>, vector<1000x1024xi32>
    %eq3A_18 = arith.constant 0 : i32
    %eq3A_19 = vector.broadcast %eq3A_18 : i32 to vector<1000x1024xi32>
    %eq3A_20 = arith.cmpi eq, %select_n3A_17, %eq3A_19 : vector<1000x1024xi32>
    %jit3A_21 = arith.constant 0.000000e+00 : f32
    %broadcast_in_dim3A_22 = vector.broadcast %jit3A_21 : f32 to vector<1000x1024xf32>
    %select_n3A_23 = arith.select %eq3A_20, %reshape3A, %broadcast_in_dim3A_22 : vector<1000x1024xi1>, vector<1000x1024xf32>
    %swap3A = arith.constant 0 : index
    %swap3A_24 = arith.constant 0 : index
    %swap3A_25 = vector.load %arg2[%swap3A, %swap3A_24] : memref<1000x1024xf32, #tpu.memory_space<vmem>>, vector<1000x1024xf32>
    tpu.vector_store %arg2[%swap3A, %swap3A_24], %select_n3A_23 {strides = array<i32>} : memref<1000x1024xf32, #tpu.memory_space<vmem>>, vector<1000x1024xf32>,
    return
  }
  func.func @transform_0(%arg0: i32) -> (i32, i32) {
    %c0_i32 = arith.constant 0 : i32
    %c0_i32_0 = arith.constant 0 : i32
    return %arg0, %c0_i32 : i32, i32
  }
  func.func @transform_1(%arg0: i32) -> (i32, i32) {
    %c0_i32 = arith.constant 0 : i32
    %c0_i32_0 = arith.constant 0 : i32
    return %arg0, %c0_i32 : i32, i32
  }
}

module attributes {stable_mosaic.version = 14 : i64} {
  func.func @_k6b_body(%arg0: i32, %arg1: memref<1600x256xf32, #tpu.memory_space<vmem>>, %arg2: memref<1x1x1600xf32, #tpu.memory_space<vmem>>, %arg3: memref<1600x128xf32, #tpu.memory_space<vmem>>, %arg4: memref<1600x128xf32, #tpu.memory_space<vmem>>, %arg5: memref<1600x128xf32, #tpu.memory_space<vmem>>) attributes {dimension_semantics = [#tpu.dimension_semantics<arbitrary>], iteration_bounds = array<i64: 100>, scalar_prefetch = 0 : i64, scratch_operands = 0 : i64, tpu.core_type = #tpu.core_type<tc>, window_params = [{transform_indices = @transform_0, window_bounds = array<i64: 1600, 256>}, {transform_indices = @transform_1, window_bounds = array<i64: 1, 1, 1600>}, {transform_indices = @transform_2, window_bounds = array<i64: 1600, 128>}, {transform_indices = @transform_3, window_bounds = array<i64: 1600, 128>}, {transform_indices = @transform_4, window_bounds = array<i64: 1600, 128>}]} {
    %get3A = arith.constant 0 : index
    %get3A_0 = arith.constant 0 : index
    %get3A_1 = arith.constant 0 : index
    %get3A_2 = vector.load %arg2[%get3A, %get3A_0, %get3A_1] : memref<1x1x1600xf32, #tpu.memory_space<vmem>>, vector<1x1x1600xf32>
    %get3A_3 = vector.shape_cast %get3A_2 : vector<1x1x1600xf32> to vector<1600xf32>
    %broadcast_in_dim3A = vector.shape_cast %get3A_3 : vector<1600xf32> to vector<1600x1xf32>
    %get3A_4 = arith.constant 0 : index
    %get3A_5 = arith.constant 0 : index
    %get3A_6 = vector.load %arg3[%get3A_4, %get3A_5] : memref<1600x128xf32, #tpu.memory_space<vmem>>, vector<1600x1xf32>
    %mul3A = arith.mulf %broadcast_in_dim3A, %get3A_6 : vector<1600x1xf32>
    %get3A_7 = arith.constant 0 : index
    %get3A_8 = arith.constant 0 : index
    %get3A_9 = vector.load %arg1[%get3A_7, %get3A_8] : memref<1600x256xf32, #tpu.memory_space<vmem>>, vector<1600x256xf32>
    %mul3A_10 = vector.broadcast %mul3A : vector<1600x1xf32> to vector<1600x256xf32>
    %mul3A_11 = arith.mulf %get3A_9, %mul3A_10 : vector<1600x256xf32>
    %slice3A = vector.extract_strided_slice %mul3A_11 {offsets = [0, 0], sizes = [1600, 128], strides = [1, 1]} : vector<1600x256xf32> to vector<1600x128xf32>
    %swap3A = arith.constant 0 : index
    %swap3A_12 = arith.constant 0 : index
    %swap3A_13 = vector.load %arg4[%swap3A, %swap3A_12] : memref<1600x128xf32, #tpu.memory_space<vmem>>, vector<1600x128xf32>
    tpu.vector_store %arg4[%swap3A, %swap3A_12], %slice3A {strides = array<i32>} : memref<1600x128xf32, #tpu.memory_space<vmem>>, vector<1600x128xf32>,
    %slice3A_14 = vector.extract_strided_slice %mul3A_11 {offsets = [0, 128], sizes = [1600, 128], strides = [1, 1]} : vector<1600x256xf32> to vector<1600x128xf32>
    %swap3A_15 = arith.constant 0 : index
    %swap3A_16 = arith.constant 0 : index
    %swap3A_17 = vector.load %arg5[%swap3A_15, %swap3A_16] : memref<1600x128xf32, #tpu.memory_space<vmem>>, vector<1600x128xf32>
    tpu.vector_store %arg5[%swap3A_15, %swap3A_16], %slice3A_14 {strides = array<i32>} : memref<1600x128xf32, #tpu.memory_space<vmem>>, vector<1600x128xf32>,
    return
  }
  func.func @transform_0(%arg0: i32) -> (i32, i32) {
    %c0_i32 = arith.constant 0 : i32
    %c0_i32_0 = arith.constant 0 : i32
    return %arg0, %c0_i32 : i32, i32
  }
  func.func @transform_1(%arg0: i32) -> (i32, i32, i32) {
    %c0_i32 = arith.constant 0 : i32
    %c0_i32_0 = arith.constant 0 : i32
    %c0_i32_1 = arith.constant 0 : i32
    return %arg0, %c0_i32, %c0_i32_0 : i32, i32, i32
  }
  func.func @transform_2(%arg0: i32) -> (i32, i32) {
    %c0_i32 = arith.constant 0 : i32
    %c0_i32_0 = arith.constant 0 : i32
    return %arg0, %c0_i32 : i32, i32
  }
  func.func @transform_3(%arg0: i32) -> (i32, i32) {
    %c0_i32 = arith.constant 0 : i32
    %c0_i32_0 = arith.constant 0 : i32
    return %arg0, %c0_i32 : i32, i32
  }
  func.func @transform_4(%arg0: i32) -> (i32, i32) {
    %c0_i32 = arith.constant 0 : i32
    %c0_i32_0 = arith.constant 0 : i32
    return %arg0, %c0_i32 : i32, i32
  }
}

module attributes {stable_mosaic.version = 14 : i64} {
  func.func @_k8_body(%arg0: i32, %arg1: memref<2x2x1000x128xf32, #tpu.memory_space<vmem>>, %arg2: memref<1000x8xf32, #tpu.memory_space<vmem>>, %arg3: memref<256x256xf32, #tpu.memory_space<vmem>>, %arg4: memref<1x256xf32, #tpu.memory_space<vmem>>, %arg5: memref<256x256xf32, #tpu.memory_space<vmem>>, %arg6: memref<1x256xf32, #tpu.memory_space<vmem>>, %arg7: memref<1000x256xf32, #tpu.memory_space<vmem>>) attributes {dimension_semantics = [#tpu.dimension_semantics<arbitrary>], iteration_bounds = array<i64: 10>, scalar_prefetch = 0 : i64, scratch_operands = 0 : i64, tpu.core_type = #tpu.core_type<tc>, window_params = [{transform_indices = @transform_0, window_bounds = array<i64: 2, 2, 1000, 128>}, {transform_indices = @transform_1, window_bounds = array<i64: 1000, 8>}, {pipeline_mode = #tpu.pipeline_mode<synchronous>, transform_indices = @transform_2, window_bounds = array<i64: 256, 256>}, {pipeline_mode = #tpu.pipeline_mode<synchronous>, transform_indices = @transform_3, window_bounds = array<i64: 1, 256>}, {pipeline_mode = #tpu.pipeline_mode<synchronous>, transform_indices = @transform_4, window_bounds = array<i64: 256, 256>}, {pipeline_mode = #tpu.pipeline_mode<synchronous>, transform_indices = @transform_5, window_bounds = array<i64: 1, 256>}, {transform_indices = @transform_6, window_bounds = array<i64: 1000, 256>}]} {
    %get3A = arith.constant 0 : index
    %get3A_0 = arith.constant 0 : index
    %get3A_1 = arith.constant 0 : index
    %get3A_2 = arith.constant 0 : index
    %get3A_3 = vector.load %arg1[%get3A, %get3A_0, %get3A_1, %get3A_2] : memref<2x2x1000x128xf32, #tpu.memory_space<vmem>>, vector<1x1x1000x128xf32>
    %get3A_4 = vector.shape_cast %get3A_3 : vector<1x1x1000x128xf32> to vector<1000x128xf32>
    %get3A_5 = arith.constant 0 : index
    %get3A_6 = arith.constant 1 : index
    %get3A_7 = arith.constant 0 : index
    %get3A_8 = arith.constant 0 : index
    %get3A_9 = vector.load %arg1[%get3A_5, %get3A_6, %get3A_7, %get3A_8] : memref<2x2x1000x128xf32, #tpu.memory_space<vmem>>, vector<1x1x1000x128xf32>
    %get3A_10 = vector.shape_cast %get3A_9 : vector<1x1x1000x128xf32> to vector<1000x128xf32>
    %add3A = arith.addf %get3A_4, %get3A_10 : vector<1000x128xf32>
    %get3A_11 = arith.constant 1 : index
    %get3A_12 = arith.constant 0 : index
    %get3A_13 = arith.constant 0 : index
    %get3A_14 = arith.constant 0 : index
    %get3A_15 = vector.load %arg1[%get3A_11, %get3A_12, %get3A_13, %get3A_14] : memref<2x2x1000x128xf32, #tpu.memory_space<vmem>>, vector<1x1x1000x128xf32>
    %get3A_16 = vector.shape_cast %get3A_15 : vector<1x1x1000x128xf32> to vector<1000x128xf32>
    %get3A_17 = arith.constant 1 : index
    %get3A_18 = arith.constant 1 : index
    %get3A_19 = arith.constant 0 : index
    %get3A_20 = arith.constant 0 : index
    %get3A_21 = vector.load %arg1[%get3A_17, %get3A_18, %get3A_19, %get3A_20] : memref<2x2x1000x128xf32, #tpu.memory_space<vmem>>, vector<1x1x1000x128xf32>
    %get3A_22 = vector.shape_cast %get3A_21 : vector<1x1x1000x128xf32> to vector<1000x128xf32>
    %add3A_23 = arith.addf %get3A_16, %get3A_22 : vector<1000x128xf32>
    %concatenate3A = tpu.concatenate %add3A, %add3A_23 in 1 : vector<1000x128xf32>, vector<1000x128xf32> -> vector<1000x256xf32>
    %get3A_24 = arith.constant 0 : index
    %get3A_25 = arith.constant 0 : index
    %get3A_26 = vector.load %arg3[%get3A_24, %get3A_25] : memref<256x256xf32, #tpu.memory_space<vmem>>, vector<256x256xf32>
    %dot_general3A = arith.constant dense<0.000000e+00> : vector<1000x256xf32>
    %dot_general3A_27 = tpu.matmul %concatenate3A, %get3A_26, %dot_general3A {dimension_numbers = #tpu.dot_dimension_numbers<[1], [1], [0], [0], [0, 0, 1, 0], [], []>, transpose_lhs_hint = false} : vector<1000x256xf32>, vector<256x256xf32>, vector<1000x256xf32> -> vector<1000x256xf32>
    %get3A_28 = arith.constant 0 : index
    %get3A_29 = arith.constant 0 : index
    %get3A_30 = vector.load %arg2[%get3A_28, %get3A_29] : memref<1000x8xf32, #tpu.memory_space<vmem>>, vector<1000x1xf32>
    %get3A_31 = arith.constant 0 : index
    %get3A_32 = arith.constant 0 : index
    %get3A_33 = vector.load %arg4[%get3A_31, %get3A_32] : memref<1x256xf32, #tpu.memory_space<vmem>>, vector<1x256xf32>
    %mul3A = vector.broadcast %get3A_30 : vector<1000x1xf32> to vector<1000x256xf32>
    %mul3A_34 = vector.broadcast %get3A_33 : vector<1x256xf32> to vector<1000x256xf32>
    %mul3A_35 = arith.mulf %mul3A, %mul3A_34 : vector<1000x256xf32>
    %add3A_36 = arith.addf %dot_general3A_27, %mul3A_35 : vector<1000x256xf32>
    %get3A_37 = arith.constant 0 : index
    %get3A_38 = arith.constant 0 : index
    %get3A_39 = vector.load %arg5[%get3A_37, %get3A_38] : memref<256x256xf32, #tpu.memory_space<vmem>>, vector<256x256xf32>
    %dot_general3A_40 = arith.constant dense<0.000000e+00> : vector<1000x256xf32>
    %dot_general3A_41 = tpu.matmul %add3A_36, %get3A_39, %dot_general3A_40 {dimension_numbers = #tpu.dot_dimension_numbers<[1], [1], [0], [0], [0, 0, 1, 0], [], []>, transpose_lhs_hint = false} : vector<1000x256xf32>, vector<256x256xf32>, vector<1000x256xf32> -> vector<1000x256xf32>
    %get3A_42 = arith.constant 0 : index
    %get3A_43 = arith.constant 0 : index
    %get3A_44 = vector.load %arg6[%get3A_42, %get3A_43] : memref<1x256xf32, #tpu.memory_space<vmem>>, vector<1x256xf32>
    %add3A_45 = vector.broadcast %get3A_44 : vector<1x256xf32> to vector<1000x256xf32>
    %add3A_46 = arith.addf %dot_general3A_41, %add3A_45 : vector<1000x256xf32>
    %max3A = arith.constant 0.000000e+00 : f32
    %max3A_47 = vector.broadcast %max3A : f32 to vector<1000x256xf32>
    %max3A_48 = arith.maximumf %add3A_46, %max3A_47 : vector<1000x256xf32>
    %swap3A = arith.constant 0 : index
    %swap3A_49 = arith.constant 0 : index
    %swap3A_50 = vector.load %arg7[%swap3A, %swap3A_49] : memref<1000x256xf32, #tpu.memory_space<vmem>>, vector<1000x256xf32>
    tpu.vector_store %arg7[%swap3A, %swap3A_49], %max3A_48 {strides = array<i32>} : memref<1000x256xf32, #tpu.memory_space<vmem>>, vector<1000x256xf32>,
    return
  }
  func.func @transform_0(%arg0: i32) -> (i32, i32, i32, i32) {
    %c0_i32 = arith.constant 0 : i32
    %c0_i32_0 = arith.constant 0 : i32
    %c0_i32_1 = arith.constant 0 : i32
    %c0_i32_2 = arith.constant 0 : i32
    return %c0_i32, %c0_i32_0, %arg0, %c0_i32_1 : i32, i32, i32, i32
  }
  func.func @transform_1(%arg0: i32) -> (i32, i32) {
    %c0_i32 = arith.constant 0 : i32
    %c0_i32_0 = arith.constant 0 : i32
    return %arg0, %c0_i32 : i32, i32
  }
  func.func @transform_2(%arg0: i32) -> (i32, i32) {
    %c0_i32 = arith.constant 0 : i32
    %c0_i32_0 = arith.constant 0 : i32
    %c0_i32_1 = arith.constant 0 : i32
    return %c0_i32, %c0_i32_0 : i32, i32
  }
  func.func @transform_3(%arg0: i32) -> (i32, i32) {
    %c0_i32 = arith.constant 0 : i32
    %c0_i32_0 = arith.constant 0 : i32
    %c0_i32_1 = arith.constant 0 : i32
    return %c0_i32, %c0_i32_0 : i32, i32
  }
  func.func @transform_4(%arg0: i32) -> (i32, i32) {
    %c0_i32 = arith.constant 0 : i32
    %c0_i32_0 = arith.constant 0 : i32
    %c0_i32_1 = arith.constant 0 : i32
    return %c0_i32, %c0_i32_0 : i32, i32
  }
  func.func @transform_5(%arg0: i32) -> (i32, i32) {
    %c0_i32 = arith.constant 0 : i32
    %c0_i32_0 = arith.constant 0 : i32
    %c0_i32_1 = arith.constant 0 : i32
    return %c0_i32, %c0_i32_0 : i32, i32
  }
  func.func @transform_6(%arg0: i32) -> (i32, i32) {
    %c0_i32 = arith.constant 0 : i32
    %c0_i32_0 = arith.constant 0 : i32
    return %arg0, %c0_i32 : i32, i32
  }
}

</mosaic_0001>

<sc_bundles>
// kernel: kernel.13.cloned.1.call-start
scs
__scs_entry_jumppad:
0x0: {  	(pc) =	sbr.rel $0x88, $3  }
0x1: {  	(tag) =	ssettag $0x0;
	lr =	simm.s32 $0x1  }
0x2: {  	[smem:$0x3F96] =	sst lr;
	_ =	strace $0xD0000000  }
0x3: {  	_ = 	snop  }
0x4: {  	_ = 	snop  }
0x5: {  	_ = 	snop  }
0x6: {  	_ = 	snop  }
0x7: {  	_ = 	snop  }
__scs_overlays_trampoline_lowered:
0x8: {  	[smem:$0x3FA5] =	sst s0  }
0x9: {  	[smem:$0x3FA6] =	sst s1  }
0xa: {  	[smem:$0x3FA7] =	sst s2  }
0xb: {  	[smem:$0x3FA8] =	sst s3  }
0xc: {  	[smem:$0x3FA9] =	sst s4  }
0xd: {  	[smem:$0x3FAA] =	sst s5  }
0xe: {  	[smem:$0x3FAB] =	sst s6  }
0xf: {  	[smem:$0x3FAC] =	sst s7  }
0x10: {  	[smem:$0x3FAD] =	sst s8  }
0x11: {  	[smem:$0x3FAE] =	sst s9;
	s0 =	simm.s32 @!p0 $0x0  }
0x12: {  	s1 =	sld [smem:$0x3F94];
	s0 =	simm.s32 @p0 $0x1  }
0x13: {  	[smem:$0x3FAF] =	sst s0;
	s0 =	simm.s32 @!p1 $0x0  }
0x14: {  	s2 =	sld [smem:$0x3F93];
	s0 =	simm.s32 @p1 $0x1  }
0x15: {  	[smem:$0x3FB0] =	sst s0;
	s0 =	simm.s32 @!p2 $0x0  }
0x16: {  	s3 =	sld [smem:$0x3FDB];
	s0 =	simm.s32 @p2 $0x1  }
0x17: {  	s4 =	simm.s32 $0x1BF5;
	[smem:$0x3FB2] =	sst s0  }
0x18: {  	s0 =	sld [smem:$0x3F95];
	_ =	swait.ge [sflag:s4], $0x0  }
0x19: {  	s7 =	sld [smem:$0x3F96]  }
0x1a: {  	s8 =	sadd.s32 $0xFFFFE003, lr  }
0x1b: {  	s9 =	sadd.s32 $0xFFFFFEF7, lr;
	s5 =	simm.s32 $0xFFFFFFFF;
	p2 =	slt.u32 s8, $0xFFFFF086  }
0x1c: {  	p1 =	slt.u32 s9, $0xF7A;
	s5 =	simm.s32 @!p2 $0x0  }
0x1d: {  	s5 =	simm.s32 @p1 $0x1;
	p0 =	seq.s32 s7, s2  }
0x1e: {  	s7 =	smul.u32 @!p0 $0xF7A, s2;
	p2 =	seq.s32 @!p0 s5, $0x0  }
0x1f: {  	s9 =	smul.u32 $0xF7A, s1;
	s8 =	simm.s32 @!p0 $0x1BF5;
	p2 =	por !p2, p0  }
0x20: {  	[sflag:s8] =	ssyncset.s32 @!p0 $0xFFFFF086;
	s6 =	sadd.s32 @!p0 s3, s7;
	s7 =	simm.s32 @!p0 $0x108  }
0x21: {  	s3 =	sadd.s32 s3, s9;
	s6 =	sadd.s32 @!p0 $0x88, s6;
	s7 =	simm.s32 @p2 $0x1082  }
0x22: {  	[simem:s7], [sflag:s8] =	dma.local @!p0 [hbm:s6], $0xF7A  }
0x23: {  	s9 =	sor.u32 $0xD0000000, s2;
	s6 =	simm.s32 $0x108;
	_ =	swait.ge @!p0 [sflag:s8], $0x0  }
0x24: {  	s3 =	sadd.s32 $0x88, s3;
	s6 =	simm.s32 @!p1 $0x1082;
	[sflag:s4] =	ssyncset.s32 $0xFFFFF086  }
0x25: {  	[simem:s6], [sflag:s4] =	dma.local [hbm:s3], $0xF7A  }
0x26: {  	[smem:$0x3F96] =	sst s1;
	(tag) =	ssettag s2;
	_ =	strace s9  }
0x27: {  	s1 =	sld [smem:$0x3FA6]  }
0x28: {  	s2 =	sld [smem:$0x3FA7]  }
0x29: {  	s4 =	sld [smem:$0x3FA9]  }
0x2a: {  	p0 =	seq.s32 s5, $0x0;
	s5 =	sld [smem:$0x3FAA]  }
0x2b: {  	s6 =	sld [smem:$0x3FAB]  }
0x2c: {  	s7 =	sld [smem:$0x3FAC]  }
0x2d: {  	s3 =	simm.s32 $0x108;
	s8 =	sld [smem:$0x3FAD]  }
0x2e: {  	s3 =	simm.s32 @!p0 $0x1082;
	s9 =	sld [smem:$0x3FAE]  }
0x2f: {  	lr =	sadd.s32 s0, s3;
	s0 =	sld [smem:$0x3FA5]  }
0x30: {  	s3 =	sld [smem:$0x3FA8]  }
0x31: {  	[smem:$0x3FB1] =	sst s10  }
0x32: {  	s10 =	sld [smem:$0x3FAF];
	_ =	sdelay $0x3  }
0x33: {  	p0 =	seq.s32 s10, $0x1;
	s10 =	sld [smem:$0x3FB1];
	_ =	sdelay $0x3  }
0x34: {  	[smem:$0x3FB1] =	sst s10  }
0x35: {  	s10 =	sld [smem:$0x3FB0];
	_ =	sdelay $0x3  }
0x36: {  	p1 =	seq.s32 s10, $0x1;
	s10 =	sld [smem:$0x3FB1];
	_ =	sdelay $0x3  }
0x37: {  	[smem:$0x3FB1] =	sst s10  }
0x38: {  	s10 =	sld [smem:$0x3FB2]  }
0x39: {  	_ = 	snop;
	(pc) =	sbr.ind lr, $3  }
0x3a: {  	_ = 	snop  }
0x3b: {  	_ = 	snop  }
0x3c: {  	p2 =	seq.s32 s10, $0x1;
	s10 =	sld [smem:$0x3FB1]  }
0x3d: {  	_ =	shalt  }
0x3e: {  	_ =	shalt  }
0x3f: {  	_ =	shalt  }
0x40: {  	_ =	shalt  }
0x41: {  	_ =	shalt  }
0x42: {  	_ =	shalt  }
0x43: {  	_ =	shalt  }
0x44: {  	_ =	shalt  }
0x45: {  	_ =	shalt  }
0x46: {  	_ =	shalt  }
0x47: {  	_ =	shalt  }
0x48: {  	_ =	shalt  }
0x49: {  	_ =	shalt  }
0x4a: {  	_ =	shalt  }
0x4b: {  	_ =	shalt  }
0x4c: {  	_ =	shalt  }
0x4d: {  	_ =	shalt  }
0x4e: {  	_ =	shalt  }
0x4f: {  	_ =	shalt  }
0x50: {  	_ =	shalt  }
0x51: {  	_ =	shalt  }
0x52: {  	_ =	shalt  }
0x53: {  	_ =	shalt  }
0x54: {  	_ =	shalt  }
0x55: {  	_ =	shalt  }
0x56: {  	_ =	shalt  }
0x57: {  	_ =	shalt  }
0x58: {  	_ =	shalt  }
0x59: {  	_ =	shalt  }
0x5a: {  	_ =	shalt  }
0x5b: {  	_ =	shalt  }
0x5c: {  	_ =	shalt  }
0x5d: {  	_ =	shalt  }
0x5e: {  	_ =	shalt  }
0x5f: {  	_ =	shalt  }
0x60: {  	_ =	shalt  }
0x61: {  	_ =	shalt  }
0x62: {  	_ =	shalt  }
0x63: {  	_ =	shalt  }
0x64: {  	_ =	shalt  }
0x65: {  	_ =	shalt  }
0x66: {  	_ =	shalt  }
0x67: {  	_ =	shalt  }
0x68: {  	_ =	shalt  }
0x69: {  	_ =	shalt  }
0x6a: {  	_ =	shalt  }
0x6b: {  	_ =	shalt  }
0x6c: {  	_ =	shalt  }
0x6d: {  	_ =	shalt  }
0x6e: {  	_ =	shalt  }
0x6f: {  	_ =	shalt  }
0x70: {  	_ =	shalt  }
0x71: {  	_ =	shalt  }
0x72: {  	_ =	shalt  }
0x73: {  	_ =	shalt  }
0x74: {  	_ =	shalt  }
0x75: {  	_ =	shalt  }
0x76: {  	_ =	shalt  }
0x77: {  	_ =	shalt  }
0x78: {  	_ =	shalt  }
0x79: {  	_ =	shalt  }
0x7a: {  	_ =	shalt  }
0x7b: {  	_ =	shalt  }
0x7c: {  	_ =	shalt  }
0x7d: {  	_ =	shalt  }
0x7e: {  	_ =	shalt  }
0x7f: {  	_ =	shalt  }
0x80: {  	_ =	shalt  }
0x81: {  	_ =	shalt  }
0x82: {  	_ =	shalt  }
0x83: {  	_ =	shalt  }
0x84: {  	_ =	shalt  }
0x85: {  	_ =	shalt  }
0x86: {  	_ =	shalt  }
0x87: {  	_ =	shalt  }
.Lfunc_end0:
.L_simem_size_0:
called_computation_lowered:
.L_overlay_start_0:
0x88: {  	s2 =	sld [smem:$0x3FD9]  }
0x89: {  	s3 =	sld [smem:$0x3FFE];
	_ =	sdelay $0x1  }
0x8a: {  	s1 =	srdreg.scid  }
0x8b: {  	s0 =	sand.u32 $0x1, s1  }
0x8c: {  	s17 =	sshll.u32 s0, $0xA;
	s2 =	sadd.s32 s3, s2  }
0x8d: {  	s2 =	sadd.s32 s2, s17  }
0x8e: {  	[smem:$0x3FBD] =	sst s2  }
0x8f: {  	_ = 	snop  }
0x90: {  	s2 =	sld [smem:$0x3FD0];
	(tm) =	ssettm $0x1  }
0x91: {  	s18 =	sld [smem:$0x3FFB];
	_ =	sdelay $0x3  }
0x92: {  	_ =	strace s18  }
0x93: {  	s3 =	sld [smem:$0x3FFC];
	_ =	sdelay $0x3  }
0x94: {  	_ =	strace s3  }
0x95: {  	s3 =	sld [smem:$0x3FFD];
	_ =	sdelay $0x3  }
0x96: {  	_ =	strace s3  }
0x97: {  	_ =	strace $0x8FFFFFFF  }
0x98: {  	s19 =	sld [smem:$0x3FDB];
	_ =	sdelay $0x1  }
0x99: {  	s4 =	simm.s32 $_scs_section_size  }
0x9a: {  	s5 =	simm.s32 $_size__tile_overlayer_lowered;
	s6 =	simm.s32 $_tile_overlayer_lowered  }
0x9b: {  	s22 =	simm.s32 $0x1BFF;
	s21 =	sshll.u32 s6, $0x1;
	s3 =	sadd.s32 s4, s19  }
0x9c: {  	s7 =	simm.s32 $0x0;
	s20 =	sshll.u32 s5, $0x1;
	s5 =	sadd.s32 s21, s3  }
0x9d: {  	[timem:s7], [sflag:s22] =	dma.local [hbm:s5], s20  }
0x9e: {  	_ =	swait.ge [sflag:s22], s20  }
0x9f: {  	s4 =	ssub.s32 $0x0, s20;
	[sflag:s22] =	ssyncset.done $0x0  }
0xa0: {  	[sflag:s22] =	ssyncadd.s32 s4;
	_ =	sdelay $0x1  }
0xa1: {  	s23 =	simm.s32 $0x1B8B  }
0xa2: {  	_ =	swait.ge [sflag:s23], $0x1  }
0xa3: {  	[sflag:s23] =	ssyncset.done $0x0  }
0xa4: {  	s25 =	simm.s32 $0x1B8E;
	s24 =	sld [smem:$0x3FFE];
	[sflag:s23] =	ssyncadd.s32 $0xFFFFFFFF  }
0xa5: {  	s26 =	simm.s32 $execute0_lowered;
	[smem:$0x3FD2] =	sst s25  }
0xa6: {  	s5 =	sshll.u32 s26, $0x1;
	_ =	strace $0x80000046;
	[dreg:$0x1] =	wrdreg $0xFFFFFFFF  }
0xa7: {  	s28 =	simm.s32 $_size_execute0_lowered;
	s3 =	sadd.s32 s3, s5;
	[dreg:$0x0] =	wrdreg $0x0  }
0xa8: {  	s5 =	sshll.u32 s28, $0x1;
	[dreg:$0x2] =	wrdreg s3  }
0xa9: {  	[dreg:$0x3] =	wrdreg s5  }
0xaa: {  	[dreg:$0x4] =	wrdreg $0xC0  }
0xab: {  	_ =	task [dreg:s7], $0x5FFFF  }
0xac: {  	[dreg:$0x1] =	wrdreg $0xFFFFFFFF  }
0xad: {  	[dreg:$0x0] =	wrdreg $0x60  }
0xae: {  	[dreg:$0x2] =	wrdreg s2  }
0xaf: {  	[dreg:$0x3] =	wrdreg s24  }
0xb0: {  	[dreg:$0x4] =	wrdreg $0x9  }
0xb1: {  	_ =	task.clear_ibuf [dreg:s7], $0x5FFFF;
	_ =	strace $0x90000046  }
0xb2: {  	s29 =	simm.s32 $0x9;
	_ =	strace $0x80000048  }
0xb3: {  	_ =	swait.ge [sflag:s29], $0x1  }
0xb4: {  	[sflag:s29] =	ssyncadd.s32 $0xFFFFFFFF  }
0xb5: {  	_ =	strace $0x90000048  }
0xb6: {  	_ =	sfence  }
0xb7: {  	s30 =	sld [smem:$0x0];
	_ =	sdelay $0x2  }
0xb8: {  	s31 =	sshll.u32 s1, $0xD;
	s1 =	sshrl.u32 s1, $0x2  }
0xb9: {  	s3 =	sand.u32 $0x4000, s31;
	s1 =	sadd.s32 s1, s30  }
0xba: {  	s0 =	sor.u32 s3, s0;
	s1 =	sshll.u32 s1, $0x11  }
0xbb: {  	s0 =	sor.u32 s1, s0  }
0xbc: {  	s0 =	sadd.s32 $0x8F2B, s0  }
0xbd: {  	[sflag:s0] =	ssyncadd.remote.s32 $0x1  }
0xbe: {  	_ =	sfence.sel $0xFFFF  }
0xbf: {  	[dreg:$0x0] =	wrdreg $0xFFFFFFFF;
	(pc) =	sbr.abs _section_cstart, $3  }
0xc0: {  	[dreg:$0x1] =	wrdreg $0xFFFFFFFF  }
0xc1: {  	_ =	task.clear_ibuf [dreg:s7], $0x2FFFF;
	_ =	strace $0x9FFFFFFF  }
0xc2: {  	(tm) =	ssettm $0x7FFFFFFF  }
0xc3: {  	_ =	shalt  }
tec
execute0_lowered:
.L_overlay_start_1:
0x0: {  	(tag) =	ssettag $0x1  }
0x1: {  	s1 =	rddreg [dreg:$0x0]  }
0x2: {  	s4 =	rddreg [dreg:$0x1]  }
0x3: {  	s3 =	simm.s32 $0x0;
	s5 =	srdreg.scid;
	s2 =	stileid.u32  }
0x4: {  	s10 =	simm.s32 $0x880;
	s11 =	simm.s32 $0x1080;
	s12 =	simm.s32 $0x1880  }
0x5: {  	s13 =	simm.s32 $0x2080;
	s14 =	simm.s32 $0x2880;
	s15 =	simm.s32 $0x3080  }
0x6: {  	s16 =	simm.s32 $0x3880;
	s17 =	simm.s32 $0x4080;
	s18 =	simm.s32 $0x4880  }
0x7: {  	s19 =	simm.s32 $0x5080;
	s20 =	simm.s32 $0x5880;
	s21 =	simm.s32 $0x6080  }
0x8: {  	s22 =	simm.s32 $0x6880;
	s23 =	simm.s32 $0x7080;
	s24 =	simm.s32 $0x7880  }
0x9: {  	s25 =	simm.s32 $0x1;
	s28 =	simm.s32 $0x0;
	[smem:$0x7FF] =	sst s3  }
0xa: {  	s5 =	sand.u32 $0x1, s5;
	s6 =	sshll.u32 s2, $0x5;
	s26 =	sshll.u32 s2, $0xD  }
0xb: {  	_ =	strace $0x80000047;
	s7 =	ssub.s32 $0x2, s5;
	s8 =	sadd.s32 s6, s4  }
.Ltmp0:
0xc: {  	s6 =	sadd.s32 s26, s4;
	s29 =	sshll.u32 s5, $0xC;
	(pc) =	sbr.rel .LBB2_1-.Ltmp0, $4  }
0xd: {  	s4 =	sshll.u32 s2, $0x1;
	s30 =	sshll.u32 s5, $0x4;
	s26 =	simm.s32 $0x2  }
0xe: {  	v2 =	vlaneseq.u32;
	s9 =	sshrl.u32 s7, $0x1;
	s6 =	sadd.s32 s29, s6;
	s31 =	sadd.s32 s30, s8  }
0xf: {  	vm0 =	vmmov $0xffff;
	v1 =	vshrl.u32 v2, $0x3;
	s8 =	simm.s32 $0x3;
	s7 =	ssub.s32 s7, s9;
	s6 =	sadd.s32 $0x7A00, s6  }
0x10: {  	v0 =	vand.u32 $0x7, v2;
	v2 =	vor.u32 $0x8, v2;
	v1 =	vmul.u32 $0x8, v1;
	s9 =	simm.s32 $0x80;
	s5 =	smax.u32 s7, $0x1;
	s7 =	sadd.s32 $0x2A00, s31  }
.LBB2_5:
0x11: {  	s28 =	sadd.s32 $0x1, s28  }
0x12: {  	p0 =	sne.s32 s28, s5  }
.Ltmp1:
0x13: {  	_ = 	snop;
	(pc) =	sbr.rel @!p0 .LBB2_6-.Ltmp1, $1  }
0x14: {  	_ =	sdelay $0x3  }
.LBB2_1:
.Ltmp2:
0x15: {  	(pc) =	sbr.rel .LBB2_2-.Ltmp2, $2  }
0x16: {  	_ =	sdelay $0x2  }
0x17: {  	s29 =	smov.u32 s7;
	s30 =	smov.u32 s6;
	s31 =	simm.s32 $0x0  }
.LBB2_4:
0x18: {  	s31 =	sadd.s32 $0x20, s31  }
0x19: {  	p0 =	sne.s32 s31, $0x500  }
.Ltmp3:
0x1a: {  	_ = 	snop;
	(pc) =	sbr.rel @!p0 .LBB2_5-.Ltmp3, $2  }
0x1b: {  	_ =	sdelay $0x2  }
0x1c: {  	s30 =	sadd.s32 $0x20000, s30;
	s29 =	sadd.s32 $0x200, s29  }
.LBB2_2:
0x1d: {  	s0 =	sadd.s32 s31, s4  }
0x1e: {  	p0 =	sgt.u32 s0, $0x4E1  }
.Ltmp4:
0x1f: {  	_ = 	snop;
	(pc) =	sbr.rel @p0 .LBB2_4-.Ltmp4, $1  }
0x20: {  	_ =	sdelay $0x3  }
0x21: {  	[tilespmem:s3], [sflag:$0x3] =	stream.linear.gather [hbm4b:s29+s3], $0x80, $0x38;
	[tilespmem:$0x8080] =	vst v63  }
0x22: {  	_ =	swait.ge [sflag:s8], $0x80  }
0x23: {  	[sflag:s8] =	ssyncset.done $0x0  }
0x24: {  	[sflag:s8] =	ssyncadd.s32 $0xFFFFFF80  }
0x25: {  	v3 =	vld [tilespmem:$0x0];
	_ =	sdelay $0x4  }
0x26: {  	v4 =	vshll.u32 v3, $0x1  }
0x27: {  	v3 =	vand.u32 $0x7, v3;
	v4 =	vand.u32 $0xFFFFFFF0, v4  }
0x28: {  	v3 =	vor.u32 v3, v4  }
0x29: {  	v4 =	vperm.xlane v3, v0;
	_ =	sdelay $0x1  }
0x2a: {  	v3 =	vperm.xlane v3, v2;
	v4 =	vadd.s32 v1, v4;
	_ =	sdelay $0x1  }
0x2b: {  	v3 =	vadd.s32 v1, v3;
	_ =	sdelay $0x2  }
0x2c: {  	[tilespmem:s9], [sflag:$0x1] =	stream.indirect_vreg.gather [hbm4b:s1+s3], $0x80, v4, vm0, $0xb8;
	[tilespmem:$0x8080] =	vst v63  }
0x2d: {  	_ = 	snop  }
0x2e: {  	[tilespmem:s10], [sflag:$0x1] =	stream.indirect_vreg.gather [hbm4b:s1+s3], $0x80, v3, vm0, $0xb8;
	[tilespmem:$0x8080] =	vst v63  }
0x2f: {  	v3 =	vld [tilespmem:$0x10];
	_ =	sdelay $0x4  }
0x30: {  	v57 =	vshll.u32 v3, $0x1  }
0x31: {  	v3 =	vand.u32 $0x7, v3;
	v4 =	vand.u32 $0xFFFFFFF0, v57  }
0x32: {  	v3 =	vor.u32 v3, v4  }
0x33: {  	v4 =	vperm.xlane v3, v0;
	_ =	sdelay $0x1  }
0x34: {  	v3 =	vperm.xlane v3, v2;
	v4 =	vadd.s32 v1, v4;
	_ =	sdelay $0x1  }
0x35: {  	v3 =	vadd.s32 v1, v3;
	_ =	sdelay $0x2  }
0x36: {  	[tilespmem:s11], [sflag:$0x1] =	stream.indirect_vreg.gather [hbm4b:s1+s3], $0x80, v4, vm0, $0xb8;
	[tilespmem:$0x8080] =	vst v63  }
0x37: {  	_ = 	snop  }
0x38: {  	[tilespmem:s12], [sflag:$0x1] =	stream.indirect_vreg.gather [hbm4b:s1+s3], $0x80, v3, vm0, $0xb8;
	[tilespmem:$0x8080] =	vst v63  }
0x39: {  	v3 =	vld [tilespmem:$0x20];
	_ =	sdelay $0x4  }
0x3a: {  	v58 =	vshll.u32 v3, $0x1  }
0x3b: {  	v3 =	vand.u32 $0x7, v3;
	v4 =	vand.u32 $0xFFFFFFF0, v58  }
0x3c: {  	v3 =	vor.u32 v3, v4  }
0x3d: {  	v4 =	vperm.xlane v3, v0;
	_ =	sdelay $0x1  }
0x3e: {  	v3 =	vperm.xlane v3, v2;
	v4 =	vadd.s32 v1, v4;
	_ =	sdelay $0x1  }
0x3f: {  	v3 =	vadd.s32 v1, v3;
	_ =	sdelay $0x2  }
0x40: {  	[tilespmem:s13], [sflag:$0x1] =	stream.indirect_vreg.gather [hbm4b:s1+s3], $0x80, v4, vm0, $0xb8;
	[tilespmem:$0x8080] =	vst v63  }
0x41: {  	_ = 	snop  }
0x42: {  	[tilespmem:s14], [sflag:$0x1] =	stream.indirect_vreg.gather [hbm4b:s1+s3], $0x80, v3, vm0, $0xb8;
	[tilespmem:$0x8080] =	vst v63  }
0x43: {  	v3 =	vld [tilespmem:$0x30];
	_ =	sdelay $0x4  }
0x44: {  	v59 =	vshll.u32 v3, $0x1  }
0x45: {  	v3 =	vand.u32 $0x7, v3;
	v4 =	vand.u32 $0xFFFFFFF0, v59  }
0x46: {  	v3 =	vor.u32 v3, v4  }
0x47: {  	v4 =	vperm.xlane v3, v0;
	_ =	sdelay $0x1  }
0x48: {  	v3 =	vperm.xlane v3, v2;
	v4 =	vadd.s32 v1, v4;
	_ =	sdelay $0x1  }
0x49: {  	v3 =	vadd.s32 v1, v3;
	_ =	sdelay $0x2  }
0x4a: {  	[tilespmem:s15], [sflag:$0x1] =	stream.indirect_vreg.gather [hbm4b:s1+s3], $0x80, v4, vm0, $0xb8;
	[tilespmem:$0x8080] =	vst v63  }
0x4b: {  	_ = 	snop  }
0x4c: {  	[tilespmem:s16], [sflag:$0x1] =	stream.indirect_vreg.gather [hbm4b:s1+s3], $0x80, v3, vm0, $0xb8;
	[tilespmem:$0x8080] =	vst v63  }
0x4d: {  	v3 =	vld [tilespmem:$0x40];
	_ =	sdelay $0x4  }
0x4e: {  	v60 =	vshll.u32 v3, $0x1  }
0x4f: {  	v3 =	vand.u32 $0x7, v3;
	v4 =	vand.u32 $0xFFFFFFF0, v60  }
0x50: {  	v3 =	vor.u32 v3, v4  }
0x51: {  	v4 =	vperm.xlane v3, v0;
	_ =	sdelay $0x1  }
0x52: {  	v3 =	vperm.xlane v3, v2;
	v4 =	vadd.s32 v1, v4;
	_ =	sdelay $0x1  }
0x53: {  	v3 =	vadd.s32 v1, v3;
	_ =	sdelay $0x2  }
0x54: {  	[tilespmem:s17], [sflag:$0x1] =	stream.indirect_vreg.gather [hbm4b:s1+s3], $0x80, v4, vm0, $0xb8;
	[tilespmem:$0x8080] =	vst v63  }
0x55: {  	_ = 	snop  }
0x56: {  	[tilespmem:s18], [sflag:$0x1] =	stream.indirect_vreg.gather [hbm4b:s1+s3], $0x80, v3, vm0, $0xb8;
	[tilespmem:$0x8080] =	vst v63  }
0x57: {  	v3 =	vld [tilespmem:$0x50];
	_ =	sdelay $0x4  }
0x58: {  	v61 =	vshll.u32 v3, $0x1  }
0x59: {  	v3 =	vand.u32 $0x7, v3;
	v4 =	vand.u32 $0xFFFFFFF0, v61  }
0x5a: {  	v3 =	vor.u32 v3, v4  }
0x5b: {  	v4 =	vperm.xlane v3, v0;
	_ =	sdelay $0x1  }
0x5c: {  	v3 =	vperm.xlane v3, v2;
	v4 =	vadd.s32 v1, v4;
	_ =	sdelay $0x1  }
0x5d: {  	v3 =	vadd.s32 v1, v3;
	_ =	sdelay $0x2  }
0x5e: {  	[tilespmem:s19], [sflag:$0x1] =	stream.indirect_vreg.gather [hbm4b:s1+s3], $0x80, v4, vm0, $0xb8;
	[tilespmem:$0x8080] =	vst v63  }
0x5f: {  	_ = 	snop  }
0x60: {  	[tilespmem:s20], [sflag:$0x1] =	stream.indirect_vreg.gather [hbm4b:s1+s3], $0x80, v3, vm0, $0xb8;
	[tilespmem:$0x8080] =	vst v63  }
0x61: {  	v3 =	vld [tilespmem:$0x60];
	_ =	sdelay $0x4  }
0x62: {  	v62 =	vshll.u32 v3, $0x1  }
0x63: {  	v3 =	vand.u32 $0x7, v3;
	v4 =	vand.u32 $0xFFFFFFF0, v62  }
0x64: {  	v3 =	vor.u32 v3, v4  }
0x65: {  	v4 =	vperm.xlane v3, v0;
	_ =	sdelay $0x1  }
0x66: {  	v3 =	vperm.xlane v3, v2;
	v4 =	vadd.s32 v1, v4;
	_ =	sdelay $0x1  }
0x67: {  	v3 =	vadd.s32 v1, v3;
	_ =	sdelay $0x2  }
0x68: {  	[tilespmem:s21], [sflag:$0x1] =	stream.indirect_vreg.gather [hbm4b:s1+s3], $0x80, v4, vm0, $0xb8;
	[tilespmem:$0x8080] =	vst v63  }
0x69: {  	_ = 	snop  }
0x6a: {  	[tilespmem:s22], [sflag:$0x1] =	stream.indirect_vreg.gather [hbm4b:s1+s3], $0x80, v3, vm0, $0xb8;
	[tilespmem:$0x8080] =	vst v63  }
0x6b: {  	v3 =	vld [tilespmem:$0x70];
	_ =	sdelay $0x4  }
0x6c: {  	v63 =	vshll.u32 v3, $0x1  }
0x6d: {  	v3 =	vand.u32 $0x7, v3;
	v4 =	vand.u32 $0xFFFFFFF0, v63  }
0x6e: {  	v3 =	vor.u32 v3, v4  }
0x6f: {  	v4 =	vperm.xlane v3, v0;
	_ =	sdelay $0x1  }
0x70: {  	v3 =	vperm.xlane v3, v2;
	v4 =	vadd.s32 v1, v4;
	_ =	sdelay $0x1  }
0x71: {  	v3 =	vadd.s32 v1, v3;
	_ =	sdelay $0x2  }
0x72: {  	[tilespmem:s23], [sflag:$0x1] =	stream.indirect_vreg.gather [hbm4b:s1+s3], $0x80, v4, vm0, $0xb8;
	[tilespmem:$0x8080] =	vst v63  }
0x73: {  	_ = 	snop  }
0x74: {  	[tilespmem:s24], [sflag:$0x1] =	stream.indirect_vreg.gather [hbm4b:s1+s3], $0x80, v3, vm0, $0xb8;
	[tilespmem:$0x8080] =	vst v63  }
0x75: {  	_ =	swait.ge [sflag:s25], $0x8000  }
0x76: {  	[sflag:s25] =	ssyncset.done $0x0  }
.Ltmp5:
0x77: {  	[sflag:s25] =	ssyncadd.s32 $0xFFFF8000;
	(pc) =	sbr.rel .LBB2_4-.Ltmp5, $4  }
0x78: {  	[hbm4b:s30+s3] =	stream.linear.scatter [tilespmem:s9], [sflag:$0x2], $0x8000, $0x38;
	[tilespmem:$0x8080] =	vst v63  }
0x79: {  	_ =	swait.ge [sflag:s26], $0x8000  }
0x7a: {  	[sflag:s26] =	ssyncset.done $0x0  }
0x7b: {  	[sflag:s26] =	ssyncadd.s32 $0xFFFF8000  }
.LBB2_6:
0x7c: {  	_ =	sfence.sel $0x180000  }
0x7d: {  	[bflag:$0x0] =	sbarrier.arrive $0xFFFF  }
0x7e: {  	_ =	strace $0x90000047  }
0x7f: {  	[bflag:$0x2] =	sbarrier.arrive $0xFFFF  }
0x80: {  	p0 =	sne.s32 s2, $0x0;
	s0 =	rddreg [dreg:$0x2]  }
0x81: {  	s0 =	sadd.s32 @!p0 $0x100000, s0  }
0x82: {  	[sflag:s0] =	ssyncadd.tile.s32 @!p0 $0x1;
	_ =	shalt  }
.Lfunc_end2:
_tile_overlayer_lowered:
.L_overlay_start_2:
0x83: {  	(tag) =	ssettag $0x2  }
0x84: {  	s0 =	rddreg [dreg:$0x0];
	s2 =	stileid.u32  }
0x85: {  	s1 =	rddreg [dreg:$0x1];
	p0 =	sne.s32 s2, $0x0  }
0x86: {  	s3 =	rddreg [dreg:$0x2];
	[bflag:$0x3] =	sbarrier.arrive $0xFFFF;
	s2 =	simm.s32 @!p0 $0x1C02  }
0x87: {  	[timem:s3], [sflag:s2] =	dma.local @!p0 [hbm:s0], s1  }
0x88: {  	s0 =	simm.s32 @!p0 $0x2  }
0x89: {  	_ =	swait.ge @!p0 [sflag:s0], s1  }
0x8a: {  	s1 =	ssub.s32 @!p0 $0x0, s1;
	[sflag:s0] =	ssyncset.done @!p0 $0x0  }
0x8b: {  	[sflag:s0] =	ssyncadd.s32 @!p0 s1  }
0x8c: {  	[bflag:$0x3] =	sbarrier.arrive $0xFFFF  }
0x8d: {  	_ =	shalt  }

// kernel: kernel.16.cloned.1.call-start
scs
__scs_entry_jumppad:
0x0: {  	(pc) =	sbr.rel $0x88, $3  }
0x1: {  	(tag) =	ssettag $0x0;
	lr =	simm.s32 $0x1  }
0x2: {  	[smem:$0x3F96] =	sst lr;
	_ =	strace $0xD0000000  }
0x3: {  	_ = 	snop  }
0x4: {  	_ = 	snop  }
0x5: {  	_ = 	snop  }
0x6: {  	_ = 	snop  }
0x7: {  	_ = 	snop  }
__scs_overlays_trampoline_lowered:
0x8: {  	[smem:$0x3FA5] =	sst s0  }
0x9: {  	[smem:$0x3FA6] =	sst s1  }
0xa: {  	[smem:$0x3FA7] =	sst s2  }
0xb: {  	[smem:$0x3FA8] =	sst s3  }
0xc: {  	[smem:$0x3FA9] =	sst s4  }
0xd: {  	[smem:$0x3FAA] =	sst s5  }
0xe: {  	[smem:$0x3FAB] =	sst s6  }
0xf: {  	[smem:$0x3FAC] =	sst s7  }
0x10: {  	[smem:$0x3FAD] =	sst s8  }
0x11: {  	[smem:$0x3FAE] =	sst s9;
	s0 =	simm.s32 @!p0 $0x0  }
0x12: {  	s1 =	sld [smem:$0x3F94];
	s0 =	simm.s32 @p0 $0x1  }
0x13: {  	[smem:$0x3FAF] =	sst s0;
	s0 =	simm.s32 @!p1 $0x0  }
0x14: {  	s2 =	sld [smem:$0x3F93];
	s0 =	simm.s32 @p1 $0x1  }
0x15: {  	[smem:$0x3FB0] =	sst s0;
	s0 =	simm.s32 @!p2 $0x0  }
0x16: {  	s3 =	sld [smem:$0x3FDB];
	s0 =	simm.s32 @p2 $0x1  }
0x17: {  	s4 =	simm.s32 $0x1BF5;
	[smem:$0x3FB2] =	sst s0  }
0x18: {  	s0 =	sld [smem:$0x3F95];
	_ =	swait.ge [sflag:s4], $0x0  }
0x19: {  	s7 =	sld [smem:$0x3F96]  }
0x1a: {  	s8 =	sadd.s32 $0xFFFFE003, lr  }
0x1b: {  	s9 =	sadd.s32 $0xFFFFFEF7, lr;
	s5 =	simm.s32 $0xFFFFFFFF;
	p2 =	slt.u32 s8, $0xFFFFF086  }
0x1c: {  	p1 =	slt.u32 s9, $0xF7A;
	s5 =	simm.s32 @!p2 $0x0  }
0x1d: {  	s5 =	simm.s32 @p1 $0x1;
	p0 =	seq.s32 s7, s2  }
0x1e: {  	s7 =	smul.u32 @!p0 $0xF7A, s2;
	p2 =	seq.s32 @!p0 s5, $0x0  }
0x1f: {  	s9 =	smul.u32 $0xF7A, s1;
	s8 =	simm.s32 @!p0 $0x1BF5;
	p2 =	por !p2, p0  }
0x20: {  	[sflag:s8] =	ssyncset.s32 @!p0 $0xFFFFF086;
	s6 =	sadd.s32 @!p0 s3, s7;
	s7 =	simm.s32 @!p0 $0x108  }
0x21: {  	s3 =	sadd.s32 s3, s9;
	s6 =	sadd.s32 @!p0 $0x88, s6;
	s7 =	simm.s32 @p2 $0x1082  }
0x22: {  	[simem:s7], [sflag:s8] =	dma.local @!p0 [hbm:s6], $0xF7A  }
0x23: {  	s9 =	sor.u32 $0xD0000000, s2;
	s6 =	simm.s32 $0x108;
	_ =	swait.ge @!p0 [sflag:s8], $0x0  }
0x24: {  	s3 =	sadd.s32 $0x88, s3;
	s6 =	simm.s32 @!p1 $0x1082;
	[sflag:s4] =	ssyncset.s32 $0xFFFFF086  }
0x25: {  	[simem:s6], [sflag:s4] =	dma.local [hbm:s3], $0xF7A  }
0x26: {  	[smem:$0x3F96] =	sst s1;
	(tag) =	ssettag s2;
	_ =	strace s9  }
0x27: {  	s1 =	sld [smem:$0x3FA6]  }
0x28: {  	s2 =	sld [smem:$0x3FA7]  }
0x29: {  	s4 =	sld [smem:$0x3FA9]  }
0x2a: {  	p0 =	seq.s32 s5, $0x0;
	s5 =	sld [smem:$0x3FAA]  }
0x2b: {  	s6 =	sld [smem:$0x3FAB]  }
0x2c: {  	s7 =	sld [smem:$0x3FAC]  }
0x2d: {  	s3 =	simm.s32 $0x108;
	s8 =	sld [smem:$0x3FAD]  }
0x2e: {  	s3 =	simm.s32 @!p0 $0x1082;
	s9 =	sld [smem:$0x3FAE]  }
0x2f: {  	lr =	sadd.s32 s0, s3;
	s0 =	sld [smem:$0x3FA5]  }
0x30: {  	s3 =	sld [smem:$0x3FA8]  }
0x31: {  	[smem:$0x3FB1] =	sst s10  }
0x32: {  	s10 =	sld [smem:$0x3FAF];
	_ =	sdelay $0x3  }
0x33: {  	p0 =	seq.s32 s10, $0x1;
	s10 =	sld [smem:$0x3FB1];
	_ =	sdelay $0x3  }
0x34: {  	[smem:$0x3FB1] =	sst s10  }
0x35: {  	s10 =	sld [smem:$0x3FB0];
	_ =	sdelay $0x3  }
0x36: {  	p1 =	seq.s32 s10, $0x1;
	s10 =	sld [smem:$0x3FB1];
	_ =	sdelay $0x3  }
0x37: {  	[smem:$0x3FB1] =	sst s10  }
0x38: {  	s10 =	sld [smem:$0x3FB2]  }
0x39: {  	_ = 	snop;
	(pc) =	sbr.ind lr, $3  }
0x3a: {  	_ = 	snop  }
0x3b: {  	_ = 	snop  }
0x3c: {  	p2 =	seq.s32 s10, $0x1;
	s10 =	sld [smem:$0x3FB1]  }
0x3d: {  	_ =	shalt  }
0x3e: {  	_ =	shalt  }
0x3f: {  	_ =	shalt  }
0x40: {  	_ =	shalt  }
0x41: {  	_ =	shalt  }
0x42: {  	_ =	shalt  }
0x43: {  	_ =	shalt  }
0x44: {  	_ =	shalt  }
0x45: {  	_ =	shalt  }
0x46: {  	_ =	shalt  }
0x47: {  	_ =	shalt  }
0x48: {  	_ =	shalt  }
0x49: {  	_ =	shalt  }
0x4a: {  	_ =	shalt  }
0x4b: {  	_ =	shalt  }
0x4c: {  	_ =	shalt  }
0x4d: {  	_ =	shalt  }
0x4e: {  	_ =	shalt  }
0x4f: {  	_ =	shalt  }
0x50: {  	_ =	shalt  }
0x51: {  	_ =	shalt  }
0x52: {  	_ =	shalt  }
0x53: {  	_ =	shalt  }
0x54: {  	_ =	shalt  }
0x55: {  	_ =	shalt  }
0x56: {  	_ =	shalt  }
0x57: {  	_ =	shalt  }
0x58: {  	_ =	shalt  }
0x59: {  	_ =	shalt  }
0x5a: {  	_ =	shalt  }
0x5b: {  	_ =	shalt  }
0x5c: {  	_ =	shalt  }
0x5d: {  	_ =	shalt  }
0x5e: {  	_ =	shalt  }
0x5f: {  	_ =	shalt  }
0x60: {  	_ =	shalt  }
0x61: {  	_ =	shalt  }
0x62: {  	_ =	shalt  }
0x63: {  	_ =	shalt  }
0x64: {  	_ =	shalt  }
0x65: {  	_ =	shalt  }
0x66: {  	_ =	shalt  }
0x67: {  	_ =	shalt  }
0x68: {  	_ =	shalt  }
0x69: {  	_ =	shalt  }
0x6a: {  	_ =	shalt  }
0x6b: {  	_ =	shalt  }
0x6c: {  	_ =	shalt  }
0x6d: {  	_ =	shalt  }
0x6e: {  	_ =	shalt  }
0x6f: {  	_ =	shalt  }
0x70: {  	_ =	shalt  }
0x71: {  	_ =	shalt  }
0x72: {  	_ =	shalt  }
0x73: {  	_ =	shalt  }
0x74: {  	_ =	shalt  }
0x75: {  	_ =	shalt  }
0x76: {  	_ =	shalt  }
0x77: {  	_ =	shalt  }
0x78: {  	_ =	shalt  }
0x79: {  	_ =	shalt  }
0x7a: {  	_ =	shalt  }
0x7b: {  	_ =	shalt  }
0x7c: {  	_ =	shalt  }
0x7d: {  	_ =	shalt  }
0x7e: {  	_ =	shalt  }
0x7f: {  	_ =	shalt  }
0x80: {  	_ =	shalt  }
0x81: {  	_ =	shalt  }
0x82: {  	_ =	shalt  }
0x83: {  	_ =	shalt  }
0x84: {  	_ =	shalt  }
0x85: {  	_ =	shalt  }
0x86: {  	_ =	shalt  }
0x87: {  	_ =	shalt  }
.Lfunc_end0:
.L_simem_size_0:
called_computation.1_lowered:
.L_overlay_start_0:
0x88: {  	s2 =	sld [smem:$0x3FD9]  }
0x89: {  	s3 =	sld [smem:$0x3FFE];
	_ =	sdelay $0x1  }
0x8a: {  	s1 =	srdreg.scid  }
0x8b: {  	s0 =	sand.u32 $0x1, s1  }
0x8c: {  	s17 =	sshll.u32 s0, $0xA;
	s2 =	sadd.s32 s3, s2  }
0x8d: {  	s2 =	sadd.s32 s2, s17  }
0x8e: {  	[smem:$0x3FBD] =	sst s2  }
0x8f: {  	_ = 	snop  }
0x90: {  	s2 =	sld [smem:$0x3FD0];
	(tm) =	ssettm $0x1  }
0x91: {  	s18 =	sld [smem:$0x3FFB];
	_ =	sdelay $0x3  }
0x92: {  	_ =	strace s18  }
0x93: {  	s3 =	sld [smem:$0x3FFC];
	_ =	sdelay $0x3  }
0x94: {  	_ =	strace s3  }
0x95: {  	s3 =	sld [smem:$0x3FFD];
	_ =	sdelay $0x3  }
0x96: {  	_ =	strace s3  }
0x97: {  	_ =	strace $0x8FFFFFFF  }
0x98: {  	s19 =	sld [smem:$0x3FDB];
	_ =	sdelay $0x1  }
0x99: {  	s4 =	simm.s32 $_scs_section_size  }
0x9a: {  	s5 =	simm.s32 $_size__tile_overlayer_lowered;
	s6 =	simm.s32 $_tile_overlayer_lowered  }
0x9b: {  	s22 =	simm.s32 $0x1BFF;
	s21 =	sshll.u32 s6, $0x1;
	s3 =	sadd.s32 s4, s19  }
0x9c: {  	s7 =	simm.s32 $0x0;
	s20 =	sshll.u32 s5, $0x1;
	s5 =	sadd.s32 s21, s3  }
0x9d: {  	[timem:s7], [sflag:s22] =	dma.local [hbm:s5], s20  }
0x9e: {  	_ =	swait.ge [sflag:s22], s20  }
0x9f: {  	s4 =	ssub.s32 $0x0, s20;
	[sflag:s22] =	ssyncset.done $0x0  }
0xa0: {  	[sflag:s22] =	ssyncadd.s32 s4;
	_ =	sdelay $0x1  }
0xa1: {  	s23 =	simm.s32 $0x1B8B  }
0xa2: {  	_ =	swait.ge [sflag:s23], $0x1  }
0xa3: {  	[sflag:s23] =	ssyncset.done $0x0  }
0xa4: {  	s25 =	simm.s32 $0x1B8E;
	s24 =	sld [smem:$0x3FFE];
	[sflag:s23] =	ssyncadd.s32 $0xFFFFFFFF  }
0xa5: {  	s26 =	simm.s32 $execute0_lowered;
	[smem:$0x3FD2] =	sst s25  }
0xa6: {  	s5 =	sshll.u32 s26, $0x1;
	_ =	strace $0x80000049;
	[dreg:$0x1] =	wrdreg $0xFFFFFFFF  }
0xa7: {  	s28 =	simm.s32 $_size_execute0_lowered;
	s3 =	sadd.s32 s3, s5;
	[dreg:$0x0] =	wrdreg $0x0  }
0xa8: {  	s5 =	sshll.u32 s28, $0x1;
	[dreg:$0x2] =	wrdreg s3  }
0xa9: {  	[dreg:$0x3] =	wrdreg s5  }
0xaa: {  	[dreg:$0x4] =	wrdreg $0xC0  }
0xab: {  	_ =	task [dreg:s7], $0x5FFFF  }
0xac: {  	[dreg:$0x1] =	wrdreg $0xFFFFFFFF  }
0xad: {  	[dreg:$0x0] =	wrdreg $0x60  }
0xae: {  	[dreg:$0x2] =	wrdreg s24  }
0xaf: {  	[dreg:$0x3] =	wrdreg s2  }
0xb0: {  	[dreg:$0x4] =	wrdreg $0x9800  }
0xb1: {  	[dreg:$0x5] =	wrdreg $0x1D080  }
0xb2: {  	[dreg:$0x6] =	wrdreg $0x9  }
0xb3: {  	_ =	task.clear_ibuf [dreg:s7], $0x7FFFF;
	_ =	strace $0x90000049  }
0xb4: {  	s29 =	simm.s32 $0x9;
	_ =	strace $0x8000004B  }
0xb5: {  	_ =	swait.ge [sflag:s29], $0x1  }
0xb6: {  	[sflag:s29] =	ssyncadd.s32 $0xFFFFFFFF  }
0xb7: {  	_ =	strace $0x9000004B  }
0xb8: {  	_ =	sfence  }
0xb9: {  	s30 =	sld [smem:$0x0];
	_ =	sdelay $0x2  }
0xba: {  	s31 =	sshll.u32 s1, $0xD;
	s1 =	sshrl.u32 s1, $0x2  }
0xbb: {  	s3 =	sand.u32 $0x4000, s31;
	s1 =	sadd.s32 s1, s30  }
0xbc: {  	s0 =	sor.u32 s3, s0;
	s1 =	sshll.u32 s1, $0x11  }
0xbd: {  	s0 =	sor.u32 s1, s0  }
0xbe: {  	s0 =	sadd.s32 $0x8F2B, s0  }
0xbf: {  	[sflag:s0] =	ssyncadd.remote.s32 $0x1  }
0xc0: {  	_ =	sfence.sel $0xFFFF  }
0xc1: {  	[dreg:$0x0] =	wrdreg $0xFFFFFFFF;
	(pc) =	sbr.abs _section_cstart, $3  }
0xc2: {  	[dreg:$0x1] =	wrdreg $0xFFFFFFFF  }
0xc3: {  	_ =	task.clear_ibuf [dreg:s7], $0x2FFFF;
	_ =	strace $0x9FFFFFFF  }
0xc4: {  	(tm) =	ssettm $0x7FFFFFFF  }
0xc5: {  	_ =	shalt  }
tec
execute0_lowered:
.L_overlay_start_1:
0x0: {  	(tag) =	ssettag $0x1  }
0x1: {  	s5 =	rddreg [dreg:$0x0]  }
0x2: {  	s18 =	rddreg [dreg:$0x1]  }
0x3: {  	s2 =	rddreg [dreg:$0x2]  }
0x4: {  	s3 =	rddreg [dreg:$0x3]  }
0x5: {  	s4 =	simm.s32 $0x0;
	s0 =	stileid.u32;
	s6 =	srdreg.scid  }
0x6: {  	[smem:$0x7FF] =	sst s4;
	s19 =	sshll.u32 s0, $0x5;
	s20 =	sand.u32 $0x1, s6  }
0x7: {  	s17 =	sadd.s32 $0x11C00, s5;
	s22 =	sadd.s32 $0x16C00, s5;
	s10 =	smul.u32 $0x7D0, s0  }
0x8: {  	s23 =	sor.u32 $0x20, s0;
	_ =	strace $0x8000004A;
	s21 =	sadd.s32 s19, s5  }
0x9: {  	s6 =	ssub.s32 $0x2, s20;
	s5 =	sshll.u32 s0, $0x1;
	s15 =	smul.u32 $0x13880, s20  }
0xa: {  	s16 =	smul.u32 $0x7D0, s23;
	s19 =	sadd.s32 s19, s18;
	s20 =	sshll.u32 s20, $0x4  }
0xb: {  	p0 =	sgt.u32 s23, $0x27;
	s23 =	simm.s32 $0x1;
	s28 =	sshrl.u32 s6, $0x1  }
0xc: {  	s7 =	sadd.s32 s10, s2;
	s14 =	sadd.s32 $0x7D00, s10;
	s8 =	sadd.s32 s10, s3  }
0xd: {  	s19 =	sadd.s32 s20, s19;
	s20 =	sadd.s32 s20, s21;
	s21 =	simm.s32 $0x180  }
0xe: {  	s6 =	ssub.s32 s6, s28;
	s9 =	sadd.s32 s14, s2;
	s12 =	sadd.s32 s15, s10  }
0xf: {  	s10 =	sadd.s32 s14, s3;
	s11 =	sadd.s32 s16, s2;
	s25 =	sadd.s32 s15, s14  }
0x10: {  	s30 =	sadd.s32 s15, s16;
	s20 =	sadd.s32 $0xCC00, s20;
	s6 =	smax.u32 s6, $0x1  }
0x11: {  	s24 =	sshrl.u32 s12, $0x3;
	s12 =	sadd.s32 s16, s3;
	s29 =	sshrl.u32 s25, $0x3  }
0x12: {  	s31 =	sshrl.u32 s30, $0x3;
	s13 =	sadd.s32 s17, s24;
	s14 =	sadd.s32 s22, s24  }
0x13: {  	s15 =	sadd.s32 s17, s29;
	s16 =	sadd.s32 s22, s29;
	s17 =	sadd.s32 s17, s31  }
0x14: {  	v0 =	vimm.f32 $1.000000000e+00;
	v1 =	vimm.f32 $0.0e+00;
	s18 =	sadd.s32 s22, s31;
	s22 =	simm.s32 $0x2;
	s24 =	simm.s32 $0x0  }
.LBB2_1:
0x15: {  	[tilespmem:$0x100] =	vst v0  }
0x16: {  	[tilespmem:$0x110] =	vst v0  }
0x17: {  	[tilespmem:$0x120] =	vst v0  }
0x18: {  	[tilespmem:$0x130] =	vst v0  }
0x19: {  	[tilespmem:$0x140] =	vst v0  }
0x1a: {  	[tilespmem:$0x150] =	vst v0  }
0x1b: {  	[tilespmem:$0x160] =	vst v0  }
0x1c: {  	[tilespmem:$0x170] =	vst v0;
	s25 =	simm.s32 $0x40;
	s26 =	simm.s32 $0x0  }
.LBB2_2:
0x1d: {  	p1 =	sne.s32 s25, $0x1F00;
	[tilespmem:s26+$0x180] =	vst v1;
	s26 =	smov.u32 s25;
	s25 =	sadd.s32 $0x40, s25  }
.Ltmp0:
0x1e: {  	(pc) =	sbr.rel @p1 .LBB2_2-.Ltmp0, $2  }
0x1f: {  	_ =	sdelay $0x2  }
0x20: {  	s26 =	sshra.s32 s26, $0x2  }
0x21: {  	[tilespmem:s26+$0x180] =	vst v1  }
0x22: {  	[spmem:s7] =	stream.linear.scatter [tilespmem:s21], [sflag:$0x2], $0x7D0, $0x38;
	[tilespmem:$0x3090] =	vst v63  }
0x23: {  	_ =	swait.ge [sflag:s22], $0x7D0  }
0x24: {  	[sflag:s22] =	ssyncset.done $0x0  }
0x25: {  	[sflag:s22] =	ssyncadd.s32 $0xFFFFF830  }
0x26: {  	[spmem:s8] =	stream.linear.scatter [tilespmem:s21], [sflag:$0x1], $0x7D0, $0x38;
	[tilespmem:$0x3090] =	vst v63  }
0x27: {  	_ =	swait.ge [sflag:s23], $0x7D0  }
0x28: {  	[sflag:s23] =	ssyncset.done $0x0  }
0x29: {  	[sflag:s23] =	ssyncadd.s32 $0xFFFFF830  }
0x2a: {  	[spmem:s9] =	stream.linear.scatter [tilespmem:s21], [sflag:$0x2], $0x7D0, $0x38;
	[tilespmem:$0x3090] =	vst v63  }
0x2b: {  	_ =	swait.ge [sflag:s22], $0x7D0  }
0x2c: {  	[sflag:s22] =	ssyncset.done $0x0  }
0x2d: {  	[sflag:s22] =	ssyncadd.s32 $0xFFFFF830  }
0x2e: {  	[spmem:s10] =	stream.linear.scatter [tilespmem:s21], [sflag:$0x1], $0x7D0, $0x38;
	[tilespmem:$0x3090] =	vst v63  }
0x2f: {  	_ =	swait.ge [sflag:s23], $0x7D0  }
0x30: {  	[sflag:s23] =	ssyncset.done $0x0  }
0x31: {  	s25 =	simm.s32 @!p0 $0x180;
	s26 =	simm.s32 @!p0 $0x2;
	[sflag:s23] =	ssyncadd.s32 $0xFFFFF830  }
0x32: {  	[spmem:s11] =	stream.linear.scatter @!p0 [tilespmem:s25], [sflag:$0x2], $0x7D0, $0x38;
	[tilespmem:$0x3090] =	vst v63  }
0x33: {  	_ =	swait.ge @!p0 [sflag:s26], $0x7D0  }
0x34: {  	[sflag:s26] =	ssyncset.done @!p0 $0x0  }
0x35: {  	[sflag:s26] =	ssyncadd.s32 @!p0 $0xFFFFF830  }
0x36: {  	[spmem:s12] =	stream.linear.scatter @!p0 [tilespmem:s25], [sflag:$0x1], $0x7D0, $0x38;
	[tilespmem:$0x3090] =	vst v63  }
0x37: {  	s25 =	simm.s32 @!p0 $0x1  }
0x38: {  	_ =	swait.ge @!p0 [sflag:s25], $0x7D0  }
0x39: {  	p1 =	sgt.u32 s5, $0x4E1;
	[sflag:s25] =	ssyncset.done @!p0 $0x0  }
0x3a: {  	s28 =	simm.s32 @!p1 $0x2;
	[sflag:s25] =	ssyncadd.s32 @!p0 $0xFFFFF830  }
0x3b: {  	s26 =	simm.s32 @!p1 $0x0;
	s25 =	sadd.s32 @!p1 $0x0, s20;
	[bflag:$0x0] =	sbarrier.arrive $0xFFFF  }
0x3c: {  	[tilespmem:s26], [sflag:$0x2] =	stream.linear.gather @!p1 [hbm4b:s25+s26], $0x80, $0x38;
	[tilespmem:$0x3090] =	vst v63  }
0x3d: {  	_ =	swait.ge @!p1 [sflag:s28], $0x80;
	p1 =	por p1, p1  }
0x3e: {  	[sflag:s28] =	ssyncset.done @!p1 $0x0  }
0x3f: {  	s25 =	sadd.s32 @!p1 $0x0, s19;
	s29 =	simm.s32 @!p1 $0x80;
	[sflag:s28] =	ssyncadd.s32 @!p1 $0xFFFFFF80  }
0x40: {  	[tilespmem:s29], [sflag:$0x2] =	stream.linear.gather @!p1 [hbm4b:s25+s26], $0x80, $0x38;
	[tilespmem:$0x3090] =	vst v63  }
0x41: {  	_ =	swait.ge @!p1 [sflag:s28], $0x80  }
0x42: {  	[sflag:s28] =	ssyncset.done @!p1 $0x0  }
0x43: {  	[sflag:s28] =	ssyncadd.s32 @!p1 $0xFFFFFF80  }
0x44: {  	[spmem:s2] =	stream.indirect.scatter.add.f32 @!p1 [tilespmem:s29], [sflag:$0x2], $0x1, s26, s29, $0xb8;
	[tilespmem:$0x3090] =	vst v63  }
0x45: {  	_ =	swait.ge @!p1 [sflag:s28], $0x80  }
0x46: {  	[sflag:s28] =	ssyncset.done @!p1 $0x0  }
0x47: {  	s25 =	simm.s32 @!p1 $0x100;
	[sflag:s28] =	ssyncadd.s32 @!p1 $0xFFFFFF80  }
0x48: {  	[spmem:s3] =	stream.indirect.scatter.add.f32 @!p1 [tilespmem:s25], [sflag:$0x1], $0x1, s26, s29, $0xb8;
	[tilespmem:$0x3090] =	vst v63  }
0x49: {  	s28 =	simm.s32 $0x400;
	s26 =	sadd.s32 $0x20, s5;
	s29 =	simm.s32 @!p1 $0x1  }
0x4a: {  	s25 =	simm.s32 $0x200;
	p3 =	sgt.u32 s26, $0x4E1;
	_ =	swait.ge @!p1 [sflag:s29], $0x80  }
.LBB2_4:
0x4b: {  	s30 =	sadd.s32 @!p3 s25, s20  }
0x4c: {  	s31 =	simm.s32 @!p3 $0x0;
	[sflag:s29] =	ssyncset.done @!p1 $0x0;
	s0 =	smov.u32 s28  }
0x4d: {  	s28 =	sadd.s32 $0x200, s28;
	s1 =	simm.s32 @!p3 $0x2;
	[sflag:s29] =	ssyncadd.s32 @!p1 $0xFFFFFF80  }
0x4e: {  	[tilespmem:s31], [sflag:$0x2] =	stream.linear.gather @!p3 [hbm4b:s30+s31], $0x80, $0x38;
	[tilespmem:$0x3090] =	vst v63  }
0x4f: {  	p2 =	sne.s32 s28, $0x5000;
	p1 =	por p3, p3;
	_ =	swait.ge @!p3 [sflag:s1], $0x80  }
0x50: {  	[sflag:s1] =	ssyncset.done @!p1 $0x0  }
0x51: {  	s25 =	sadd.s32 @!p1 s25, s19;
	s30 =	simm.s32 @!p1 $0x80;
	[sflag:s1] =	ssyncadd.s32 @!p1 $0xFFFFFF80  }
0x52: {  	[tilespmem:s30], [sflag:$0x2] =	stream.linear.gather @!p1 [hbm4b:s25+s31], $0x80, $0x38;
	[tilespmem:$0x3090] =	vst v63  }
0x53: {  	s25 =	smov.u32 s0;
	_ =	swait.ge @!p1 [sflag:s1], $0x80  }
0x54: {  	[sflag:s1] =	ssyncset.done @!p1 $0x0  }
0x55: {  	[sflag:s1] =	ssyncadd.s32 @!p1 $0xFFFFFF80  }
0x56: {  	[spmem:s2] =	stream.indirect.scatter.add.f32 @!p1 [tilespmem:s30], [sflag:$0x2], $0x1, s31, s30, $0xb8;
	[tilespmem:$0x3090] =	vst v63  }
.Ltmp1:
0x57: {  	_ =	swait.ge @!p1 [sflag:s1], $0x80;
	(pc) =	sbr.rel @p2 .LBB2_4-.Ltmp1, $4  }
0x58: {  	s26 =	sadd.s32 $0x20, s26;
	[sflag:s1] =	ssyncset.done @!p1 $0x0  }
0x59: {  	s29 =	simm.s32 @!p1 $0x1;
	s0 =	simm.s32 @!p1 $0x100;
	[sflag:s1] =	ssyncadd.s32 @!p1 $0xFFFFFF80  }
0x5a: {  	[spmem:s3] =	stream.indirect.scatter.add.f32 @!p1 [tilespmem:s0], [sflag:$0x1], $0x1, s31, s30, $0xb8;
	[tilespmem:$0x3090] =	vst v63  }
0x5b: {  	p3 =	sgt.u32 s26, $0x4E1;
	_ =	swait.ge @!p1 [sflag:s29], $0x80  }
0x5c: {  	s0 =	sadd.s32 @!p3 s25, s20;
	[sflag:s29] =	ssyncset.done @!p1 $0x0  }
0x5d: {  	s1 =	simm.s32 @!p3 $0x0;
	s26 =	simm.s32 @!p3 $0x2;
	[sflag:s29] =	ssyncadd.s32 @!p1 $0xFFFFFF80  }
0x5e: {  	[tilespmem:s1], [sflag:$0x2] =	stream.linear.gather @!p3 [hbm4b:s0+s1], $0x80, $0x38;
	[tilespmem:$0x3090] =	vst v63  }
0x5f: {  	p1 =	por p3, p3;
	_ =	swait.ge @!p3 [sflag:s26], $0x80  }
0x60: {  	[sflag:s26] =	ssyncset.done @!p1 $0x0  }
0x61: {  	s0 =	sadd.s32 @!p1 s25, s19;
	s25 =	simm.s32 @!p1 $0x80;
	[sflag:s26] =	ssyncadd.s32 @!p1 $0xFFFFFF80  }
0x62: {  	[tilespmem:s25], [sflag:$0x2] =	stream.linear.gather @!p1 [hbm4b:s0+s1], $0x80, $0x38;
	[tilespmem:$0x3090] =	vst v63  }
0x63: {  	_ =	swait.ge @!p1 [sflag:s26], $0x80  }
0x64: {  	[sflag:s26] =	ssyncset.done @!p1 $0x0  }
0x65: {  	[sflag:s26] =	ssyncadd.s32 @!p1 $0xFFFFFF80  }
0x66: {  	[spmem:s2] =	stream.indirect.scatter.add.f32 @!p1 [tilespmem:s25], [sflag:$0x2], $0x1, s1, s25, $0xb8;
	[tilespmem:$0x3090] =	vst v63  }
0x67: {  	_ =	swait.ge @!p1 [sflag:s26], $0x80  }
0x68: {  	[sflag:s26] =	ssyncset.done @!p1 $0x0  }
0x69: {  	s0 =	simm.s32 @!p1 $0x100;
	[sflag:s26] =	ssyncadd.s32 @!p1 $0xFFFFFF80  }
0x6a: {  	[spmem:s3] =	stream.indirect.scatter.add.f32 @!p1 [tilespmem:s0], [sflag:$0x1], $0x1, s1, s25, $0xb8;
	[tilespmem:$0x3090] =	vst v63  }
0x6b: {  	s0 =	simm.s32 @!p1 $0x1  }
0x6c: {  	_ =	swait.ge @!p1 [sflag:s0], $0x80  }
0x6d: {  	[sflag:s0] =	ssyncset.done @!p1 $0x0  }
0x6e: {  	[sflag:s0] =	ssyncadd.s32 @!p1 $0xFFFFFF80  }
0x6f: {  	[bflag:$0x0] =	sbarrier.arrive $0xFFFF  }
0x70: {  	[tilespmem:s21], [sflag:$0x2] =	stream.linear.gather [spmem:s7], $0x7D0, $0x38;
	[tilespmem:$0x3090] =	vst v63  }
0x71: {  	_ =	swait.ge [sflag:s22], $0x7D0  }
0x72: {  	[sflag:s22] =	ssyncset.done $0x0  }
0x73: {  	[sflag:s22] =	ssyncadd.s32 $0xFFFFF830  }
0x74: {  	[hbm4b:s13+s4] =	stream.linear.scatter [tilespmem:s21], [sflag:$0x2], $0x7D0, $0x38;
	[tilespmem:$0x3090] =	vst v63  }
0x75: {  	_ =	swait.ge [sflag:s22], $0x7D0  }
0x76: {  	[sflag:s22] =	ssyncset.done $0x0  }
0x77: {  	[sflag:s22] =	ssyncadd.s32 $0xFFFFF830  }
0x78: {  	[tilespmem:s21], [sflag:$0x2] =	stream.linear.gather [spmem:s8], $0x7D0, $0x38;
	[tilespmem:$0x3090] =	vst v63  }
0x79: {  	_ =	swait.ge [sflag:s22], $0x7D0  }
0x7a: {  	[sflag:s22] =	ssyncset.done $0x0  }
0x7b: {  	[sflag:s22] =	ssyncadd.s32 $0xFFFFF830  }
0x7c: {  	[hbm4b:s14+s4] =	stream.linear.scatter [tilespmem:s21], [sflag:$0x1], $0x7D0, $0x38;
	[tilespmem:$0x3090] =	vst v63  }
0x7d: {  	_ =	swait.ge [sflag:s23], $0x7D0  }
0x7e: {  	[sflag:s23] =	ssyncset.done $0x0  }
0x7f: {  	[sflag:s23] =	ssyncadd.s32 $0xFFFFF830  }
0x80: {  	[tilespmem:s21], [sflag:$0x2] =	stream.linear.gather [spmem:s9], $0x7D0, $0x38;
	[tilespmem:$0x3090] =	vst v63  }
0x81: {  	_ =	swait.ge [sflag:s22], $0x7D0  }
0x82: {  	[sflag:s22] =	ssyncset.done $0x0  }
0x83: {  	[sflag:s22] =	ssyncadd.s32 $0xFFFFF830  }
0x84: {  	[hbm4b:s15+s4] =	stream.linear.scatter [tilespmem:s21], [sflag:$0x2], $0x7D0, $0x38;
	[tilespmem:$0x3090] =	vst v63  }
0x85: {  	_ =	swait.ge [sflag:s22], $0x7D0  }
0x86: {  	[sflag:s22] =	ssyncset.done $0x0  }
0x87: {  	[sflag:s22] =	ssyncadd.s32 $0xFFFFF830  }
0x88: {  	[tilespmem:s21], [sflag:$0x2] =	stream.linear.gather [spmem:s10], $0x7D0, $0x38;
	[tilespmem:$0x3090] =	vst v63  }
0x89: {  	_ =	swait.ge [sflag:s22], $0x7D0  }
0x8a: {  	[sflag:s22] =	ssyncset.done $0x0  }
0x8b: {  	[sflag:s22] =	ssyncadd.s32 $0xFFFFF830  }
0x8c: {  	[hbm4b:s16+s4] =	stream.linear.scatter [tilespmem:s21], [sflag:$0x1], $0x7D0, $0x38;
	[tilespmem:$0x3090] =	vst v63  }
0x8d: {  	_ =	swait.ge [sflag:s23], $0x7D0  }
0x8e: {  	[sflag:s23] =	ssyncset.done $0x0  }
0x8f: {  	s1 =	simm.s32 @!p0 $0x2;
	s0 =	simm.s32 @!p0 $0x180;
	[sflag:s23] =	ssyncadd.s32 $0xFFFFF830  }
0x90: {  	[tilespmem:s0], [sflag:$0x2] =	stream.linear.gather @!p0 [spmem:s11], $0x7D0, $0x38;
	[tilespmem:$0x3090] =	vst v63  }
0x91: {  	_ =	swait.ge @!p0 [sflag:s1], $0x7D0  }
0x92: {  	[sflag:s1] =	ssyncset.done @!p0 $0x0  }
0x93: {  	s25 =	simm.s32 @!p0 $0x0;
	[sflag:s1] =	ssyncadd.s32 @!p0 $0xFFFFF830  }
0x94: {  	[hbm4b:s17+s25] =	stream.linear.scatter @!p0 [tilespmem:s0], [sflag:$0x2], $0x7D0, $0x38;
	[tilespmem:$0x3090] =	vst v63  }
0x95: {  	_ =	swait.ge @!p0 [sflag:s1], $0x7D0  }
0x96: {  	[sflag:s1] =	ssyncset.done @!p0 $0x0  }
0x97: {  	[sflag:s1] =	ssyncadd.s32 @!p0 $0xFFFFF830  }
0x98: {  	[tilespmem:s0], [sflag:$0x2] =	stream.linear.gather @!p0 [spmem:s12], $0x7D0, $0x38;
	[tilespmem:$0x3090] =	vst v63  }
0x99: {  	_ =	swait.ge @!p0 [sflag:s1], $0x7D0  }
0x9a: {  	s24 =	sadd.s32 $0x1, s24;
	[sflag:s1] =	ssyncset.done @!p0 $0x0  }
0x9b: {  	p1 =	sne.s32 s24, s6;
	[sflag:s1] =	ssyncadd.s32 @!p0 $0xFFFFF830  }
0x9c: {  	[hbm4b:s18+s25] =	stream.linear.scatter @!p0 [tilespmem:s0], [sflag:$0x1], $0x7D0, $0x38;
	[tilespmem:$0x3090] =	vst v63  }
.Ltmp2:
0x9d: {  	_ = 	snop;
	(pc) =	sbr.rel @p1 .LBB2_1-.Ltmp2, $4  }
0x9e: {  	s0 =	simm.s32 @!p0 $0x1  }
0x9f: {  	_ =	swait.ge @!p0 [sflag:s0], $0x7D0  }
0xa0: {  	[sflag:s0] =	ssyncset.done @!p0 $0x0  }
0xa1: {  	[sflag:s0] =	ssyncadd.s32 @!p0 $0xFFFFF830  }
0xa2: {  	_ =	sfence.sel $0x180000  }
0xa3: {  	[bflag:$0x0] =	sbarrier.arrive $0xFFFF  }
0xa4: {  	_ =	strace $0x9000004A  }
0xa5: {  	s0 =	stileid.u32;
	[bflag:$0x2] =	sbarrier.arrive $0xFFFF  }
0xa6: {  	p0 =	sne.s32 s0, $0x0;
	s0 =	rddreg [dreg:$0x4]  }
0xa7: {  	s0 =	sadd.s32 @!p0 $0x100000, s0  }
0xa8: {  	[sflag:s0] =	ssyncadd.tile.s32 @!p0 $0x1;
	_ =	shalt  }
.Lfunc_end2:
_tile_overlayer_lowered:
.L_overlay_start_2:
0xa9: {  	(tag) =	ssettag $0x2  }
0xaa: {  	s0 =	rddreg [dreg:$0x0];
	s2 =	stileid.u32  }
0xab: {  	s1 =	rddreg [dreg:$0x1];
	p0 =	sne.s32 s2, $0x0  }
0xac: {  	s3 =	rddreg [dreg:$0x2];
	[bflag:$0x3] =	sbarrier.arrive $0xFFFF;
	s2 =	simm.s32 @!p0 $0x1C01  }
0xad: {  	[timem:s3], [sflag:s2] =	dma.local @!p0 [hbm:s0], s1  }
0xae: {  	s0 =	simm.s32 @!p0 $0x1  }
0xaf: {  	_ =	swait.ge @!p0 [sflag:s0], s1  }
0xb0: {  	s1 =	ssub.s32 @!p0 $0x0, s1;
	[sflag:s0] =	ssyncset.done @!p0 $0x0  }
0xb1: {  	[sflag:s0] =	ssyncadd.s32 @!p0 s1  }
0xb2: {  	[bflag:$0x3] =	sbarrier.arrive $0xFFFF  }
0xb3: {  	_ =	shalt  }

// kernel: kernel.19.cloned.1.call-start
scs
__scs_entry_jumppad:
0x0: {  	(pc) =	sbr.rel $0x88, $3  }
0x1: {  	(tag) =	ssettag $0x0;
	lr =	simm.s32 $0x1  }
0x2: {  	[smem:$0x3F96] =	sst lr;
	_ =	strace $0xD0000000  }
0x3: {  	_ = 	snop  }
0x4: {  	_ = 	snop  }
0x5: {  	_ = 	snop  }
0x6: {  	_ = 	snop  }
0x7: {  	_ = 	snop  }
__scs_overlays_trampoline_lowered:
0x8: {  	[smem:$0x3FA5] =	sst s0  }
0x9: {  	[smem:$0x3FA6] =	sst s1  }
0xa: {  	[smem:$0x3FA7] =	sst s2  }
0xb: {  	[smem:$0x3FA8] =	sst s3  }
0xc: {  	[smem:$0x3FA9] =	sst s4  }
0xd: {  	[smem:$0x3FAA] =	sst s5  }
0xe: {  	[smem:$0x3FAB] =	sst s6  }
0xf: {  	[smem:$0x3FAC] =	sst s7  }
0x10: {  	[smem:$0x3FAD] =	sst s8  }
0x11: {  	[smem:$0x3FAE] =	sst s9;
	s0 =	simm.s32 @!p0 $0x0  }
0x12: {  	s1 =	sld [smem:$0x3F94];
	s0 =	simm.s32 @p0 $0x1  }
0x13: {  	[smem:$0x3FAF] =	sst s0;
	s0 =	simm.s32 @!p1 $0x0  }
0x14: {  	s2 =	sld [smem:$0x3F93];
	s0 =	simm.s32 @p1 $0x1  }
0x15: {  	[smem:$0x3FB0] =	sst s0;
	s0 =	simm.s32 @!p2 $0x0  }
0x16: {  	s3 =	sld [smem:$0x3FDB];
	s0 =	simm.s32 @p2 $0x1  }
0x17: {  	s4 =	simm.s32 $0x1BF5;
	[smem:$0x3FB2] =	sst s0  }
0x18: {  	s0 =	sld [smem:$0x3F95];
	_ =	swait.ge [sflag:s4], $0x0  }
0x19: {  	s7 =	sld [smem:$0x3F96]  }
0x1a: {  	s8 =	sadd.s32 $0xFFFFE003, lr  }
0x1b: {  	s9 =	sadd.s32 $0xFFFFFEF7, lr;
	s5 =	simm.s32 $0xFFFFFFFF;
	p2 =	slt.u32 s8, $0xFFFFF086  }
0x1c: {  	p1 =	slt.u32 s9, $0xF7A;
	s5 =	simm.s32 @!p2 $0x0  }
0x1d: {  	s5 =	simm.s32 @p1 $0x1;
	p0 =	seq.s32 s7, s2  }
0x1e: {  	s7 =	smul.u32 @!p0 $0xF7A, s2;
	p2 =	seq.s32 @!p0 s5, $0x0  }
0x1f: {  	s9 =	smul.u32 $0xF7A, s1;
	s8 =	simm.s32 @!p0 $0x1BF5;
	p2 =	por !p2, p0  }
0x20: {  	[sflag:s8] =	ssyncset.s32 @!p0 $0xFFFFF086;
	s6 =	sadd.s32 @!p0 s3, s7;
	s7 =	simm.s32 @!p0 $0x108  }
0x21: {  	s3 =	sadd.s32 s3, s9;
	s6 =	sadd.s32 @!p0 $0x88, s6;
	s7 =	simm.s32 @p2 $0x1082  }
0x22: {  	[simem:s7], [sflag:s8] =	dma.local @!p0 [hbm:s6], $0xF7A  }
0x23: {  	s9 =	sor.u32 $0xD0000000, s2;
	s6 =	simm.s32 $0x108;
	_ =	swait.ge @!p0 [sflag:s8], $0x0  }
0x24: {  	s3 =	sadd.s32 $0x88, s3;
	s6 =	simm.s32 @!p1 $0x1082;
	[sflag:s4] =	ssyncset.s32 $0xFFFFF086  }
0x25: {  	[simem:s6], [sflag:s4] =	dma.local [hbm:s3], $0xF7A  }
0x26: {  	[smem:$0x3F96] =	sst s1;
	(tag) =	ssettag s2;
	_ =	strace s9  }
0x27: {  	s1 =	sld [smem:$0x3FA6]  }
0x28: {  	s2 =	sld [smem:$0x3FA7]  }
0x29: {  	s4 =	sld [smem:$0x3FA9]  }
0x2a: {  	p0 =	seq.s32 s5, $0x0;
	s5 =	sld [smem:$0x3FAA]  }
0x2b: {  	s6 =	sld [smem:$0x3FAB]  }
0x2c: {  	s7 =	sld [smem:$0x3FAC]  }
0x2d: {  	s3 =	simm.s32 $0x108;
	s8 =	sld [smem:$0x3FAD]  }
0x2e: {  	s3 =	simm.s32 @!p0 $0x1082;
	s9 =	sld [smem:$0x3FAE]  }
0x2f: {  	lr =	sadd.s32 s0, s3;
	s0 =	sld [smem:$0x3FA5]  }
0x30: {  	s3 =	sld [smem:$0x3FA8]  }
0x31: {  	[smem:$0x3FB1] =	sst s10  }
0x32: {  	s10 =	sld [smem:$0x3FAF];
	_ =	sdelay $0x3  }
0x33: {  	p0 =	seq.s32 s10, $0x1;
	s10 =	sld [smem:$0x3FB1];
	_ =	sdelay $0x3  }
0x34: {  	[smem:$0x3FB1] =	sst s10  }
0x35: {  	s10 =	sld [smem:$0x3FB0];
	_ =	sdelay $0x3  }
0x36: {  	p1 =	seq.s32 s10, $0x1;
	s10 =	sld [smem:$0x3FB1];
	_ =	sdelay $0x3  }
0x37: {  	[smem:$0x3FB1] =	sst s10  }
0x38: {  	s10 =	sld [smem:$0x3FB2]  }
0x39: {  	_ = 	snop;
	(pc) =	sbr.ind lr, $3  }
0x3a: {  	_ = 	snop  }
0x3b: {  	_ = 	snop  }
0x3c: {  	p2 =	seq.s32 s10, $0x1;
	s10 =	sld [smem:$0x3FB1]  }
0x3d: {  	_ =	shalt  }
0x3e: {  	_ =	shalt  }
0x3f: {  	_ =	shalt  }
0x40: {  	_ =	shalt  }
0x41: {  	_ =	shalt  }
0x42: {  	_ =	shalt  }
0x43: {  	_ =	shalt  }
0x44: {  	_ =	shalt  }
0x45: {  	_ =	shalt  }
0x46: {  	_ =	shalt  }
0x47: {  	_ =	shalt  }
0x48: {  	_ =	shalt  }
0x49: {  	_ =	shalt  }
0x4a: {  	_ =	shalt  }
0x4b: {  	_ =	shalt  }
0x4c: {  	_ =	shalt  }
0x4d: {  	_ =	shalt  }
0x4e: {  	_ =	shalt  }
0x4f: {  	_ =	shalt  }
0x50: {  	_ =	shalt  }
0x51: {  	_ =	shalt  }
0x52: {  	_ =	shalt  }
0x53: {  	_ =	shalt  }
0x54: {  	_ =	shalt  }
0x55: {  	_ =	shalt  }
0x56: {  	_ =	shalt  }
0x57: {  	_ =	shalt  }
0x58: {  	_ =	shalt  }
0x59: {  	_ =	shalt  }
0x5a: {  	_ =	shalt  }
0x5b: {  	_ =	shalt  }
0x5c: {  	_ =	shalt  }
0x5d: {  	_ =	shalt  }
0x5e: {  	_ =	shalt  }
0x5f: {  	_ =	shalt  }
0x60: {  	_ =	shalt  }
0x61: {  	_ =	shalt  }
0x62: {  	_ =	shalt  }
0x63: {  	_ =	shalt  }
0x64: {  	_ =	shalt  }
0x65: {  	_ =	shalt  }
0x66: {  	_ =	shalt  }
0x67: {  	_ =	shalt  }
0x68: {  	_ =	shalt  }
0x69: {  	_ =	shalt  }
0x6a: {  	_ =	shalt  }
0x6b: {  	_ =	shalt  }
0x6c: {  	_ =	shalt  }
0x6d: {  	_ =	shalt  }
0x6e: {  	_ =	shalt  }
0x6f: {  	_ =	shalt  }
0x70: {  	_ =	shalt  }
0x71: {  	_ =	shalt  }
0x72: {  	_ =	shalt  }
0x73: {  	_ =	shalt  }
0x74: {  	_ =	shalt  }
0x75: {  	_ =	shalt  }
0x76: {  	_ =	shalt  }
0x77: {  	_ =	shalt  }
0x78: {  	_ =	shalt  }
0x79: {  	_ =	shalt  }
0x7a: {  	_ =	shalt  }
0x7b: {  	_ =	shalt  }
0x7c: {  	_ =	shalt  }
0x7d: {  	_ =	shalt  }
0x7e: {  	_ =	shalt  }
0x7f: {  	_ =	shalt  }
0x80: {  	_ =	shalt  }
0x81: {  	_ =	shalt  }
0x82: {  	_ =	shalt  }
0x83: {  	_ =	shalt  }
0x84: {  	_ =	shalt  }
0x85: {  	_ =	shalt  }
0x86: {  	_ =	shalt  }
0x87: {  	_ =	shalt  }
.Lfunc_end0:
.L_simem_size_0:
called_computation.2_lowered:
.L_overlay_start_0:
0x88: {  	s2 =	sld [smem:$0x3FD9]  }
0x89: {  	s3 =	sld [smem:$0x3FFE];
	_ =	sdelay $0x1  }
0x8a: {  	s1 =	srdreg.scid  }
0x8b: {  	s0 =	sand.u32 $0x1, s1  }
0x8c: {  	s16 =	sshll.u32 s0, $0xA;
	s2 =	sadd.s32 s3, s2  }
0x8d: {  	s2 =	sadd.s32 s2, s16  }
0x8e: {  	[smem:$0x3FBD] =	sst s2  }
0x8f: {  	_ = 	snop  }
0x90: {  	(tm) =	ssettm $0x1  }
0x91: {  	s17 =	sld [smem:$0x3FFB];
	_ =	sdelay $0x3  }
0x92: {  	_ =	strace s17  }
0x93: {  	s2 =	sld [smem:$0x3FFC];
	_ =	sdelay $0x3  }
0x94: {  	_ =	strace s2  }
0x95: {  	s2 =	sld [smem:$0x3FFD];
	_ =	sdelay $0x3  }
0x96: {  	_ =	strace s2  }
0x97: {  	_ =	strace $0x8FFFFFFF  }
0x98: {  	s18 =	sld [smem:$0x3FDB];
	_ =	sdelay $0x1  }
0x99: {  	s19 =	simm.s32 $_scs_section_size  }
0x9a: {  	s4 =	simm.s32 $_size__tile_overlayer_lowered;
	s5 =	simm.s32 $_tile_overlayer_lowered  }
0x9b: {  	s22 =	simm.s32 $0x1BFF;
	s21 =	sshll.u32 s5, $0x1;
	s2 =	sadd.s32 s19, s18  }
0x9c: {  	s6 =	simm.s32 $0x0;
	s20 =	sshll.u32 s4, $0x1;
	s4 =	sadd.s32 s21, s2  }
0x9d: {  	[timem:s6], [sflag:s22] =	dma.local [hbm:s4], s20  }
0x9e: {  	_ =	swait.ge [sflag:s22], s20  }
0x9f: {  	s3 =	ssub.s32 $0x0, s20;
	[sflag:s22] =	ssyncset.done $0x0  }
0xa0: {  	[sflag:s22] =	ssyncadd.s32 s3;
	_ =	sdelay $0x1  }
0xa1: {  	s23 =	simm.s32 $0x1B8B  }
0xa2: {  	_ =	swait.ge [sflag:s23], $0x1  }
0xa3: {  	[sflag:s23] =	ssyncset.done $0x0  }
0xa4: {  	s25 =	simm.s32 $0x1B8E;
	s24 =	sld [smem:$0x3FFE];
	[sflag:s23] =	ssyncadd.s32 $0xFFFFFFFF  }
0xa5: {  	s26 =	simm.s32 $execute0_lowered;
	[smem:$0x3FD2] =	sst s25  }
0xa6: {  	s4 =	sshll.u32 s26, $0x1;
	_ =	strace $0x8000004C;
	[dreg:$0x1] =	wrdreg $0xFFFFFFFF  }
0xa7: {  	s28 =	simm.s32 $_size_execute0_lowered;
	s2 =	sadd.s32 s2, s4;
	[dreg:$0x0] =	wrdreg $0x0  }
0xa8: {  	s4 =	sshll.u32 s28, $0x1;
	[dreg:$0x2] =	wrdreg s2  }
0xa9: {  	[dreg:$0x3] =	wrdreg s4  }
0xaa: {  	[dreg:$0x4] =	wrdreg $0xC0  }
0xab: {  	_ =	task [dreg:s6], $0x5FFFF  }
0xac: {  	[dreg:$0x1] =	wrdreg $0xFFFFFFFF  }
0xad: {  	[dreg:$0x0] =	wrdreg $0x60  }
0xae: {  	[dreg:$0x2] =	wrdreg s24  }
0xaf: {  	[dreg:$0x3] =	wrdreg $0x9  }
0xb0: {  	_ =	task.clear_ibuf [dreg:s6], $0x4FFFF;
	_ =	strace $0x9000004C  }
0xb1: {  	s29 =	simm.s32 $0x9;
	_ =	strace $0x8000004E  }
0xb2: {  	_ =	swait.ge [sflag:s29], $0x1  }
0xb3: {  	[sflag:s29] =	ssyncadd.s32 $0xFFFFFFFF  }
0xb4: {  	_ =	strace $0x9000004E  }
0xb5: {  	_ =	sfence  }
0xb6: {  	s30 =	sld [smem:$0x0];
	_ =	sdelay $0x2  }
0xb7: {  	s31 =	sshll.u32 s1, $0xD;
	s1 =	sshrl.u32 s1, $0x2  }
0xb8: {  	s3 =	sand.u32 $0x4000, s31;
	s1 =	sadd.s32 s1, s30  }
0xb9: {  	s0 =	sor.u32 s3, s0;
	s1 =	sshll.u32 s1, $0x11  }
0xba: {  	s0 =	sor.u32 s1, s0  }
0xbb: {  	s0 =	sadd.s32 $0x8F2B, s0  }
0xbc: {  	[sflag:s0] =	ssyncadd.remote.s32 $0x1  }
0xbd: {  	_ =	sfence.sel $0xFFFF  }
0xbe: {  	[dreg:$0x0] =	wrdreg $0xFFFFFFFF;
	(pc) =	sbr.abs _section_cstart, $3  }
0xbf: {  	[dreg:$0x1] =	wrdreg $0xFFFFFFFF  }
0xc0: {  	_ =	task.clear_ibuf [dreg:s6], $0x2FFFF;
	_ =	strace $0x9FFFFFFF  }
0xc1: {  	(tm) =	ssettm $0x7FFFFFFF  }
tec
execute0_lowered:
.L_overlay_start_1:
0x0: {  	(tag) =	ssettag $0x1  }
0x1: {  	s4 =	rddreg [dreg:$0x0]  }
0x2: {  	s0 =	rddreg [dreg:$0x1];
	s1 =	simm.s32 $0x0;
	s5 =	srdreg.scid  }
0x3: {  	s2 =	stileid.u32;
	[smem:$0x7FF] =	sst s1  }
0x4: {  	s3 =	sadd.s32 $0x14A400, s4;
	s5 =	sand.u32 $0x1, s5;
	s6 =	sshll.u32 s2, $0x5  }
0x5: {  	s7 =	sshll.u32 s2, $0xC;
	_ =	strace $0x8000004D;
	s8 =	ssub.s32 $0x2, s5  }
0x6: {  	s6 =	sadd.s32 s6, s4;
	s7 =	sadd.s32 s7, s4;
	s9 =	sshll.u32 s5, $0xB  }
0x7: {  	s5 =	sshll.u32 s5, $0x4;
	s4 =	sshll.u32 s2, $0x1;
	s30 =	sshrl.u32 s8, $0x1  }
0x8: {  	s7 =	sadd.s32 s9, s7;
	s31 =	sadd.s32 s5, s6;
	s8 =	ssub.s32 s8, s30  }
0x9: {  	s6 =	sadd.s32 $0x282C00, s7;
	s7 =	sadd.s32 $0xCC00, s31;
	s5 =	smax.u32 s8, $0x1  }
.LBB2_1:
0xa: {  	s8 =	sadd.s32 $0x0, s4  }
0xb: {  	p0 =	sgt.u32 s8, $0x4E1  }
0xc: {  	s8 =	simm.s32 @!p0 $0x0;
	s9 =	simm.s32 @!p0 $0x3  }
0xd: {  	[tilespmem:s8], [sflag:$0x3] =	stream.linear.gather @!p0 [hbm4b:s7+s8], $0x80, $0x38;
	[tilespmem:$0x4080] =	vst v63  }
0xe: {  	_ =	swait.ge @!p0 [sflag:s9], $0x80  }
0xf: {  	[sflag:s9] =	ssyncset.done @!p0 $0x0;
	p0 =	por p0, p0  }
0x10: {  	[sflag:s9] =	ssyncadd.s32 @!p0 $0xFFFFFF80;
	s10 =	simm.s32 @!p0 $0x80;
	s11 =	simm.s32 @!p0 $0x1  }
0x11: {  	[tilespmem:s10], [sflag:$0x1] =	stream.indirect.gather @!p0 [hbm4b:s3+s10], $0x80, s8, s10, $0xb8;
	[tilespmem:$0x4080] =	vst v63  }
0x12: {  	_ =	swait.ge @!p0 [sflag:s11], $0x4000  }
0x13: {  	[sflag:s11] =	ssyncset.done @!p0 $0x0  }
0x14: {  	s31 =	sadd.s32 $0x20, s4;
	[sflag:s11] =	ssyncadd.s32 @!p0 $0xFFFFC000;
	s11 =	simm.s32 @!p0 $0x2  }
0x15: {  	[hbm4b:s6+s8] =	stream.linear.scatter @!p0 [tilespmem:s10], [sflag:$0x2], $0x4000, $0x38;
	[tilespmem:$0x4080] =	vst v63  }
0x16: {  	p1 =	sgt.u32 s31, $0x4E1;
	s9 =	simm.s32 $0x40;
	_ =	swait.ge @!p0 [sflag:s11], $0x4000  }
0x17: {  	s10 =	sadd.s32 $0x200, s7;
	s8 =	sadd.s32 $0x10000, s6;
	[sflag:s11] =	ssyncset.done @!p0 $0x0  }
.LBB2_2:
0x18: {  	s12 =	simm.s32 @!p1 $0x0;
	s13 =	simm.s32 @!p1 $0x3;
	[sflag:s11] =	ssyncadd.s32 @!p0 $0xFFFFC000  }
0x19: {  	[tilespmem:s12], [sflag:$0x3] =	stream.linear.gather @!p1 [hbm4b:s10+s12], $0x80, $0x38;
	[tilespmem:$0x4080] =	vst v63  }
0x1a: {  	s14 =	smov.u32 s9;
	s9 =	sadd.s32 $0x20, s9;
	_ =	swait.ge @!p1 [sflag:s13], $0x80  }
0x1b: {  	p0 =	por p1, p1;
	p2 =	sne.s32 s9, $0x500;
	[sflag:s13] =	ssyncset.done @!p1 $0x0  }
0x1c: {  	s11 =	simm.s32 @!p0 $0x1;
	[sflag:s13] =	ssyncadd.s32 @!p0 $0xFFFFFF80;
	s13 =	simm.s32 @!p0 $0x80  }
0x1d: {  	[tilespmem:s13], [sflag:$0x1] =	stream.indirect.gather @!p0 [hbm4b:s3+s13], $0x80, s12, s13, $0xb8;
	[tilespmem:$0x4080] =	vst v63  }
0x1e: {  	_ =	swait.ge @!p0 [sflag:s11], $0x4000  }
.Ltmp0:
0x1f: {  	[sflag:s11] =	ssyncset.done @!p0 $0x0;
	(pc) =	sbr.rel @p2 .LBB2_2-.Ltmp0, $4  }
0x20: {  	[sflag:s11] =	ssyncadd.s32 @!p0 $0xFFFFC000;
	s11 =	simm.s32 @!p0 $0x2  }
0x21: {  	[hbm4b:s8+s12] =	stream.linear.scatter @!p0 [tilespmem:s13], [sflag:$0x2], $0x4000, $0x38;
	[tilespmem:$0x4080] =	vst v63  }
0x22: {  	s10 =	sadd.s32 $0x200, s10;
	s12 =	sadd.s32 s14, s4;
	_ =	swait.ge @!p0 [sflag:s11], $0x4000  }
0x23: {  	s8 =	sadd.s32 $0x10000, s8;
	p1 =	sgt.u32 s12, $0x4E1;
	[sflag:s11] =	ssyncset.done @!p0 $0x0  }
0x24: {  	s9 =	simm.s32 @!p1 $0x0;
	s12 =	simm.s32 @!p1 $0x3;
	[sflag:s11] =	ssyncadd.s32 @!p0 $0xFFFFC000  }
0x25: {  	[tilespmem:s9], [sflag:$0x3] =	stream.linear.gather @!p1 [hbm4b:s10+s9], $0x80, $0x38;
	[tilespmem:$0x4080] =	vst v63  }
0x26: {  	_ =	swait.ge @!p1 [sflag:s12], $0x80  }
0x27: {  	p0 =	por p1, p1;
	[sflag:s12] =	ssyncset.done @!p1 $0x0  }
0x28: {  	s10 =	simm.s32 @!p0 $0x80;
	s11 =	simm.s32 @!p0 $0x1;
	[sflag:s12] =	ssyncadd.s32 @!p0 $0xFFFFFF80  }
0x29: {  	[tilespmem:s10], [sflag:$0x1] =	stream.indirect.gather @!p0 [hbm4b:s3+s10], $0x80, s9, s10, $0xb8;
	[tilespmem:$0x4080] =	vst v63  }
0x2a: {  	s1 =	sadd.s32 $0x1, s1;
	_ =	swait.ge @!p0 [sflag:s11], $0x4000  }
0x2b: {  	p1 =	sne.s32 s1, s5;
	[sflag:s11] =	ssyncset.done @!p0 $0x0  }
.Ltmp1:
0x2c: {  	[sflag:s11] =	ssyncadd.s32 @!p0 $0xFFFFC000;
	s11 =	simm.s32 @!p0 $0x2;
	(pc) =	sbr.rel @p1 .LBB2_1-.Ltmp1, $4  }
0x2d: {  	[hbm4b:s8+s9] =	stream.linear.scatter @!p0 [tilespmem:s10], [sflag:$0x2], $0x4000, $0x38;
	[tilespmem:$0x4080] =	vst v63  }
0x2e: {  	_ =	swait.ge @!p0 [sflag:s11], $0x4000  }
0x2f: {  	[sflag:s11] =	ssyncset.done @!p0 $0x0  }
0x30: {  	[sflag:s11] =	ssyncadd.s32 @!p0 $0xFFFFC000  }
0x31: {  	_ =	sfence.sel $0x180000  }
0x32: {  	[bflag:$0x0] =	sbarrier.arrive $0xFFFF  }
0x33: {  	p0 =	sne.s32 s2, $0x0;
	_ =	strace $0x9000004D  }
0x34: {  	s0 =	sadd.s32 @!p0 $0x100000, s0;
	[bflag:$0x2] =	sbarrier.arrive $0xFFFF  }
0x35: {  	[sflag:s0] =	ssyncadd.tile.s32 @!p0 $0x1;
	_ =	shalt  }
.Lfunc_end2:
_tile_overlayer_lowered:
.L_overlay_start_2:
0x36: {  	(tag) =	ssettag $0x2  }
0x37: {  	s0 =	rddreg [dreg:$0x0];
	s2 =	stileid.u32  }
0x38: {  	s1 =	rddreg [dreg:$0x1];
	p0 =	sne.s32 s2, $0x0  }
0x39: {  	s3 =	rddreg [dreg:$0x2];
	[bflag:$0x3] =	sbarrier.arrive $0xFFFF;
	s2 =	simm.s32 @!p0 $0x1C02  }
0x3a: {  	[timem:s3], [sflag:s2] =	dma.local @!p0 [hbm:s0], s1  }
0x3b: {  	s0 =	simm.s32 @!p0 $0x2  }
0x3c: {  	_ =	swait.ge @!p0 [sflag:s0], s1  }
0x3d: {  	s1 =	ssub.s32 @!p0 $0x0, s1;
	[sflag:s0] =	ssyncset.done @!p0 $0x0  }
0x3e: {  	[sflag:s0] =	ssyncadd.s32 @!p0 s1  }
0x3f: {  	[bflag:$0x3] =	sbarrier.arrive $0xFFFF  }
0x40: {  	_ =	shalt  }

// kernel: kernel.22.cloned.1.call-start
scs
__scs_entry_jumppad:
0x0: {  	(pc) =	sbr.rel $0x88, $3  }
0x1: {  	(tag) =	ssettag $0x0;
	lr =	simm.s32 $0x1  }
0x2: {  	[smem:$0x3F96] =	sst lr;
	_ =	strace $0xD0000000  }
0x3: {  	_ = 	snop  }
0x4: {  	_ = 	snop  }
0x5: {  	_ = 	snop  }
0x6: {  	_ = 	snop  }
0x7: {  	_ = 	snop  }
__scs_overlays_trampoline_lowered:
0x8: {  	[smem:$0x3FA5] =	sst s0  }
0x9: {  	[smem:$0x3FA6] =	sst s1  }
0xa: {  	[smem:$0x3FA7] =	sst s2  }
0xb: {  	[smem:$0x3FA8] =	sst s3  }
0xc: {  	[smem:$0x3FA9] =	sst s4  }
0xd: {  	[smem:$0x3FAA] =	sst s5  }
0xe: {  	[smem:$0x3FAB] =	sst s6  }
0xf: {  	[smem:$0x3FAC] =	sst s7  }
0x10: {  	[smem:$0x3FAD] =	sst s8  }
0x11: {  	[smem:$0x3FAE] =	sst s9;
	s0 =	simm.s32 @!p0 $0x0  }
0x12: {  	s1 =	sld [smem:$0x3F94];
	s0 =	simm.s32 @p0 $0x1  }
0x13: {  	[smem:$0x3FAF] =	sst s0;
	s0 =	simm.s32 @!p1 $0x0  }
0x14: {  	s2 =	sld [smem:$0x3F93];
	s0 =	simm.s32 @p1 $0x1  }
0x15: {  	[smem:$0x3FB0] =	sst s0;
	s0 =	simm.s32 @!p2 $0x0  }
0x16: {  	s3 =	sld [smem:$0x3FDB];
	s0 =	simm.s32 @p2 $0x1  }
0x17: {  	s4 =	simm.s32 $0x1BF5;
	[smem:$0x3FB2] =	sst s0  }
0x18: {  	s0 =	sld [smem:$0x3F95];
	_ =	swait.ge [sflag:s4], $0x0  }
0x19: {  	s7 =	sld [smem:$0x3F96]  }
0x1a: {  	s8 =	sadd.s32 $0xFFFFE003, lr  }
0x1b: {  	s9 =	sadd.s32 $0xFFFFFEF7, lr;
	s5 =	simm.s32 $0xFFFFFFFF;
	p2 =	slt.u32 s8, $0xFFFFF086  }
0x1c: {  	p1 =	slt.u32 s9, $0xF7A;
	s5 =	simm.s32 @!p2 $0x0  }
0x1d: {  	s5 =	simm.s32 @p1 $0x1;
	p0 =	seq.s32 s7, s2  }
0x1e: {  	s7 =	smul.u32 @!p0 $0xF7A, s2;
	p2 =	seq.s32 @!p0 s5, $0x0  }
0x1f: {  	s9 =	smul.u32 $0xF7A, s1;
	s8 =	simm.s32 @!p0 $0x1BF5;
	p2 =	por !p2, p0  }
0x20: {  	[sflag:s8] =	ssyncset.s32 @!p0 $0xFFFFF086;
	s6 =	sadd.s32 @!p0 s3, s7;
	s7 =	simm.s32 @!p0 $0x108  }
0x21: {  	s3 =	sadd.s32 s3, s9;
	s6 =	sadd.s32 @!p0 $0x88, s6;
	s7 =	simm.s32 @p2 $0x1082  }
0x22: {  	[simem:s7], [sflag:s8] =	dma.local @!p0 [hbm:s6], $0xF7A  }
0x23: {  	s9 =	sor.u32 $0xD0000000, s2;
	s6 =	simm.s32 $0x108;
	_ =	swait.ge @!p0 [sflag:s8], $0x0  }
0x24: {  	s3 =	sadd.s32 $0x88, s3;
	s6 =	simm.s32 @!p1 $0x1082;
	[sflag:s4] =	ssyncset.s32 $0xFFFFF086  }
0x25: {  	[simem:s6], [sflag:s4] =	dma.local [hbm:s3], $0xF7A  }
0x26: {  	[smem:$0x3F96] =	sst s1;
	(tag) =	ssettag s2;
	_ =	strace s9  }
0x27: {  	s1 =	sld [smem:$0x3FA6]  }
0x28: {  	s2 =	sld [smem:$0x3FA7]  }
0x29: {  	s4 =	sld [smem:$0x3FA9]  }
0x2a: {  	p0 =	seq.s32 s5, $0x0;
	s5 =	sld [smem:$0x3FAA]  }
0x2b: {  	s6 =	sld [smem:$0x3FAB]  }
0x2c: {  	s7 =	sld [smem:$0x3FAC]  }
0x2d: {  	s3 =	simm.s32 $0x108;
	s8 =	sld [smem:$0x3FAD]  }
0x2e: {  	s3 =	simm.s32 @!p0 $0x1082;
	s9 =	sld [smem:$0x3FAE]  }
0x2f: {  	lr =	sadd.s32 s0, s3;
	s0 =	sld [smem:$0x3FA5]  }
0x30: {  	s3 =	sld [smem:$0x3FA8]  }
0x31: {  	[smem:$0x3FB1] =	sst s10  }
0x32: {  	s10 =	sld [smem:$0x3FAF];
	_ =	sdelay $0x3  }
0x33: {  	p0 =	seq.s32 s10, $0x1;
	s10 =	sld [smem:$0x3FB1];
	_ =	sdelay $0x3  }
0x34: {  	[smem:$0x3FB1] =	sst s10  }
0x35: {  	s10 =	sld [smem:$0x3FB0];
	_ =	sdelay $0x3  }
0x36: {  	p1 =	seq.s32 s10, $0x1;
	s10 =	sld [smem:$0x3FB1];
	_ =	sdelay $0x3  }
0x37: {  	[smem:$0x3FB1] =	sst s10  }
0x38: {  	s10 =	sld [smem:$0x3FB2]  }
0x39: {  	_ = 	snop;
	(pc) =	sbr.ind lr, $3  }
0x3a: {  	_ = 	snop  }
0x3b: {  	_ = 	snop  }
0x3c: {  	p2 =	seq.s32 s10, $0x1;
	s10 =	sld [smem:$0x3FB1]  }
0x3d: {  	_ =	shalt  }
0x3e: {  	_ =	shalt  }
0x3f: {  	_ =	shalt  }
0x40: {  	_ =	shalt  }
0x41: {  	_ =	shalt  }
0x42: {  	_ =	shalt  }
0x43: {  	_ =	shalt  }
0x44: {  	_ =	shalt  }
0x45: {  	_ =	shalt  }
0x46: {  	_ =	shalt  }
0x47: {  	_ =	shalt  }
0x48: {  	_ =	shalt  }
0x49: {  	_ =	shalt  }
0x4a: {  	_ =	shalt  }
0x4b: {  	_ =	shalt  }
0x4c: {  	_ =	shalt  }
0x4d: {  	_ =	shalt  }
0x4e: {  	_ =	shalt  }
0x4f: {  	_ =	shalt  }
0x50: {  	_ =	shalt  }
0x51: {  	_ =	shalt  }
0x52: {  	_ =	shalt  }
0x53: {  	_ =	shalt  }
0x54: {  	_ =	shalt  }
0x55: {  	_ =	shalt  }
0x56: {  	_ =	shalt  }
0x57: {  	_ =	shalt  }
0x58: {  	_ =	shalt  }
0x59: {  	_ =	shalt  }
0x5a: {  	_ =	shalt  }
0x5b: {  	_ =	shalt  }
0x5c: {  	_ =	shalt  }
0x5d: {  	_ =	shalt  }
0x5e: {  	_ =	shalt  }
0x5f: {  	_ =	shalt  }
0x60: {  	_ =	shalt  }
0x61: {  	_ =	shalt  }
0x62: {  	_ =	shalt  }
0x63: {  	_ =	shalt  }
0x64: {  	_ =	shalt  }
0x65: {  	_ =	shalt  }
0x66: {  	_ =	shalt  }
0x67: {  	_ =	shalt  }
0x68: {  	_ =	shalt  }
0x69: {  	_ =	shalt  }
0x6a: {  	_ =	shalt  }
0x6b: {  	_ =	shalt  }
0x6c: {  	_ =	shalt  }
0x6d: {  	_ =	shalt  }
0x6e: {  	_ =	shalt  }
0x6f: {  	_ =	shalt  }
0x70: {  	_ =	shalt  }
0x71: {  	_ =	shalt  }
0x72: {  	_ =	shalt  }
0x73: {  	_ =	shalt  }
0x74: {  	_ =	shalt  }
0x75: {  	_ =	shalt  }
0x76: {  	_ =	shalt  }
0x77: {  	_ =	shalt  }
0x78: {  	_ =	shalt  }
0x79: {  	_ =	shalt  }
0x7a: {  	_ =	shalt  }
0x7b: {  	_ =	shalt  }
0x7c: {  	_ =	shalt  }
0x7d: {  	_ =	shalt  }
0x7e: {  	_ =	shalt  }
0x7f: {  	_ =	shalt  }
0x80: {  	_ =	shalt  }
0x81: {  	_ =	shalt  }
0x82: {  	_ =	shalt  }
0x83: {  	_ =	shalt  }
0x84: {  	_ =	shalt  }
0x85: {  	_ =	shalt  }
0x86: {  	_ =	shalt  }
0x87: {  	_ =	shalt  }
.Lfunc_end0:
.L_simem_size_0:
called_computation.3_lowered:
.L_overlay_start_0:
0x88: {  	s2 =	sld [smem:$0x3FD9]  }
0x89: {  	s3 =	sld [smem:$0x3FFE];
	_ =	sdelay $0x1  }
0x8a: {  	s1 =	srdreg.scid  }
0x8b: {  	s0 =	sand.u32 $0x1, s1  }
0x8c: {  	s16 =	sshll.u32 s0, $0xA;
	s2 =	sadd.s32 s3, s2  }
0x8d: {  	s2 =	sadd.s32 s2, s16  }
0x8e: {  	[smem:$0x3FBD] =	sst s2  }
0x8f: {  	_ = 	snop  }
0x90: {  	(tm) =	ssettm $0x1  }
0x91: {  	s17 =	sld [smem:$0x3FFB];
	_ =	sdelay $0x3  }
0x92: {  	_ =	strace s17  }
0x93: {  	s2 =	sld [smem:$0x3FFC];
	_ =	sdelay $0x3  }
0x94: {  	_ =	strace s2  }
0x95: {  	s2 =	sld [smem:$0x3FFD];
	_ =	sdelay $0x3  }
0x96: {  	_ =	strace s2  }
0x97: {  	_ =	strace $0x8FFFFFFF  }
0x98: {  	s18 =	sld [smem:$0x3FDB];
	_ =	sdelay $0x1  }
0x99: {  	s19 =	simm.s32 $_scs_section_size  }
0x9a: {  	s4 =	simm.s32 $_size__tile_overlayer_lowered;
	s5 =	simm.s32 $_tile_overlayer_lowered  }
0x9b: {  	s22 =	simm.s32 $0x1BFF;
	s21 =	sshll.u32 s5, $0x1;
	s2 =	sadd.s32 s19, s18  }
0x9c: {  	s6 =	simm.s32 $0x0;
	s20 =	sshll.u32 s4, $0x1;
	s4 =	sadd.s32 s21, s2  }
0x9d: {  	[timem:s6], [sflag:s22] =	dma.local [hbm:s4], s20  }
0x9e: {  	_ =	swait.ge [sflag:s22], s20  }
0x9f: {  	s3 =	ssub.s32 $0x0, s20;
	[sflag:s22] =	ssyncset.done $0x0  }
0xa0: {  	[sflag:s22] =	ssyncadd.s32 s3;
	_ =	sdelay $0x1  }
0xa1: {  	s23 =	simm.s32 $0x1B8B  }
0xa2: {  	_ =	swait.ge [sflag:s23], $0x1  }
0xa3: {  	[sflag:s23] =	ssyncset.done $0x0  }
0xa4: {  	s25 =	simm.s32 $0x1B8E;
	s24 =	sld [smem:$0x3FFE];
	[sflag:s23] =	ssyncadd.s32 $0xFFFFFFFF  }
0xa5: {  	s26 =	simm.s32 $execute0_lowered;
	[smem:$0x3FD2] =	sst s25  }
0xa6: {  	s4 =	sshll.u32 s26, $0x1;
	_ =	strace $0x8000004F;
	[dreg:$0x1] =	wrdreg $0xFFFFFFFF  }
0xa7: {  	s28 =	simm.s32 $_size_execute0_lowered;
	s2 =	sadd.s32 s2, s4;
	[dreg:$0x0] =	wrdreg $0x0  }
0xa8: {  	s4 =	sshll.u32 s28, $0x1;
	[dreg:$0x2] =	wrdreg s2  }
0xa9: {  	[dreg:$0x3] =	wrdreg s4  }
0xaa: {  	[dreg:$0x4] =	wrdreg $0xC0  }
0xab: {  	_ =	task [dreg:s6], $0x5FFFF  }
0xac: {  	[dreg:$0x1] =	wrdreg $0xFFFFFFFF  }
0xad: {  	[dreg:$0x0] =	wrdreg $0x60  }
0xae: {  	[dreg:$0x2] =	wrdreg s24  }
0xaf: {  	[dreg:$0x3] =	wrdreg $0x54800  }
0xb0: {  	[dreg:$0x4] =	wrdreg $0x9  }
0xb1: {  	_ =	task.clear_ibuf [dreg:s6], $0x5FFFF;
	_ =	strace $0x9000004F  }
0xb2: {  	s29 =	simm.s32 $0x9;
	_ =	strace $0x80000051  }
0xb3: {  	_ =	swait.ge [sflag:s29], $0x1  }
0xb4: {  	[sflag:s29] =	ssyncadd.s32 $0xFFFFFFFF  }
0xb5: {  	_ =	strace $0x90000051  }
0xb6: {  	_ =	sfence  }
0xb7: {  	s30 =	sld [smem:$0x0];
	_ =	sdelay $0x2  }
0xb8: {  	s31 =	sshll.u32 s1, $0xD;
	s1 =	sshrl.u32 s1, $0x2  }
0xb9: {  	s3 =	sand.u32 $0x4000, s31;
	s1 =	sadd.s32 s1, s30  }
0xba: {  	s0 =	sor.u32 s3, s0;
	s1 =	sshll.u32 s1, $0x11  }
0xbb: {  	s0 =	sor.u32 s1, s0  }
0xbc: {  	s0 =	sadd.s32 $0x8F2B, s0  }
0xbd: {  	[sflag:s0] =	ssyncadd.remote.s32 $0x1  }
0xbe: {  	_ =	sfence.sel $0xFFFF  }
0xbf: {  	[dreg:$0x0] =	wrdreg $0xFFFFFFFF;
	(pc) =	sbr.abs _section_cstart, $3  }
0xc0: {  	[dreg:$0x1] =	wrdreg $0xFFFFFFFF  }
0xc1: {  	_ =	task.clear_ibuf [dreg:s6], $0x2FFFF;
	_ =	strace $0x9FFFFFFF  }
0xc2: {  	(tm) =	ssettm $0x7FFFFFFF  }
0xc3: {  	_ =	shalt  }
tec
execute0_lowered:
.L_overlay_start_1:
0x0: {  	(tag) =	ssettag $0x1  }
0x1: {  	s4 =	rddreg [dreg:$0x0]  }
0x2: {  	s1 =	rddreg [dreg:$0x1]  }
0x3: {  	s0 =	rddreg [dreg:$0x2];
	s3 =	simm.s32 $0x0;
	s2 =	stileid.u32  }
0x4: {  	s5 =	srdreg.scid;
	[smem:$0x7FF] =	sst s3;
	s6 =	sshll.u32 s2, $0xC  }
0x5: {  	s7 =	sshll.u32 s2, $0x5;
	s8 =	sand.u32 $0x1, s5;
	s25 =	smul.u32 $0x5000, s2  }
0x6: {  	s11 =	sadd.s32 $0x278A00, s4;
	s12 =	smul.u32 $0x1400, s2;
	s13 =	sshll.u32 s2, $0x1  }
0x7: {  	_ =	strace $0x80000050;
	s9 =	sadd.s32 s6, s4;
	s22 =	sadd.s32 s7, s4  }
0x8: {  	s23 =	ssub.s32 $0x2, s8;
	s10 =	smul.u32 $0x138800, s8;
	s26 =	sshll.u32 s8, $0x4  }
0x9: {  	s28 =	sshll.u32 s8, $0xB;
	s24 =	sshrl.u32 s23, $0x1;
	s7 =	sshrl.u32 s25, $0x2  }
0xa: {  	s6 =	sadd.s32 s26, s22;
	s29 =	sadd.s32 s28, s9;
	s4 =	ssub.s32 s23, s24  }
0xb: {  	s5 =	sadd.s32 s7, s1;
	s6 =	sadd.s32 $0x2A00, s6;
	s10 =	sadd.s32 s12, s10  }
0xc: {  	s7 =	sor.u32 s8, s13;
	s8 =	sadd.s32 $0x7A00, s29;
	s30 =	sadd.s32 $0x271000, s10  }
0xd: {  	s4 =	smax.u32 s4, $0x1;
	s10 =	sshrl.u32 s10, $0x3;
	s31 =	sshrl.u32 s30, $0x3  }
0xe: {  	v0 =	vimm.f32 $0.0e+00;
	s9 =	sadd.s32 s10, s11;
	s10 =	sadd.s32 $0x4F3C00, s29;
	s11 =	sadd.s32 s31, s11  }
.LBB2_1:
0xf: {  	s12 =	simm.s32 $0x0;
	s13 =	simm.s32 $0x0  }
.LBB2_2:
0x10: {  	p0 =	sne.s32 s13, $0x4FC0  }
.Ltmp0:
0x11: {  	_ = 	snop;
	(pc) =	sbr.rel @p0 .LBB2_2-.Ltmp0, $4  }
0x12: {  	s14 =	sand.u32 $0x7E00, s13  }
0x13: {  	s15 =	sand.u32 $0x70, s12;
	s14 =	sshrl.u32 s14, $0x2  }
0x14: {  	s14 =	sor.u32 s15, s14  }
0x15: {  	s12 =	sadd.s32 $0x10, s12;
	s13 =	sadd.s32 $0x40, s13;
	[tilespmem:s14+$0x4080] =	vst v0  }
0x16: {  	s12 =	sadd.s32 $0x0, s2  }
0x17: {  	p0 =	sgt.u32 s12, $0xF9  }
0x18: {  	s12 =	simm.s32 @!p0 $0x4080;
	s15 =	simm.s32 @!p0 $0x1  }
0x19: {  	[spmem:s5] =	stream.linear.scatter @!p0 [tilespmem:s12], [sflag:$0x1], $0x1400, $0x38;
	[tilespmem:$0x18D00] =	vst v63  }
0x1a: {  	s13 =	simm.s32 $0x10;
	_ =	swait.ge @!p0 [sflag:s15], $0x1400  }
0x1b: {  	s14 =	simm.s32 $0x20;
	s12 =	sadd.s32 $0x14000, s5;
	[sflag:s15] =	ssyncset.done @!p0 $0x0  }
.LBB2_4:
0x1c: {  	s16 =	sadd.s32 s13, s2;
	s13 =	smov.u32 s14;
	s14 =	sadd.s32 $0x10, s14  }
0x1d: {  	[sflag:s15] =	ssyncadd.s32 @!p0 $0xFFFFEC00;
	p1 =	sne.s32 s14, $0x100  }
.Ltmp1:
0x1e: {  	p0 =	sgt.u32 s16, $0xF9;
	(pc) =	sbr.rel @p1 .LBB2_4-.Ltmp1, $4  }
0x1f: {  	s16 =	simm.s32 @!p0 $0x4080;
	s15 =	simm.s32 @!p0 $0x1  }
0x20: {  	[spmem:s12] =	stream.linear.scatter @!p0 [tilespmem:s16], [sflag:$0x1], $0x1400, $0x38;
	[tilespmem:$0x18D00] =	vst v63  }
0x21: {  	_ =	swait.ge @!p0 [sflag:s15], $0x1400  }
0x22: {  	s12 =	sadd.s32 $0x14000, s12;
	[sflag:s15] =	ssyncset.done @!p0 $0x0  }
0x23: {  	s13 =	sadd.s32 s13, s2  }
0x24: {  	p1 =	sgt.u32 s13, $0xF9  }
0x25: {  	[sflag:s15] =	ssyncadd.s32 @!p0 $0xFFFFEC00;
	s13 =	simm.s32 @!p1 $0x4080;
	s14 =	simm.s32 @!p1 $0x1  }
0x26: {  	[spmem:s12] =	stream.linear.scatter @!p1 [tilespmem:s13], [sflag:$0x1], $0x1400, $0x38;
	[tilespmem:$0x18D00] =	vst v63  }
0x27: {  	_ =	swait.ge @!p1 [sflag:s14], $0x1400  }
0x28: {  	s30 =	sadd.s32 $0x0, s7;
	[sflag:s14] =	ssyncset.done @!p1 $0x0  }
0x29: {  	p0 =	sgt.u32 s30, $0x4E1;
	[sflag:s14] =	ssyncadd.s32 @!p1 $0xFFFFEC00  }
0x2a: {  	s12 =	simm.s32 @!p0 $0x0;
	s14 =	simm.s32 @!p0 $0x2;
	[bflag:$0x0] =	sbarrier.arrive $0xFFFF  }
0x2b: {  	[tilespmem:s12], [sflag:$0x2] =	stream.linear.gather @!p0 [hbm4b:s6+s12], $0x80, $0x38;
	[tilespmem:$0x18D00] =	vst v63  }
0x2c: {  	_ =	swait.ge @!p0 [sflag:s14], $0x80  }
0x2d: {  	[sflag:s14] =	ssyncset.done @!p0 $0x0;
	p0 =	por p0, p0  }
0x2e: {  	[sflag:s14] =	ssyncadd.s32 @!p0 $0xFFFFFF80;
	s16 =	simm.s32 @!p0 $0x80  }
0x2f: {  	[tilespmem:s16], [sflag:$0x2] =	stream.linear.gather @!p0 [hbm4b:s8+s12], $0x4000, $0x38;
	[tilespmem:$0x18D00] =	vst v63  }
0x30: {  	_ =	swait.ge @!p0 [sflag:s14], $0x4000  }
0x31: {  	[sflag:s14] =	ssyncset.done @!p0 $0x0  }
0x32: {  	s31 =	sadd.s32 $0x20, s7;
	s15 =	simm.s32 @!p0 $0x1;
	[sflag:s14] =	ssyncadd.s32 @!p0 $0xFFFFC000  }
0x33: {  	[spmem:s1] =	stream.indirect.scatter.add.f32 @!p0 [tilespmem:s16], [sflag:$0x1], $0x80, s12, s16, $0xb8;
	[tilespmem:$0x18D00] =	vst v63  }
0x34: {  	s13 =	simm.s32 $0x40;
	p1 =	sgt.u32 s31, $0x4E1;
	_ =	swait.ge @!p0 [sflag:s15], $0x4000  }
0x35: {  	s14 =	sadd.s32 $0x200, s6;
	s12 =	sadd.s32 $0x10000, s8;
	[sflag:s15] =	ssyncset.done @!p0 $0x0  }
.LBB2_6:
0x36: {  	s16 =	simm.s32 @!p1 $0x0;
	s17 =	simm.s32 @!p1 $0x2;
	[sflag:s15] =	ssyncadd.s32 @!p0 $0xFFFFC000  }
0x37: {  	[tilespmem:s16], [sflag:$0x2] =	stream.linear.gather @!p1 [hbm4b:s14+s16], $0x80, $0x38;
	[tilespmem:$0x18D00] =	vst v63  }
0x38: {  	s18 =	smov.u32 s13;
	s13 =	sadd.s32 $0x20, s13;
	_ =	swait.ge @!p1 [sflag:s17], $0x80  }
0x39: {  	p0 =	por p1, p1;
	p2 =	sne.s32 s13, $0x500;
	[sflag:s17] =	ssyncset.done @!p1 $0x0  }
0x3a: {  	s19 =	simm.s32 @!p0 $0x80;
	[sflag:s17] =	ssyncadd.s32 @!p0 $0xFFFFFF80  }
0x3b: {  	[tilespmem:s19], [sflag:$0x2] =	stream.linear.gather @!p0 [hbm4b:s12+s16], $0x4000, $0x38;
	[tilespmem:$0x18D00] =	vst v63  }
0x3c: {  	_ =	swait.ge @!p0 [sflag:s17], $0x4000  }
.Ltmp2:
0x3d: {  	[sflag:s17] =	ssyncset.done @!p0 $0x0;
	(pc) =	sbr.rel @p2 .LBB2_6-.Ltmp2, $4  }
0x3e: {  	s15 =	simm.s32 @!p0 $0x1;
	[sflag:s17] =	ssyncadd.s32 @!p0 $0xFFFFC000  }
0x3f: {  	[spmem:s1] =	stream.indirect.scatter.add.f32 @!p0 [tilespmem:s19], [sflag:$0x1], $0x80, s16, s19, $0xb8;
	[tilespmem:$0x18D00] =	vst v63  }
0x40: {  	s12 =	sadd.s32 $0x10000, s12;
	s16 =	sadd.s32 s18, s7;
	_ =	swait.ge @!p0 [sflag:s15], $0x4000  }
0x41: {  	s14 =	sadd.s32 $0x200, s14;
	p1 =	sgt.u32 s16, $0x4E1;
	[sflag:s15] =	ssyncset.done @!p0 $0x0  }
0x42: {  	s13 =	simm.s32 @!p1 $0x0;
	s16 =	simm.s32 @!p1 $0x2;
	[sflag:s15] =	ssyncadd.s32 @!p0 $0xFFFFC000  }
0x43: {  	[tilespmem:s13], [sflag:$0x2] =	stream.linear.gather @!p1 [hbm4b:s14+s13], $0x80, $0x38;
	[tilespmem:$0x18D00] =	vst v63  }
0x44: {  	_ =	swait.ge @!p1 [sflag:s16], $0x80  }
0x45: {  	p0 =	por p1, p1;
	[sflag:s16] =	ssyncset.done @!p1 $0x0  }
0x46: {  	s14 =	simm.s32 @!p0 $0x80;
	[sflag:s16] =	ssyncadd.s32 @!p0 $0xFFFFFF80  }
0x47: {  	[tilespmem:s14], [sflag:$0x2] =	stream.linear.gather @!p0 [hbm4b:s12+s13], $0x4000, $0x38;
	[tilespmem:$0x18D00] =	vst v63  }
0x48: {  	_ =	swait.ge @!p0 [sflag:s16], $0x4000  }
0x49: {  	[sflag:s16] =	ssyncset.done @!p0 $0x0  }
0x4a: {  	s12 =	simm.s32 @!p0 $0x1;
	[sflag:s16] =	ssyncadd.s32 @!p0 $0xFFFFC000  }
0x4b: {  	[spmem:s1] =	stream.indirect.scatter.add.f32 @!p0 [tilespmem:s14], [sflag:$0x1], $0x80, s13, s14, $0xb8;
	[tilespmem:$0x18D00] =	vst v63  }
0x4c: {  	_ =	swait.ge @!p0 [sflag:s12], $0x4000  }
0x4d: {  	[sflag:s12] =	ssyncset.done @!p0 $0x0  }
0x4e: {  	s30 =	sadd.s32 $0x0, s2;
	[sflag:s12] =	ssyncadd.s32 @!p0 $0xFFFFC000  }
0x4f: {  	p0 =	sgt.u32 s30, $0xF9;
	[bflag:$0x0] =	sbarrier.arrive $0xFFFF  }
0x50: {  	s12 =	simm.s32 @!p0 $0x4080;
	s14 =	simm.s32 @!p0 $0x2;
	p0 =	por p0, p0  }
0x51: {  	[tilespmem:s12], [sflag:$0x2] =	stream.linear.gather @!p0 [spmem:s5], $0x1400, $0x38;
	[tilespmem:$0x18D00] =	vst v63  }
0x52: {  	_ =	swait.ge @!p0 [sflag:s14], $0x1400  }
0x53: {  	s31 =	sadd.s32 $0x10, s2;
	[sflag:s14] =	ssyncset.done @!p0 $0x0  }
0x54: {  	s15 =	simm.s32 @!p0 $0x1;
	[sflag:s14] =	ssyncadd.s32 @!p0 $0xFFFFEC00;
	s14 =	simm.s32 @!p0 $0x0  }
0x55: {  	[hbm4b:s9+s14] =	stream.linear.scatter @!p0 [tilespmem:s12], [sflag:$0x1], $0x1400, $0x38;
	[tilespmem:$0x18D00] =	vst v63  }
0x56: {  	p1 =	sgt.u32 s31, $0xF9;
	s13 =	simm.s32 $0x20;
	_ =	swait.ge @!p0 [sflag:s15], $0x1400  }
0x57: {  	s12 =	sadd.s32 $0x2800, s9;
	s14 =	sadd.s32 $0x14000, s5;
	[sflag:s15] =	ssyncset.done @!p0 $0x0  }
.LBB2_8:
0x58: {  	s16 =	simm.s32 @!p1 $0x4080;
	s17 =	simm.s32 @!p1 $0x2;
	[sflag:s15] =	ssyncadd.s32 @!p0 $0xFFFFEC00  }
0x59: {  	s18 =	smov.u32 s13;
	p0 =	por p1, p1;
	s13 =	sadd.s32 $0x10, s13  }
0x5a: {  	[tilespmem:s16], [sflag:$0x2] =	stream.linear.gather @!p0 [spmem:s14], $0x1400, $0x38;
	[tilespmem:$0x18D00] =	vst v63  }
0x5b: {  	p2 =	sne.s32 s13, $0x100;
	_ =	swait.ge @!p0 [sflag:s17], $0x1400  }
.Ltmp3:
0x5c: {  	[sflag:s17] =	ssyncset.done @!p0 $0x0;
	(pc) =	sbr.rel @p2 .LBB2_8-.Ltmp3, $4  }
0x5d: {  	s15 =	simm.s32 @!p0 $0x1;
	[sflag:s17] =	ssyncadd.s32 @!p0 $0xFFFFEC00;
	s17 =	simm.s32 @!p0 $0x0  }
0x5e: {  	[hbm4b:s12+s17] =	stream.linear.scatter @!p0 [tilespmem:s16], [sflag:$0x1], $0x1400, $0x38;
	[tilespmem:$0x18D00] =	vst v63  }
0x5f: {  	s16 =	sadd.s32 s18, s2;
	s12 =	sadd.s32 $0x2800, s12;
	_ =	swait.ge @!p0 [sflag:s15], $0x1400  }
0x60: {  	s14 =	sadd.s32 $0x14000, s14;
	p1 =	sgt.u32 s16, $0xF9;
	[sflag:s15] =	ssyncset.done @!p0 $0x0  }
0x61: {  	s13 =	simm.s32 @!p1 $0x4080  }
0x62: {  	s16 =	simm.s32 @!p1 $0x2;
	[sflag:s15] =	ssyncadd.s32 @!p0 $0xFFFFEC00;
	p0 =	por p1, p1  }
0x63: {  	[tilespmem:s13], [sflag:$0x2] =	stream.linear.gather @!p0 [spmem:s14], $0x1400, $0x38;
	[tilespmem:$0x18D00] =	vst v63  }
0x64: {  	_ =	swait.ge @!p0 [sflag:s16], $0x1400  }
0x65: {  	[sflag:s16] =	ssyncset.done @!p0 $0x0  }
0x66: {  	s14 =	simm.s32 @!p0 $0x0;
	s15 =	simm.s32 @!p0 $0x1;
	[sflag:s16] =	ssyncadd.s32 @!p0 $0xFFFFEC00  }
0x67: {  	[hbm4b:s12+s14] =	stream.linear.scatter @!p0 [tilespmem:s13], [sflag:$0x1], $0x1400, $0x38;
	[tilespmem:$0x18D00] =	vst v63  }
0x68: {  	s12 =	simm.s32 $0x0;
	_ =	swait.ge @!p0 [sflag:s15], $0x1400  }
0x69: {  	s29 =	sand.u32 $0x7E00, s12;
	[sflag:s15] =	ssyncset.done @!p0 $0x0  }
0x6a: {  	s30 =	sand.u32 $0x70, s12;
	s31 =	sshrl.u32 s29, $0x2;
	[sflag:s15] =	ssyncadd.s32 @!p0 $0xFFFFEC00  }
0x6b: {  	s13 =	simm.s32 $0x40;
	s14 =	sor.u32 s30, s31;
	[bflag:$0x0] =	sbarrier.arrive $0xFFFF  }
.LBB2_10:
0x6c: {  	p0 =	sne.s32 s13, $0x4FC0  }
0x6d: {  	[tilespmem:s14+$0x4080] =	vst v0;
	s12 =	sadd.s32 $0x10, s12;
	s14 =	smov.u32 s13;
	s13 =	sadd.s32 $0x40, s13  }
.Ltmp4:
0x6e: {  	(pc) =	sbr.rel @p0 .LBB2_10-.Ltmp4, $4  }
0x6f: {  	_ = 	snop  }
0x70: {  	s14 =	sand.u32 $0x7E00, s14  }
0x71: {  	s15 =	sand.u32 $0x70, s12;
	s14 =	sshrl.u32 s14, $0x2  }
0x72: {  	s14 =	sor.u32 s15, s14  }
0x73: {  	s12 =	sadd.s32 $0x0, s2  }
0x74: {  	p0 =	sgt.u32 s12, $0xF9  }
0x75: {  	[tilespmem:s14+$0x4080] =	vst v0;
	s12 =	simm.s32 @!p0 $0x4080;
	s15 =	simm.s32 @!p0 $0x1  }
0x76: {  	[spmem:s5] =	stream.linear.scatter @!p0 [tilespmem:s12], [sflag:$0x1], $0x1400, $0x38;
	[tilespmem:$0x18D00] =	vst v63  }
0x77: {  	s13 =	simm.s32 $0x10;
	_ =	swait.ge @!p0 [sflag:s15], $0x1400  }
0x78: {  	s14 =	simm.s32 $0x20;
	s12 =	sadd.s32 $0x14000, s5;
	[sflag:s15] =	ssyncset.done @!p0 $0x0  }
.LBB2_12:
0x79: {  	s16 =	sadd.s32 s13, s2;
	s13 =	smov.u32 s14;
	s14 =	sadd.s32 $0x10, s14  }
0x7a: {  	[sflag:s15] =	ssyncadd.s32 @!p0 $0xFFFFEC00;
	p1 =	sne.s32 s14, $0x100  }
.Ltmp5:
0x7b: {  	p0 =	sgt.u32 s16, $0xF9;
	(pc) =	sbr.rel @p1 .LBB2_12-.Ltmp5, $4  }
0x7c: {  	s16 =	simm.s32 @!p0 $0x4080;
	s15 =	simm.s32 @!p0 $0x1  }
0x7d: {  	[spmem:s12] =	stream.linear.scatter @!p0 [tilespmem:s16], [sflag:$0x1], $0x1400, $0x38;
	[tilespmem:$0x18D00] =	vst v63  }
0x7e: {  	_ =	swait.ge @!p0 [sflag:s15], $0x1400  }
0x7f: {  	s12 =	sadd.s32 $0x14000, s12;
	[sflag:s15] =	ssyncset.done @!p0 $0x0  }
0x80: {  	s13 =	sadd.s32 s13, s2  }
0x81: {  	p1 =	sgt.u32 s13, $0xF9  }
0x82: {  	[sflag:s15] =	ssyncadd.s32 @!p0 $0xFFFFEC00;
	s13 =	simm.s32 @!p1 $0x4080;
	s14 =	simm.s32 @!p1 $0x1  }
0x83: {  	[spmem:s12] =	stream.linear.scatter @!p1 [tilespmem:s13], [sflag:$0x1], $0x1400, $0x38;
	[tilespmem:$0x18D00] =	vst v63  }
0x84: {  	_ =	swait.ge @!p1 [sflag:s14], $0x1400  }
0x85: {  	s30 =	sadd.s32 $0x0, s7;
	[sflag:s14] =	ssyncset.done @!p1 $0x0  }
0x86: {  	p0 =	sgt.u32 s30, $0x4E1;
	[sflag:s14] =	ssyncadd.s32 @!p1 $0xFFFFEC00  }
0x87: {  	s12 =	simm.s32 @!p0 $0x0;
	s14 =	simm.s32 @!p0 $0x2;
	[bflag:$0x0] =	sbarrier.arrive $0xFFFF  }
0x88: {  	[tilespmem:s12], [sflag:$0x2] =	stream.linear.gather @!p0 [hbm4b:s6+s12], $0x80, $0x38;
	[tilespmem:$0x18D00] =	vst v63  }
0x89: {  	_ =	swait.ge @!p0 [sflag:s14], $0x80  }
0x8a: {  	[sflag:s14] =	ssyncset.done @!p0 $0x0;
	p0 =	por p0, p0  }
0x8b: {  	[sflag:s14] =	ssyncadd.s32 @!p0 $0xFFFFFF80;
	s16 =	simm.s32 @!p0 $0x80  }
0x8c: {  	[tilespmem:s16], [sflag:$0x2] =	stream.linear.gather @!p0 [hbm4b:s10+s12], $0x4000, $0x38;
	[tilespmem:$0x18D00] =	vst v63  }
0x8d: {  	_ =	swait.ge @!p0 [sflag:s14], $0x4000  }
0x8e: {  	[sflag:s14] =	ssyncset.done @!p0 $0x0  }
0x8f: {  	s31 =	sadd.s32 $0x20, s7;
	s15 =	simm.s32 @!p0 $0x1;
	[sflag:s14] =	ssyncadd.s32 @!p0 $0xFFFFC000  }
0x90: {  	[spmem:s1] =	stream.indirect.scatter.add.f32 @!p0 [tilespmem:s16], [sflag:$0x1], $0x80, s12, s16, $0xb8;
	[tilespmem:$0x18D00] =	vst v63  }
0x91: {  	s13 =	simm.s32 $0x40;
	p1 =	sgt.u32 s31, $0x4E1;
	_ =	swait.ge @!p0 [sflag:s15], $0x4000  }
0x92: {  	s14 =	sadd.s32 $0x200, s6;
	s12 =	sadd.s32 $0x10000, s10;
	[sflag:s15] =	ssyncset.done @!p0 $0x0  }
.LBB2_14:
0x93: {  	s16 =	simm.s32 @!p1 $0x0;
	s17 =	simm.s32 @!p1 $0x2;
	[sflag:s15] =	ssyncadd.s32 @!p0 $0xFFFFC000  }
0x94: {  	[tilespmem:s16], [sflag:$0x2] =	stream.linear.gather @!p1 [hbm4b:s14+s16], $0x80, $0x38;
	[tilespmem:$0x18D00] =	vst v63  }
0x95: {  	s18 =	smov.u32 s13;
	s13 =	sadd.s32 $0x20, s13;
	_ =	swait.ge @!p1 [sflag:s17], $0x80  }
0x96: {  	p0 =	por p1, p1;
	p2 =	sne.s32 s13, $0x500;
	[sflag:s17] =	ssyncset.done @!p1 $0x0  }
0x97: {  	s19 =	simm.s32 @!p0 $0x80;
	[sflag:s17] =	ssyncadd.s32 @!p0 $0xFFFFFF80  }
0x98: {  	[tilespmem:s19], [sflag:$0x2] =	stream.linear.gather @!p0 [hbm4b:s12+s16], $0x4000, $0x38;
	[tilespmem:$0x18D00] =	vst v63  }
0x99: {  	_ =	swait.ge @!p0 [sflag:s17], $0x4000  }
.Ltmp6:
0x9a: {  	[sflag:s17] =	ssyncset.done @!p0 $0x0;
	(pc) =	sbr.rel @p2 .LBB2_14-.Ltmp6, $4  }
0x9b: {  	s15 =	simm.s32 @!p0 $0x1;
	[sflag:s17] =	ssyncadd.s32 @!p0 $0xFFFFC000  }
0x9c: {  	[spmem:s1] =	stream.indirect.scatter.add.f32 @!p0 [tilespmem:s19], [sflag:$0x1], $0x80, s16, s19, $0xb8;
	[tilespmem:$0x18D00] =	vst v63  }
0x9d: {  	s12 =	sadd.s32 $0x10000, s12;
	s16 =	sadd.s32 s18, s7;
	_ =	swait.ge @!p0 [sflag:s15], $0x4000  }
0x9e: {  	s14 =	sadd.s32 $0x200, s14;
	p1 =	sgt.u32 s16, $0x4E1;
	[sflag:s15] =	ssyncset.done @!p0 $0x0  }
0x9f: {  	s13 =	simm.s32 @!p1 $0x0;
	s16 =	simm.s32 @!p1 $0x2;
	[sflag:s15] =	ssyncadd.s32 @!p0 $0xFFFFC000  }
0xa0: {  	[tilespmem:s13], [sflag:$0x2] =	stream.linear.gather @!p1 [hbm4b:s14+s13], $0x80, $0x38;
	[tilespmem:$0x18D00] =	vst v63  }
0xa1: {  	_ =	swait.ge @!p1 [sflag:s16], $0x80  }
0xa2: {  	p0 =	por p1, p1;
	[sflag:s16] =	ssyncset.done @!p1 $0x0  }
0xa3: {  	s14 =	simm.s32 @!p0 $0x80;
	[sflag:s16] =	ssyncadd.s32 @!p0 $0xFFFFFF80  }
0xa4: {  	[tilespmem:s14], [sflag:$0x2] =	stream.linear.gather @!p0 [hbm4b:s12+s13], $0x4000, $0x38;
	[tilespmem:$0x18D00] =	vst v63  }
0xa5: {  	_ =	swait.ge @!p0 [sflag:s16], $0x4000  }
0xa6: {  	[sflag:s16] =	ssyncset.done @!p0 $0x0  }
0xa7: {  	s12 =	simm.s32 @!p0 $0x1;
	[sflag:s16] =	ssyncadd.s32 @!p0 $0xFFFFC000  }
0xa8: {  	[spmem:s1] =	stream.indirect.scatter.add.f32 @!p0 [tilespmem:s14], [sflag:$0x1], $0x80, s13, s14, $0xb8;
	[tilespmem:$0x18D00] =	vst v63  }
0xa9: {  	_ =	swait.ge @!p0 [sflag:s12], $0x4000  }
0xaa: {  	[sflag:s12] =	ssyncset.done @!p0 $0x0  }
0xab: {  	s30 =	sadd.s32 $0x0, s2;
	[sflag:s12] =	ssyncadd.s32 @!p0 $0xFFFFC000  }
0xac: {  	p0 =	sgt.u32 s30, $0xF9;
	[bflag:$0x0] =	sbarrier.arrive $0xFFFF  }
0xad: {  	s12 =	simm.s32 @!p0 $0x4080;
	s14 =	simm.s32 @!p0 $0x2;
	p0 =	por p0, p0  }
0xae: {  	[tilespmem:s12], [sflag:$0x2] =	stream.linear.gather @!p0 [spmem:s5], $0x1400, $0x38;
	[tilespmem:$0x18D00] =	vst v63  }
0xaf: {  	_ =	swait.ge @!p0 [sflag:s14], $0x1400  }
0xb0: {  	s31 =	sadd.s32 $0x10, s2;
	[sflag:s14] =	ssyncset.done @!p0 $0x0  }
0xb1: {  	s15 =	simm.s32 @!p0 $0x1;
	[sflag:s14] =	ssyncadd.s32 @!p0 $0xFFFFEC00;
	s14 =	simm.s32 @!p0 $0x0  }
0xb2: {  	[hbm4b:s11+s14] =	stream.linear.scatter @!p0 [tilespmem:s12], [sflag:$0x1], $0x1400, $0x38;
	[tilespmem:$0x18D00] =	vst v63  }
0xb3: {  	p1 =	sgt.u32 s31, $0xF9;
	s13 =	simm.s32 $0x20;
	_ =	swait.ge @!p0 [sflag:s15], $0x1400  }
0xb4: {  	s12 =	sadd.s32 $0x2800, s11;
	s14 =	sadd.s32 $0x14000, s5;
	[sflag:s15] =	ssyncset.done @!p0 $0x0  }
.LBB2_16:
0xb5: {  	s16 =	simm.s32 @!p1 $0x4080;
	s17 =	simm.s32 @!p1 $0x2;
	[sflag:s15] =	ssyncadd.s32 @!p0 $0xFFFFEC00  }
0xb6: {  	s18 =	smov.u32 s13;
	p0 =	por p1, p1;
	s13 =	sadd.s32 $0x10, s13  }
0xb7: {  	[tilespmem:s16], [sflag:$0x2] =	stream.linear.gather @!p0 [spmem:s14], $0x1400, $0x38;
	[tilespmem:$0x18D00] =	vst v63  }
0xb8: {  	p2 =	sne.s32 s13, $0x100;
	_ =	swait.ge @!p0 [sflag:s17], $0x1400  }
.Ltmp7:
0xb9: {  	[sflag:s17] =	ssyncset.done @!p0 $0x0;
	(pc) =	sbr.rel @p2 .LBB2_16-.Ltmp7, $4  }
0xba: {  	s15 =	simm.s32 @!p0 $0x1;
	[sflag:s17] =	ssyncadd.s32 @!p0 $0xFFFFEC00;
	s17 =	simm.s32 @!p0 $0x0  }
0xbb: {  	[hbm4b:s12+s17] =	stream.linear.scatter @!p0 [tilespmem:s16], [sflag:$0x1], $0x1400, $0x38;
	[tilespmem:$0x18D00] =	vst v63  }
0xbc: {  	s16 =	sadd.s32 s18, s2;
	s12 =	sadd.s32 $0x2800, s12;
	_ =	swait.ge @!p0 [sflag:s15], $0x1400  }
0xbd: {  	s14 =	sadd.s32 $0x14000, s14;
	p1 =	sgt.u32 s16, $0xF9;
	[sflag:s15] =	ssyncset.done @!p0 $0x0  }
0xbe: {  	s13 =	simm.s32 @!p1 $0x4080  }
0xbf: {  	s16 =	simm.s32 @!p1 $0x2;
	[sflag:s15] =	ssyncadd.s32 @!p0 $0xFFFFEC00;
	p0 =	por p1, p1  }
0xc0: {  	[tilespmem:s13], [sflag:$0x2] =	stream.linear.gather @!p0 [spmem:s14], $0x1400, $0x38;
	[tilespmem:$0x18D00] =	vst v63  }
0xc1: {  	_ =	swait.ge @!p0 [sflag:s16], $0x1400  }
0xc2: {  	[sflag:s16] =	ssyncset.done @!p0 $0x0  }
0xc3: {  	s14 =	simm.s32 @!p0 $0x0;
	s15 =	simm.s32 @!p0 $0x1;
	[sflag:s16] =	ssyncadd.s32 @!p0 $0xFFFFEC00  }
0xc4: {  	[hbm4b:s12+s14] =	stream.linear.scatter @!p0 [tilespmem:s13], [sflag:$0x1], $0x1400, $0x38;
	[tilespmem:$0x18D00] =	vst v63  }
0xc5: {  	_ =	swait.ge @!p0 [sflag:s15], $0x1400  }
0xc6: {  	s3 =	sadd.s32 $0x1, s3;
	[sflag:s15] =	ssyncset.done @!p0 $0x0  }
0xc7: {  	[sflag:s15] =	ssyncadd.s32 @!p0 $0xFFFFEC00;
	p0 =	sne.s32 s3, s4  }
.Ltmp8:
0xc8: {  	_ = 	snop;
	(pc) =	sbr.rel @p0 .LBB2_1-.Ltmp8, $2  }
0xc9: {  	_ =	sdelay $0x1  }
0xca: {  	[bflag:$0x0] =	sbarrier.arrive $0xFFFF;
	_ =	sdelay $0x1  }
0xcb: {  	_ =	sfence.sel $0x180000  }
0xcc: {  	[bflag:$0x0] =	sbarrier.arrive $0xFFFF  }
0xcd: {  	p0 =	sne.s32 s2, $0x0;
	_ =	strace $0x90000050  }
0xce: {  	s0 =	sadd.s32 @!p0 $0x100000, s0;
	[bflag:$0x2] =	sbarrier.arrive $0xFFFF  }
0xcf: {  	[sflag:s0] =	ssyncadd.tile.s32 @!p0 $0x1;
	_ =	shalt  }
.Lfunc_end2:
_tile_overlayer_lowered:
.L_overlay_start_2:
0xd0: {  	(tag) =	ssettag $0x2  }
0xd1: {  	s0 =	rddreg [dreg:$0x0];
	s2 =	stileid.u32  }
0xd2: {  	s1 =	rddreg [dreg:$0x1];
	p0 =	sne.s32 s2, $0x0  }
0xd3: {  	s3 =	rddreg [dreg:$0x2];
	[bflag:$0x3] =	sbarrier.arrive $0xFFFF;
	s2 =	simm.s32 @!p0 $0x1C01  }
0xd4: {  	[timem:s3], [sflag:s2] =	dma.local @!p0 [hbm:s0], s1  }
0xd5: {  	s0 =	simm.s32 @!p0 $0x1  }
0xd6: {  	_ =	swait.ge @!p0 [sflag:s0], s1  }
0xd7: {  	s1 =	ssub.s32 @!p0 $0x0, s1;
	[sflag:s0] =	ssyncset.done @!p0 $0x0  }
0xd8: {  	[sflag:s0] =	ssyncadd.s32 @!p0 s1  }
0xd9: {  	[bflag:$0x3] =	sbarrier.arrive $0xFFFF  }
0xda: {  	_ =	shalt  }

</sc_bundles>
